<compile_context>
chip_gen: v7x
topology: tpu7x:2x2x1
jax: 0.10.2.dev20260603
libtpu: 0.0.44.dev20260713+nightly
codegen_flags: <defaults>
</compile_context>

<pallas_src>
import jax
import jax.numpy as jnp
from jax import lax
from jax.experimental import pallas as pl
from jax.experimental.pallas import tpu as pltpu
from jax.experimental.pallas import tpu_sc as plsc

_NUM_SEG = 10000
_N_ROWS = 320000
_D = 128
_NC = 2
_NS = 16
_HALF = _D // _NC
_CHUNK = 128
_NBUF = 2
_MAIN_CHUNKS = 156
_ROWS_PER_TILE = _MAIN_CHUNKS * _CHUNK
_TAIL_BASE = _ROWS_PER_TILE * _NS
_TAIL_CHUNKS = (_N_ROWS - _TAIL_BASE) // _CHUNK
_SEG_PER_TILE = _NUM_SEG // _NS
_ZSTEP = _SEG_PER_TILE // 5


def _sc_body(data_hbm, seg_hbm, sums_out, sqs_out, cnt0_out, cnt1_out,
             ids2_v, idsh_v, rows_v, sq_v, ones_v,
             sums_acc, sqs_acc, cnt_acc,
             ld0, ld1, sum0, sum1, sq0, sq1):
    c = lax.axis_index("c")
    s = lax.axis_index("s")
    col0 = c * _HALF
    ld_sems = [ld0, ld1]
    sum_sems = [sum0, sum1]
    sq_sems = [sq0, sq1]

    zeros16 = jnp.zeros((16,), jnp.float32)
    ones16 = jnp.ones((16,), jnp.float32)

    def _zfill(i, carry):
        for j in range(_HALF // 16):
            sq_v[0, i, pl.ds(j * 16, 16)] = zeros16
        return carry

    lax.fori_loop(0, _ZSTEP, _zfill, 0)

    def _ofill(i, carry):
        ones_v[i, :] = ones16
        return carry

    lax.fori_loop(0, _CHUNK // 2, _ofill, 0)

    r0 = s * _SEG_PER_TILE
    zrow = sq_v.at[0, pl.ds(0, _ZSTEP)]
    zcnt = sq_v.at[0, pl.ds(0, _ZSTEP), pl.ds(0, 16)]
    for k in range(5):
        sl = pl.ds(r0 + k * _ZSTEP, _ZSTEP)
        pltpu.sync_copy(zrow, sums_acc.at[sl])
        pltpu.sync_copy(zrow, sqs_acc.at[sl])
        pltpu.sync_copy(zcnt, cnt_acc.at[sl])

    plsc.subcore_barrier()

    def _issue(chunk_idx, b):
        row0 = s * _ROWS_PER_TILE + chunk_idx * _CHUNK
        slot2 = lax.rem(chunk_idx, 4)
        pltpu.async_copy(seg_hbm.at[pl.ds(row0, _CHUNK)], ids2_v.at[slot2],
                         ld_sems[b])
        pltpu.async_copy(seg_hbm.at[pl.ds(row0 + c * (_CHUNK // 2),
                                          _CHUNK // 2)],
                         idsh_v.at[b], ld_sems[b])
        pltpu.async_copy(
            data_hbm.at[pl.ds(row0, _CHUNK), pl.ds(col0, _HALF)],
            rows_v.at[b], ld_sems[b])

    def _wait_load(b):
        pltpu.make_async_copy(
            seg_hbm.at[pl.ds(0, _CHUNK)], ids2_v.at[0], ld_sems[b]).wait()
        pltpu.make_async_copy(
            seg_hbm.at[pl.ds(0, _CHUNK // 2)], idsh_v.at[b],
            ld_sems[b]).wait()
        pltpu.make_async_copy(
            data_hbm.at[pl.ds(0, _CHUNK), pl.ds(0, _HALF)],
            rows_v.at[b], ld_sems[b]).wait()

    def _square(b):
        def _sq(i, cc):
            for u in range(4):
                r = i * 4 + u
                for jj in range(_HALF // 16):
                    v = rows_v[b, r, pl.ds(jj * 16, 16)]
                    sq_v[b, r, pl.ds(jj * 16, 16)] = v * v
            return cc

        lax.fori_loop(0, _CHUNK // 4, _sq, 0)

    def _drain_sums(b):
        pltpu.make_async_copy(rows_v.at[b], sums_acc.at[ids2_v.at[0]],
                              sum_sems[b]).wait()
        pltpu.make_async_copy(ones_v, cnt_acc.at[idsh_v.at[b]],
                              sum_sems[b]).wait()

    def _drain_sq(b):
        pltpu.make_async_copy(sq_v.at[b], sqs_acc.at[ids2_v.at[0]],
                              sq_sems[b]).wait()

    _issue(0, 0)

    def _outer(jo, carry):
        for b in range(_NBUF):
            j = jo * _NBUF + b
            pf = j + 1
            bpf = b ^ 1

            @pl.when(pf < _MAIN_CHUNKS)
            def _():
                @pl.when(j >= 1)
                def _():
                    _drain_sums(bpf)

                _issue(pf, bpf)

            _wait_load(b)
            pltpu.async_copy(rows_v.at[b],
                             sums_acc.at[ids2_v.at[lax.rem(j, 4)]],
                             sum_sems[b], add=True)
            pltpu.async_copy(ones_v, cnt_acc.at[idsh_v.at[b]], sum_sems[b],
                             add=True)

            @pl.when(j >= 2)
            def _():
                _drain_sq(b)

            _square(b)
            pltpu.async_copy(sq_v.at[b], sqs_acc.at[ids2_v.at[lax.rem(j, 4)]],
                             sq_sems[b], add=True)
        return carry

    lax.fori_loop(0, _MAIN_CHUNKS // _NBUF, _outer, 0)

    _drain_sums(0)
    _drain_sums(1)
    _drain_sq(0)
    _drain_sq(1)

    @pl.when(s < _TAIL_CHUNKS)
    def _():
        row0 = _TAIL_BASE + s * _CHUNK
        pltpu.sync_copy(seg_hbm.at[pl.ds(row0, _CHUNK)], ids2_v.at[0])
        pltpu.sync_copy(seg_hbm.at[pl.ds(row0 + c * (_CHUNK // 2),
                                         _CHUNK // 2)], idsh_v.at[0])
        pltpu.sync_copy(
            data_hbm.at[pl.ds(row0, _CHUNK), pl.ds(col0, _HALF)],
            rows_v.at[0])
        _square(0)
        pltpu.sync_copy(rows_v.at[0], sums_acc.at[ids2_v.at[0]], add=True)
        pltpu.sync_copy(sq_v.at[0], sqs_acc.at[ids2_v.at[0]], add=True)

    @pl.when(s < _TAIL_CHUNKS)
    def _():
        pltpu.sync_copy(ones_v, cnt_acc.at[idsh_v.at[0]], add=True)

    plsc.subcore_barrier()

    out_sl = pl.ds(r0, _SEG_PER_TILE)
    pltpu.sync_copy(sums_acc.at[out_sl],
                    sums_out.at[out_sl, pl.ds(col0, _HALF)])
    pltpu.sync_copy(sqs_acc.at[out_sl],
                    sqs_out.at[out_sl, pl.ds(col0, _HALF)])

    @pl.when(c == 0)
    def _():
        pltpu.sync_copy(cnt_acc.at[out_sl], cnt0_out.at[out_sl])

    @pl.when(c == 1)
    def _():
        pltpu.sync_copy(cnt_acc.at[out_sl], cnt1_out.at[out_sl])


_sc_accumulate = pl.kernel(
    _sc_body,
    out_type=(
        jax.ShapeDtypeStruct((_NUM_SEG, _D), jnp.float32),
        jax.ShapeDtypeStruct((_NUM_SEG, _D), jnp.float32),
        jax.ShapeDtypeStruct((_NUM_SEG, 16), jnp.float32),
        jax.ShapeDtypeStruct((_NUM_SEG, 16), jnp.float32),
    ),
    mesh=plsc.VectorSubcoreMesh(core_axis_name="c", subcore_axis_name="s"),
    compiler_params=pltpu.CompilerParams(use_tc_tiling_on_sc=False),
    scratch_types=[
        pltpu.VMEM((4, _CHUNK), jnp.int32),
        pltpu.VMEM((_NBUF, _CHUNK // 2), jnp.int32),
        pltpu.VMEM((_NBUF, _CHUNK, _HALF), jnp.float32),
        pltpu.VMEM((_NBUF, _CHUNK, _HALF), jnp.float32),
        pltpu.VMEM((_CHUNK // 2, 16), jnp.float32),
        pltpu.VMEM_SHARED((_NUM_SEG, _HALF), jnp.float32),
        pltpu.VMEM_SHARED((_NUM_SEG, _HALF), jnp.float32),
        pltpu.VMEM_SHARED((_NUM_SEG, 16), jnp.float32),
        pltpu.SemaphoreType.DMA,
        pltpu.SemaphoreType.DMA,
        pltpu.SemaphoreType.DMA,
        pltpu.SemaphoreType.DMA,
        pltpu.SemaphoreType.DMA,
        pltpu.SemaphoreType.DMA,
    ],
)


def _fin_body(sums_ref, sqs_ref, cnt0_ref, cnt1_ref, out_ref):
    cnt = cnt0_ref[:, 0:1] + cnt1_ref[:, 0:1]
    safe = jnp.maximum(cnt, 1.0)
    mean = sums_ref[...] / safe
    var = (sqs_ref[...] - cnt * mean * mean) / jnp.maximum(cnt - 1.0, 1.0)
    var = jnp.maximum(var, 0.0)
    sem = jnp.sqrt(var / safe + 1e-12)
    out_ref[:, : _D] = mean
    out_ref[:, _D:] = sem


_FIN_ROWS = 1000

_finalize = pl.pallas_call(
    _fin_body,
    grid=(_NUM_SEG // _FIN_ROWS,),
    in_specs=[
        pl.BlockSpec((_FIN_ROWS, _D), lambda i: (i, 0)),
        pl.BlockSpec((_FIN_ROWS, _D), lambda i: (i, 0)),
        pl.BlockSpec((_FIN_ROWS, 16), lambda i: (i, 0)),
        pl.BlockSpec((_FIN_ROWS, 16), lambda i: (i, 0)),
    ],
    out_specs=pl.BlockSpec((_FIN_ROWS, 2 * _D), lambda i: (i, 0)),
    out_shape=jax.ShapeDtypeStruct((_NUM_SEG, 2 * _D), jnp.float32),
)


def kernel(data, segment_ids):
    seg = segment_ids.astype(jnp.int32)
    sums, sqs, cnt0, cnt1 = _sc_accumulate(data, seg)
    return _finalize(sums, sqs, cnt0, cnt1)

# --- scband reference (transcript-rebuilt; emitter-appended) ---
"""Pipeline reference for scband-tensor-data-frame-analysis-13623636263174 (READ-ONLY COPY).

The authoritative reference and input builder live on the scoring server;
editing this copy changes nothing except your own understanding.
"""

import jax, jax.numpy as jnp
import numpy as np

NUM_SEGMENTS = 10000
N_ROWS = 320000
D = 128

def setup_inputs(seed: int = 0) -> dict:
    key = jax.random.key(seed)
    k1, k2 = jax.random.split(key)
    data = jax.random.normal(k1, (N_ROWS, D), dtype=jnp.float32)
    segment_ids = jnp.sort(jax.random.randint(k2, (N_ROWS,), 0, NUM_SEGMENTS)).astype(jnp.int64)
    return {"data": data, "segment_ids": segment_ids}

def reference(data, segment_ids):
    # Faithful core of TensorDataFrameAnalysis.forward with estimator='mean' and sem enabled:
    # groupby(segment_ids).agg(value=mean, value_se=sem)
    seg = segment_ids.astype(jnp.int32)
    ones = jnp.ones((data.shape[0],), dtype=data.dtype)
    counts = jax.ops.segment_sum(ones, seg, num_segments=NUM_SEGMENTS)
    sums = jax.ops.segment_sum(data, seg, num_segments=NUM_SEGMENTS)
    sqs = jax.ops.segment_sum(data * data, seg, num_segments=NUM_SEGMENTS)
    cnt = counts[:, None]
    safe_cnt = jnp.maximum(cnt, 1.0)
    mean = sums / safe_cnt
    # pandas-style sem with ddof=1: std / sqrt(n)
    var = (sqs - cnt * mean * mean) / jnp.maximum(cnt - 1.0, 1.0)
    var = jnp.maximum(var, 0.0)
    sem = jnp.sqrt(var / safe_cnt + 1e-12)
    # columns [y, y_se] concatenated (DataFrame with y and f'{y}_se' columns)
    return jnp.concatenate([mean, sem], axis=-1)

if __name__ == "__main__":
    import jax
    _d = setup_inputs()
    print(jax.jit(kernel)(*tuple(_d.values())))

</pallas_src>

<mosaic_0001>
#map = affine_map<(d0, d1) -> (0, 0)>
#map1 = affine_map<(d0, d1) -> (0)>
module attributes {stable_mosaic.version = 14 : i64} {
  func.func @_sc_body(%arg0: i32, %arg1: i32, %arg2: memref<320000x128xf32, #tpu.memory_space<hbm>>, %arg3: memref<320000xi32, #tpu.memory_space<hbm>>, %arg4: memref<10000x128xf32, #tpu.memory_space<hbm>>, %arg5: memref<10000x128xf32, #tpu.memory_space<hbm>>, %arg6: memref<10000x16xf32, #tpu.memory_space<hbm>>, %arg7: memref<10000x16xf32, #tpu.memory_space<hbm>>, %arg8: memref<4x128xi32, #tpu.memory_space<vmem>>, %arg9: memref<2x64xi32, #tpu.memory_space<vmem>>, %arg10: memref<2x128x64xf32, #tpu.memory_space<vmem>>, %arg11: memref<2x128x64xf32, #tpu.memory_space<vmem>>, %arg12: memref<64x16xf32, #tpu.memory_space<vmem>>, %arg13: memref<10000x64xf32, #tpu.memory_space<vmem_shared>>, %arg14: memref<10000x64xf32, #tpu.memory_space<vmem_shared>>, %arg15: memref<10000x16xf32, #tpu.memory_space<vmem_shared>>, %arg16: memref<!tpu.dma_semaphore, #tpu.memory_space<semaphore_mem>>, %arg17: memref<!tpu.dma_semaphore, #tpu.memory_space<semaphore_mem>>, %arg18: memref<!tpu.dma_semaphore, #tpu.memory_space<semaphore_mem>>, %arg19: memref<!tpu.dma_semaphore, #tpu.memory_space<semaphore_mem>>, %arg20: memref<!tpu.dma_semaphore, #tpu.memory_space<semaphore_mem>>, %arg21: memref<!tpu.dma_semaphore, #tpu.memory_space<semaphore_mem>>) attributes {dimension_semantics = [#tpu.dimension_semantics<core_parallel>, #tpu.dimension_semantics<subcore_parallel>], iteration_bounds = array<i64: 2, 16>, scalar_prefetch = 0 : i64, scratch_operands = 14 : i64, tpu.core_type = #tpu.core_type<sc_vector_subcore>, window_params = [{transform_indices = #map}, {transform_indices = #map1}, {transform_indices = #map}, {transform_indices = #map}, {transform_indices = #map}, {transform_indices = #map}]} {
    %mul3A = arith.constant 64 : i32
    %mul3A_0 = arith.muli %arg0, %mul3A : i32
    %broadcast_in_dim3A = arith.constant 0.000000e+00 : f32
    %broadcast_in_dim3A_1 = vector.broadcast %broadcast_in_dim3A : f32 to vector<16xf32>
    %broadcast_in_dim3A_2 = arith.constant 1.000000e+00 : f32
    %broadcast_in_dim3A_3 = vector.broadcast %broadcast_in_dim3A_2 : f32 to vector<16xf32>
    %scan3A = arith.constant 0 : i32
    %scan3A_4 = arith.constant 0 : i32
    %scan3A_5 = arith.constant 125 : i32
    %scan3A_6 = arith.addi %scan3A_4, %scan3A_5 : i32
    %scan3A_7 = arith.constant 1 : i32
    scf.for %scan3A_160 = %scan3A_4 to %scan3A_6 step %scan3A_7  : i32 {
      %swap3A = arith.constant 0 : i32
      %swap3A_161 = arith.index_cast %swap3A : i32 to index
      %swap3A_162 = arith.index_cast %scan3A_160 : i32 to index
      %swap3A_163 = arith.constant 0 : index
      %swap3A_164 = tpu.vector_load %arg11[%swap3A_161, %swap3A_162, %swap3A_163] {strides = array<i32>} : memref<2x128x64xf32, #tpu.memory_space<vmem>>, vector<1x1x16xf32>,
      %swap3A_165 = vector.shape_cast %swap3A_164 : vector<1x1x16xf32> to vector<16xf32>
      %swap3A_166 = vector.shape_cast %broadcast_in_dim3A_1 : vector<16xf32> to vector<1x1x16xf32>
      tpu.vector_store %arg11[%swap3A_161, %swap3A_162, %swap3A_163], %swap3A_166 {strides = array<i32>} : memref<2x128x64xf32, #tpu.memory_space<vmem>>, vector<1x1x16xf32>,
      %swap3A_167 = arith.constant 0 : i32
      %swap3A_168 = arith.index_cast %swap3A_167 : i32 to index
      %swap3A_169 = arith.index_cast %scan3A_160 : i32 to index
      %swap3A_170 = arith.constant 16 : index
      %swap3A_171 = tpu.vector_load %arg11[%swap3A_168, %swap3A_169, %swap3A_170] {strides = array<i32>} : memref<2x128x64xf32, #tpu.memory_space<vmem>>, vector<1x1x16xf32>,
      %swap3A_172 = vector.shape_cast %swap3A_171 : vector<1x1x16xf32> to vector<16xf32>
      %swap3A_173 = vector.shape_cast %broadcast_in_dim3A_1 : vector<16xf32> to vector<1x1x16xf32>
      tpu.vector_store %arg11[%swap3A_168, %swap3A_169, %swap3A_170], %swap3A_173 {strides = array<i32>} : memref<2x128x64xf32, #tpu.memory_space<vmem>>, vector<1x1x16xf32>,
      %swap3A_174 = arith.constant 0 : i32
      %swap3A_175 = arith.index_cast %swap3A_174 : i32 to index
      %swap3A_176 = arith.index_cast %scan3A_160 : i32 to index
      %swap3A_177 = arith.constant 32 : index
      %swap3A_178 = tpu.vector_load %arg11[%swap3A_175, %swap3A_176, %swap3A_177] {strides = array<i32>} : memref<2x128x64xf32, #tpu.memory_space<vmem>>, vector<1x1x16xf32>,
      %swap3A_179 = vector.shape_cast %swap3A_178 : vector<1x1x16xf32> to vector<16xf32>
      %swap3A_180 = vector.shape_cast %broadcast_in_dim3A_1 : vector<16xf32> to vector<1x1x16xf32>
      tpu.vector_store %arg11[%swap3A_175, %swap3A_176, %swap3A_177], %swap3A_180 {strides = array<i32>} : memref<2x128x64xf32, #tpu.memory_space<vmem>>, vector<1x1x16xf32>,
      %swap3A_181 = arith.constant 0 : i32
      %swap3A_182 = arith.index_cast %swap3A_181 : i32 to index
      %swap3A_183 = arith.index_cast %scan3A_160 : i32 to index
      %swap3A_184 = arith.constant 48 : index
      %swap3A_185 = tpu.vector_load %arg11[%swap3A_182, %swap3A_183, %swap3A_184] {strides = array<i32>} : memref<2x128x64xf32, #tpu.memory_space<vmem>>, vector<1x1x16xf32>,
      %swap3A_186 = vector.shape_cast %swap3A_185 : vector<1x1x16xf32> to vector<16xf32>
      %swap3A_187 = vector.shape_cast %broadcast_in_dim3A_1 : vector<16xf32> to vector<1x1x16xf32>
      tpu.vector_store %arg11[%swap3A_182, %swap3A_183, %swap3A_184], %swap3A_187 {strides = array<i32>} : memref<2x128x64xf32, #tpu.memory_space<vmem>>, vector<1x1x16xf32>,
    }
    %scan3A_8 = arith.constant 125 : i32
    %scan3A_9 = arith.constant 0 : i32
    %scan3A_10 = arith.constant 0 : i32
    %scan3A_11 = arith.constant 64 : i32
    %scan3A_12 = arith.addi %scan3A_10, %scan3A_11 : i32
    %scan3A_13 = arith.constant 1 : i32
    scf.for %scan3A_160 = %scan3A_10 to %scan3A_12 step %scan3A_13  : i32 {
      %swap3A = arith.index_cast %scan3A_160 : i32 to index
      %swap3A_161 = arith.constant 0 : index
      %swap3A_162 = tpu.vector_load %arg12[%swap3A, %swap3A_161] {strides = array<i32>} : memref<64x16xf32, #tpu.memory_space<vmem>>, vector<1x16xf32>,
      %swap3A_163 = vector.shape_cast %swap3A_162 : vector<1x16xf32> to vector<16xf32>
      %swap3A_164 = vector.shape_cast %broadcast_in_dim3A_3 : vector<16xf32> to vector<1x16xf32>
      tpu.vector_store %arg12[%swap3A, %swap3A_161], %swap3A_164 {strides = array<i32>} : memref<64x16xf32, #tpu.memory_space<vmem>>, vector<1x16xf32>,
    }
    %scan3A_14 = arith.constant 64 : i32
    %mul3A_15 = arith.constant 625 : i32
    %mul3A_16 = arith.muli %arg1, %mul3A_15 : i32
    %add3A = arith.constant 0 : i32
    %add3A_17 = arith.addi %mul3A_16, %add3A : i32
    %run_scoped3A = arith.constant 0 : i32
    "tpu.region"() ({
      %run_scoped3A_160 = tpu.sem_alloc : memref<!tpu.dma_semaphore, #tpu.memory_space<semaphore_mem>>
      %dma_start3A_161 = arith.constant 0 : i32
      %dma_start3A_162 = arith.constant 0 : i32
      %dma_start3A_163 = tpu.memref_slice %arg11[%run_scoped3A, %dma_start3A_161, %dma_start3A_162] : memref<2x128x64xf32, #tpu.memory_space<vmem>> -> memref<1x125x64xf32, #tpu.memory_space<vmem>>
      %dma_start3A_164 = tpu.memref_squeeze %dma_start3A_163 : memref<1x125x64xf32, #tpu.memory_space<vmem>> -> memref<125x64xf32, #tpu.memory_space<vmem>>
      %dma_start3A_165 = arith.constant 0 : i32
      %dma_start3A_166 = tpu.memref_slice %arg13[%add3A_17, %dma_start3A_165] : memref<10000x64xf32, #tpu.memory_space<vmem_shared>> -> memref<125x64xf32, #tpu.memory_space<vmem_shared>>
      %dma_start3A_167 = arith.constant 0 : i32
      %dma_start3A_168 = tpu.memref_slice %arg13[%add3A_17, %dma_start3A_167] : memref<10000x64xf32, #tpu.memory_space<vmem_shared>> -> memref<125x64xf32, #tpu.memory_space<vmem_shared>>
      %dma_start3A_169 = arith.constant 0 : i32
      %dma_start3A_170 = arith.constant 0 : i32
      %dma_start3A_171 = tpu.memref_slice %arg11[%run_scoped3A, %dma_start3A_169, %dma_start3A_170] : memref<2x128x64xf32, #tpu.memory_space<vmem>> -> memref<1x125x64xf32, #tpu.memory_space<vmem>>
      %dma_start3A_172 = tpu.memref_squeeze %dma_start3A_171 : memref<1x125x64xf32, #tpu.memory_space<vmem>> -> memref<125x64xf32, #tpu.memory_space<vmem>>
      tpu.enqueue_dma source(%dma_start3A_172 : memref<125x64xf32, #tpu.memory_space<vmem>>) target(%dma_start3A_168 : memref<125x64xf32, #tpu.memory_space<vmem_shared>>) target_semaphore(%run_scoped3A_160 : memref<!tpu.dma_semaphore, #tpu.memory_space<semaphore_mem>>)
      %dma_wait3A_173 = arith.constant 0 : i32
      %dma_wait3A_174 = arith.constant 0 : i32
      %dma_wait3A_175 = tpu.memref_slice %arg11[%run_scoped3A, %dma_wait3A_173, %dma_wait3A_174] : memref<2x128x64xf32, #tpu.memory_space<vmem>> -> memref<1x125x64xf32, #tpu.memory_space<vmem>>
      %dma_wait3A_176 = tpu.memref_squeeze %dma_wait3A_175 : memref<1x125x64xf32, #tpu.memory_space<vmem>> -> memref<125x64xf32, #tpu.memory_space<vmem>>
      %dma_wait3A_177 = arith.constant 0 : i32
      %dma_wait3A_178 = tpu.memref_slice %arg13[%add3A_17, %dma_wait3A_177] : memref<10000x64xf32, #tpu.memory_space<vmem_shared>> -> memref<125x64xf32, #tpu.memory_space<vmem_shared>>
      %dma_wait3A_179 = arith.constant 0 : i32
      %dma_wait3A_180 = tpu.memref_slice %arg13[%add3A_17, %dma_wait3A_179] : memref<10000x64xf32, #tpu.memory_space<vmem_shared>> -> memref<125x64xf32, #tpu.memory_space<vmem_shared>>
      %dma_wait3A_181 = arith.constant 0 : i32
      %dma_wait3A_182 = arith.constant 0 : i32
      %dma_wait3A_183 = tpu.memref_slice %arg11[%run_scoped3A, %dma_wait3A_181, %dma_wait3A_182] : memref<2x128x64xf32, #tpu.memory_space<vmem>> -> memref<1x125x64xf32, #tpu.memory_space<vmem>>
      %dma_wait3A_184 = tpu.memref_squeeze %dma_wait3A_183 : memref<1x125x64xf32, #tpu.memory_space<vmem>> -> memref<125x64xf32, #tpu.memory_space<vmem>>
      tpu.wait_dma2 semaphore(%run_scoped3A_160 : memref<!tpu.dma_semaphore, #tpu.memory_space<semaphore_mem>>) src(%dma_wait3A_184 : memref<125x64xf32, #tpu.memory_space<vmem>>) dst(%dma_wait3A_180 : memref<125x64xf32, #tpu.memory_space<vmem_shared>>)
      tpu.yield
    }) : () -> ()
    %run_scoped3A_18 = arith.constant 0 : i32
    "tpu.region"() ({
      %run_scoped3A_160 = tpu.sem_alloc : memref<!tpu.dma_semaphore, #tpu.memory_space<semaphore_mem>>
      %dma_start3A_161 = arith.constant 0 : i32
      %dma_start3A_162 = arith.constant 0 : i32
      %dma_start3A_163 = tpu.memref_slice %arg11[%run_scoped3A_18, %dma_start3A_161, %dma_start3A_162] : memref<2x128x64xf32, #tpu.memory_space<vmem>> -> memref<1x125x64xf32, #tpu.memory_space<vmem>>
      %dma_start3A_164 = tpu.memref_squeeze %dma_start3A_163 : memref<1x125x64xf32, #tpu.memory_space<vmem>> -> memref<125x64xf32, #tpu.memory_space<vmem>>
      %dma_start3A_165 = arith.constant 0 : i32
      %dma_start3A_166 = tpu.memref_slice %arg14[%add3A_17, %dma_start3A_165] : memref<10000x64xf32, #tpu.memory_space<vmem_shared>> -> memref<125x64xf32, #tpu.memory_space<vmem_shared>>
      %dma_start3A_167 = arith.constant 0 : i32
      %dma_start3A_168 = tpu.memref_slice %arg14[%add3A_17, %dma_start3A_167] : memref<10000x64xf32, #tpu.memory_space<vmem_shared>> -> memref<125x64xf32, #tpu.memory_space<vmem_shared>>
      %dma_start3A_169 = arith.constant 0 : i32
      %dma_start3A_170 = arith.constant 0 : i32
      %dma_start3A_171 = tpu.memref_slice %arg11[%run_scoped3A_18, %dma_start3A_169, %dma_start3A_170] : memref<2x128x64xf32, #tpu.memory_space<vmem>> -> memref<1x125x64xf32, #tpu.memory_space<vmem>>
      %dma_start3A_172 = tpu.memref_squeeze %dma_start3A_171 : memref<1x125x64xf32, #tpu.memory_space<vmem>> -> memref<125x64xf32, #tpu.memory_space<vmem>>
      tpu.enqueue_dma source(%dma_start3A_172 : memref<125x64xf32, #tpu.memory_space<vmem>>) target(%dma_start3A_168 : memref<125x64xf32, #tpu.memory_space<vmem_shared>>) target_semaphore(%run_scoped3A_160 : memref<!tpu.dma_semaphore, #tpu.memory_space<semaphore_mem>>)
      %dma_wait3A_173 = arith.constant 0 : i32
      %dma_wait3A_174 = arith.constant 0 : i32
      %dma_wait3A_175 = tpu.memref_slice %arg11[%run_scoped3A_18, %dma_wait3A_173, %dma_wait3A_174] : memref<2x128x64xf32, #tpu.memory_space<vmem>> -> memref<1x125x64xf32, #tpu.memory_space<vmem>>
      %dma_wait3A_176 = tpu.memref_squeeze %dma_wait3A_175 : memref<1x125x64xf32, #tpu.memory_space<vmem>> -> memref<125x64xf32, #tpu.memory_space<vmem>>
      %dma_wait3A_177 = arith.constant 0 : i32
      %dma_wait3A_178 = tpu.memref_slice %arg14[%add3A_17, %dma_wait3A_177] : memref<10000x64xf32, #tpu.memory_space<vmem_shared>> -> memref<125x64xf32, #tpu.memory_space<vmem_shared>>
      %dma_wait3A_179 = arith.constant 0 : i32
      %dma_wait3A_180 = tpu.memref_slice %arg14[%add3A_17, %dma_wait3A_179] : memref<10000x64xf32, #tpu.memory_space<vmem_shared>> -> memref<125x64xf32, #tpu.memory_space<vmem_shared>>
      %dma_wait3A_181 = arith.constant 0 : i32
      %dma_wait3A_182 = arith.constant 0 : i32
      %dma_wait3A_183 = tpu.memref_slice %arg11[%run_scoped3A_18, %dma_wait3A_181, %dma_wait3A_182] : memref<2x128x64xf32, #tpu.memory_space<vmem>> -> memref<1x125x64xf32, #tpu.memory_space<vmem>>
      %dma_wait3A_184 = tpu.memref_squeeze %dma_wait3A_183 : memref<1x125x64xf32, #tpu.memory_space<vmem>> -> memref<125x64xf32, #tpu.memory_space<vmem>>
      tpu.wait_dma2 semaphore(%run_scoped3A_160 : memref<!tpu.dma_semaphore, #tpu.memory_space<semaphore_mem>>) src(%dma_wait3A_184 : memref<125x64xf32, #tpu.memory_space<vmem>>) dst(%dma_wait3A_180 : memref<125x64xf32, #tpu.memory_space<vmem_shared>>)
      tpu.yield
    }) : () -> ()
    %run_scoped3A_19 = arith.constant 0 : i32
    "tpu.region"() ({
      %run_scoped3A_160 = tpu.sem_alloc : memref<!tpu.dma_semaphore, #tpu.memory_space<semaphore_mem>>
      %dma_start3A_161 = arith.constant 0 : i32
      %dma_start3A_162 = arith.constant 0 : i32
      %dma_start3A_163 = tpu.memref_slice %arg11[%run_scoped3A_19, %dma_start3A_161, %dma_start3A_162] : memref<2x128x64xf32, #tpu.memory_space<vmem>> -> memref<1x125x16xf32, #tpu.memory_space<vmem>>
      %dma_start3A_164 = tpu.memref_squeeze %dma_start3A_163 : memref<1x125x16xf32, #tpu.memory_space<vmem>> -> memref<125x16xf32, #tpu.memory_space<vmem>>
      %dma_start3A_165 = arith.constant 0 : i32
      %dma_start3A_166 = tpu.memref_slice %arg15[%add3A_17, %dma_start3A_165] : memref<10000x16xf32, #tpu.memory_space<vmem_shared>> -> memref<125x16xf32, #tpu.memory_space<vmem_shared>>
      %dma_start3A_167 = arith.constant 0 : i32
      %dma_start3A_168 = tpu.memref_slice %arg15[%add3A_17, %dma_start3A_167] : memref<10000x16xf32, #tpu.memory_space<vmem_shared>> -> memref<125x16xf32, #tpu.memory_space<vmem_shared>>
      %dma_start3A_169 = arith.constant 0 : i32
      %dma_start3A_170 = arith.constant 0 : i32
      %dma_start3A_171 = tpu.memref_slice %arg11[%run_scoped3A_19, %dma_start3A_169, %dma_start3A_170] : memref<2x128x64xf32, #tpu.memory_space<vmem>> -> memref<1x125x16xf32, #tpu.memory_space<vmem>>
      %dma_start3A_172 = tpu.memref_squeeze %dma_start3A_171 : memref<1x125x16xf32, #tpu.memory_space<vmem>> -> memref<125x16xf32, #tpu.memory_space<vmem>>
      tpu.enqueue_dma source(%dma_start3A_172 : memref<125x16xf32, #tpu.memory_space<vmem>>) target(%dma_start3A_168 : memref<125x16xf32, #tpu.memory_space<vmem_shared>>) target_semaphore(%run_scoped3A_160 : memref<!tpu.dma_semaphore, #tpu.memory_space<semaphore_mem>>)
      %dma_wait3A_173 = arith.constant 0 : i32
      %dma_wait3A_174 = arith.constant 0 : i32
      %dma_wait3A_175 = tpu.memref_slice %arg11[%run_scoped3A_19, %dma_wait3A_173, %dma_wait3A_174] : memref<2x128x64xf32, #tpu.memory_space<vmem>> -> memref<1x125x16xf32, #tpu.memory_space<vmem>>
      %dma_wait3A_176 = tpu.memref_squeeze %dma_wait3A_175 : memref<1x125x16xf32, #tpu.memory_space<vmem>> -> memref<125x16xf32, #tpu.memory_space<vmem>>
      %dma_wait3A_177 = arith.constant 0 : i32
      %dma_wait3A_178 = tpu.memref_slice %arg15[%add3A_17, %dma_wait3A_177] : memref<10000x16xf32, #tpu.memory_space<vmem_shared>> -> memref<125x16xf32, #tpu.memory_space<vmem_shared>>
      %dma_wait3A_179 = arith.constant 0 : i32
      %dma_wait3A_180 = tpu.memref_slice %arg15[%add3A_17, %dma_wait3A_179] : memref<10000x16xf32, #tpu.memory_space<vmem_shared>> -> memref<125x16xf32, #tpu.memory_space<vmem_shared>>
      %dma_wait3A_181 = arith.constant 0 : i32
      %dma_wait3A_182 = arith.constant 0 : i32
      %dma_wait3A_183 = tpu.memref_slice %arg11[%run_scoped3A_19, %dma_wait3A_181, %dma_wait3A_182] : memref<2x128x64xf32, #tpu.memory_space<vmem>> -> memref<1x125x16xf32, #tpu.memory_space<vmem>>
      %dma_wait3A_184 = tpu.memref_squeeze %dma_wait3A_183 : memref<1x125x16xf32, #tpu.memory_space<vmem>> -> memref<125x16xf32, #tpu.memory_space<vmem>>
      tpu.wait_dma2 semaphore(%run_scoped3A_160 : memref<!tpu.dma_semaphore, #tpu.memory_space<semaphore_mem>>) src(%dma_wait3A_184 : memref<125x16xf32, #tpu.memory_space<vmem>>) dst(%dma_wait3A_180 : memref<125x16xf32, #tpu.memory_space<vmem_shared>>)
      tpu.yield
    }) : () -> ()
    %add3A_20 = arith.constant 125 : i32
    %add3A_21 = arith.addi %mul3A_16, %add3A_20 : i32
    %run_scoped3A_22 = arith.constant 0 : i32
    "tpu.region"() ({
      %run_scoped3A_160 = tpu.sem_alloc : memref<!tpu.dma_semaphore, #tpu.memory_space<semaphore_mem>>
      %dma_start3A_161 = arith.constant 0 : i32
      %dma_start3A_162 = arith.constant 0 : i32
      %dma_start3A_163 = tpu.memref_slice %arg11[%run_scoped3A_22, %dma_start3A_161, %dma_start3A_162] : memref<2x128x64xf32, #tpu.memory_space<vmem>> -> memref<1x125x64xf32, #tpu.memory_space<vmem>>
      %dma_start3A_164 = tpu.memref_squeeze %dma_start3A_163 : memref<1x125x64xf32, #tpu.memory_space<vmem>> -> memref<125x64xf32, #tpu.memory_space<vmem>>
      %dma_start3A_165 = arith.constant 0 : i32
      %dma_start3A_166 = tpu.memref_slice %arg13[%add3A_21, %dma_start3A_165] : memref<10000x64xf32, #tpu.memory_space<vmem_shared>> -> memref<125x64xf32, #tpu.memory_space<vmem_shared>>
      %dma_start3A_167 = arith.constant 0 : i32
      %dma_start3A_168 = tpu.memref_slice %arg13[%add3A_21, %dma_start3A_167] : memref<10000x64xf32, #tpu.memory_space<vmem_shared>> -> memref<125x64xf32, #tpu.memory_space<vmem_shared>>
      %dma_start3A_169 = arith.constant 0 : i32
      %dma_start3A_170 = arith.constant 0 : i32
      %dma_start3A_171 = tpu.memref_slice %arg11[%run_scoped3A_22, %dma_start3A_169, %dma_start3A_170] : memref<2x128x64xf32, #tpu.memory_space<vmem>> -> memref<1x125x64xf32, #tpu.memory_space<vmem>>
      %dma_start3A_172 = tpu.memref_squeeze %dma_start3A_171 : memref<1x125x64xf32, #tpu.memory_space<vmem>> -> memref<125x64xf32, #tpu.memory_space<vmem>>
      tpu.enqueue_dma source(%dma_start3A_172 : memref<125x64xf32, #tpu.memory_space<vmem>>) target(%dma_start3A_168 : memref<125x64xf32, #tpu.memory_space<vmem_shared>>) target_semaphore(%run_scoped3A_160 : memref<!tpu.dma_semaphore, #tpu.memory_space<semaphore_mem>>)
      %dma_wait3A_173 = arith.constant 0 : i32
      %dma_wait3A_174 = arith.constant 0 : i32
      %dma_wait3A_175 = tpu.memref_slice %arg11[%run_scoped3A_22, %dma_wait3A_173, %dma_wait3A_174] : memref<2x128x64xf32, #tpu.memory_space<vmem>> -> memref<1x125x64xf32, #tpu.memory_space<vmem>>
      %dma_wait3A_176 = tpu.memref_squeeze %dma_wait3A_175 : memref<1x125x64xf32, #tpu.memory_space<vmem>> -> memref<125x64xf32, #tpu.memory_space<vmem>>
      %dma_wait3A_177 = arith.constant 0 : i32
      %dma_wait3A_178 = tpu.memref_slice %arg13[%add3A_21, %dma_wait3A_177] : memref<10000x64xf32, #tpu.memory_space<vmem_shared>> -> memref<125x64xf32, #tpu.memory_space<vmem_shared>>
      %dma_wait3A_179 = arith.constant 0 : i32
      %dma_wait3A_180 = tpu.memref_slice %arg13[%add3A_21, %dma_wait3A_179] : memref<10000x64xf32, #tpu.memory_space<vmem_shared>> -> memref<125x64xf32, #tpu.memory_space<vmem_shared>>
      %dma_wait3A_181 = arith.constant 0 : i32
      %dma_wait3A_182 = arith.constant 0 : i32
      %dma_wait3A_183 = tpu.memref_slice %arg11[%run_scoped3A_22, %dma_wait3A_181, %dma_wait3A_182] : memref<2x128x64xf32, #tpu.memory_space<vmem>> -> memref<1x125x64xf32, #tpu.memory_space<vmem>>
      %dma_wait3A_184 = tpu.memref_squeeze %dma_wait3A_183 : memref<1x125x64xf32, #tpu.memory_space<vmem>> -> memref<125x64xf32, #tpu.memory_space<vmem>>
      tpu.wait_dma2 semaphore(%run_scoped3A_160 : memref<!tpu.dma_semaphore, #tpu.memory_space<semaphore_mem>>) src(%dma_wait3A_184 : memref<125x64xf32, #tpu.memory_space<vmem>>) dst(%dma_wait3A_180 : memref<125x64xf32, #tpu.memory_space<vmem_shared>>)
      tpu.yield
    }) : () -> ()
    %run_scoped3A_23 = arith.constant 0 : i32
    "tpu.region"() ({
      %run_scoped3A_160 = tpu.sem_alloc : memref<!tpu.dma_semaphore, #tpu.memory_space<semaphore_mem>>
      %dma_start3A_161 = arith.constant 0 : i32
      %dma_start3A_162 = arith.constant 0 : i32
      %dma_start3A_163 = tpu.memref_slice %arg11[%run_scoped3A_23, %dma_start3A_161, %dma_start3A_162] : memref<2x128x64xf32, #tpu.memory_space<vmem>> -> memref<1x125x64xf32, #tpu.memory_space<vmem>>
      %dma_start3A_164 = tpu.memref_squeeze %dma_start3A_163 : memref<1x125x64xf32, #tpu.memory_space<vmem>> -> memref<125x64xf32, #tpu.memory_space<vmem>>
      %dma_start3A_165 = arith.constant 0 : i32
      %dma_start3A_166 = tpu.memref_slice %arg14[%add3A_21, %dma_start3A_165] : memref<10000x64xf32, #tpu.memory_space<vmem_shared>> -> memref<125x64xf32, #tpu.memory_space<vmem_shared>>
      %dma_start3A_167 = arith.constant 0 : i32
      %dma_start3A_168 = tpu.memref_slice %arg14[%add3A_21, %dma_start3A_167] : memref<10000x64xf32, #tpu.memory_space<vmem_shared>> -> memref<125x64xf32, #tpu.memory_space<vmem_shared>>
      %dma_start3A_169 = arith.constant 0 : i32
      %dma_start3A_170 = arith.constant 0 : i32
      %dma_start3A_171 = tpu.memref_slice %arg11[%run_scoped3A_23, %dma_start3A_169, %dma_start3A_170] : memref<2x128x64xf32, #tpu.memory_space<vmem>> -> memref<1x125x64xf32, #tpu.memory_space<vmem>>
      %dma_start3A_172 = tpu.memref_squeeze %dma_start3A_171 : memref<1x125x64xf32, #tpu.memory_space<vmem>> -> memref<125x64xf32, #tpu.memory_space<vmem>>
      tpu.enqueue_dma source(%dma_start3A_172 : memref<125x64xf32, #tpu.memory_space<vmem>>) target(%dma_start3A_168 : memref<125x64xf32, #tpu.memory_space<vmem_shared>>) target_semaphore(%run_scoped3A_160 : memref<!tpu.dma_semaphore, #tpu.memory_space<semaphore_mem>>)
      %dma_wait3A_173 = arith.constant 0 : i32
      %dma_wait3A_174 = arith.constant 0 : i32
      %dma_wait3A_175 = tpu.memref_slice %arg11[%run_scoped3A_23, %dma_wait3A_173, %dma_wait3A_174] : memref<2x128x64xf32, #tpu.memory_space<vmem>> -> memref<1x125x64xf32, #tpu.memory_space<vmem>>
      %dma_wait3A_176 = tpu.memref_squeeze %dma_wait3A_175 : memref<1x125x64xf32, #tpu.memory_space<vmem>> -> memref<125x64xf32, #tpu.memory_space<vmem>>
      %dma_wait3A_177 = arith.constant 0 : i32
      %dma_wait3A_178 = tpu.memref_slice %arg14[%add3A_21, %dma_wait3A_177] : memref<10000x64xf32, #tpu.memory_space<vmem_shared>> -> memref<125x64xf32, #tpu.memory_space<vmem_shared>>
      %dma_wait3A_179 = arith.constant 0 : i32
      %dma_wait3A_180 = tpu.memref_slice %arg14[%add3A_21, %dma_wait3A_179] : memref<10000x64xf32, #tpu.memory_space<vmem_shared>> -> memref<125x64xf32, #tpu.memory_space<vmem_shared>>
      %dma_wait3A_181 = arith.constant 0 : i32
      %dma_wait3A_182 = arith.constant 0 : i32
      %dma_wait3A_183 = tpu.memref_slice %arg11[%run_scoped3A_23, %dma_wait3A_181, %dma_wait3A_182] : memref<2x128x64xf32, #tpu.memory_space<vmem>> -> memref<1x125x64xf32, #tpu.memory_space<vmem>>
      %dma_wait3A_184 = tpu.memref_squeeze %dma_wait3A_183 : memref<1x125x64xf32, #tpu.memory_space<vmem>> -> memref<125x64xf32, #tpu.memory_space<vmem>>
      tpu.wait_dma2 semaphore(%run_scoped3A_160 : memref<!tpu.dma_semaphore, #tpu.memory_space<semaphore_mem>>) src(%dma_wait3A_184 : memref<125x64xf32, #tpu.memory_space<vmem>>) dst(%dma_wait3A_180 : memref<125x64xf32, #tpu.memory_space<vmem_shared>>)
      tpu.yield
    }) : () -> ()
    %run_scoped3A_24 = arith.constant 0 : i32
    "tpu.region"() ({
      %run_scoped3A_160 = tpu.sem_alloc : memref<!tpu.dma_semaphore, #tpu.memory_space<semaphore_mem>>
      %dma_start3A_161 = arith.constant 0 : i32
      %dma_start3A_162 = arith.constant 0 : i32
      %dma_start3A_163 = tpu.memref_slice %arg11[%run_scoped3A_24, %dma_start3A_161, %dma_start3A_162] : memref<2x128x64xf32, #tpu.memory_space<vmem>> -> memref<1x125x16xf32, #tpu.memory_space<vmem>>
      %dma_start3A_164 = tpu.memref_squeeze %dma_start3A_163 : memref<1x125x16xf32, #tpu.memory_space<vmem>> -> memref<125x16xf32, #tpu.memory_space<vmem>>
      %dma_start3A_165 = arith.constant 0 : i32
      %dma_start3A_166 = tpu.memref_slice %arg15[%add3A_21, %dma_start3A_165] : memref<10000x16xf32, #tpu.memory_space<vmem_shared>> -> memref<125x16xf32, #tpu.memory_space<vmem_shared>>
      %dma_start3A_167 = arith.constant 0 : i32
      %dma_start3A_168 = tpu.memref_slice %arg15[%add3A_21, %dma_start3A_167] : memref<10000x16xf32, #tpu.memory_space<vmem_shared>> -> memref<125x16xf32, #tpu.memory_space<vmem_shared>>
      %dma_start3A_169 = arith.constant 0 : i32
      %dma_start3A_170 = arith.constant 0 : i32
      %dma_start3A_171 = tpu.memref_slice %arg11[%run_scoped3A_24, %dma_start3A_169, %dma_start3A_170] : memref<2x128x64xf32, #tpu.memory_space<vmem>> -> memref<1x125x16xf32, #tpu.memory_space<vmem>>
      %dma_start3A_172 = tpu.memref_squeeze %dma_start3A_171 : memref<1x125x16xf32, #tpu.memory_space<vmem>> -> memref<125x16xf32, #tpu.memory_space<vmem>>
      tpu.enqueue_dma source(%dma_start3A_172 : memref<125x16xf32, #tpu.memory_space<vmem>>) target(%dma_start3A_168 : memref<125x16xf32, #tpu.memory_space<vmem_shared>>) target_semaphore(%run_scoped3A_160 : memref<!tpu.dma_semaphore, #tpu.memory_space<semaphore_mem>>)
      %dma_wait3A_173 = arith.constant 0 : i32
      %dma_wait3A_174 = arith.constant 0 : i32
      %dma_wait3A_175 = tpu.memref_slice %arg11[%run_scoped3A_24, %dma_wait3A_173, %dma_wait3A_174] : memref<2x128x64xf32, #tpu.memory_space<vmem>> -> memref<1x125x16xf32, #tpu.memory_space<vmem>>
      %dma_wait3A_176 = tpu.memref_squeeze %dma_wait3A_175 : memref<1x125x16xf32, #tpu.memory_space<vmem>> -> memref<125x16xf32, #tpu.memory_space<vmem>>
      %dma_wait3A_177 = arith.constant 0 : i32
      %dma_wait3A_178 = tpu.memref_slice %arg15[%add3A_21, %dma_wait3A_177] : memref<10000x16xf32, #tpu.memory_space<vmem_shared>> -> memref<125x16xf32, #tpu.memory_space<vmem_shared>>
      %dma_wait3A_179 = arith.constant 0 : i32
      %dma_wait3A_180 = tpu.memref_slice %arg15[%add3A_21, %dma_wait3A_179] : memref<10000x16xf32, #tpu.memory_space<vmem_shared>> -> memref<125x16xf32, #tpu.memory_space<vmem_shared>>
      %dma_wait3A_181 = arith.constant 0 : i32
      %dma_wait3A_182 = arith.constant 0 : i32
      %dma_wait3A_183 = tpu.memref_slice %arg11[%run_scoped3A_24, %dma_wait3A_181, %dma_wait3A_182] : memref<2x128x64xf32, #tpu.memory_space<vmem>> -> memref<1x125x16xf32, #tpu.memory_space<vmem>>
      %dma_wait3A_184 = tpu.memref_squeeze %dma_wait3A_183 : memref<1x125x16xf32, #tpu.memory_space<vmem>> -> memref<125x16xf32, #tpu.memory_space<vmem>>
      tpu.wait_dma2 semaphore(%run_scoped3A_160 : memref<!tpu.dma_semaphore, #tpu.memory_space<semaphore_mem>>) src(%dma_wait3A_184 : memref<125x16xf32, #tpu.memory_space<vmem>>) dst(%dma_wait3A_180 : memref<125x16xf32, #tpu.memory_space<vmem_shared>>)
      tpu.yield
    }) : () -> ()
    %add3A_25 = arith.constant 250 : i32
    %add3A_26 = arith.addi %mul3A_16, %add3A_25 : i32
    %run_scoped3A_27 = arith.constant 0 : i32
    "tpu.region"() ({
      %run_scoped3A_160 = tpu.sem_alloc : memref<!tpu.dma_semaphore, #tpu.memory_space<semaphore_mem>>
      %dma_start3A_161 = arith.constant 0 : i32
      %dma_start3A_162 = arith.constant 0 : i32
      %dma_start3A_163 = tpu.memref_slice %arg11[%run_scoped3A_27, %dma_start3A_161, %dma_start3A_162] : memref<2x128x64xf32, #tpu.memory_space<vmem>> -> memref<1x125x64xf32, #tpu.memory_space<vmem>>
      %dma_start3A_164 = tpu.memref_squeeze %dma_start3A_163 : memref<1x125x64xf32, #tpu.memory_space<vmem>> -> memref<125x64xf32, #tpu.memory_space<vmem>>
      %dma_start3A_165 = arith.constant 0 : i32
      %dma_start3A_166 = tpu.memref_slice %arg13[%add3A_26, %dma_start3A_165] : memref<10000x64xf32, #tpu.memory_space<vmem_shared>> -> memref<125x64xf32, #tpu.memory_space<vmem_shared>>
      %dma_start3A_167 = arith.constant 0 : i32
      %dma_start3A_168 = tpu.memref_slice %arg13[%add3A_26, %dma_start3A_167] : memref<10000x64xf32, #tpu.memory_space<vmem_shared>> -> memref<125x64xf32, #tpu.memory_space<vmem_shared>>
      %dma_start3A_169 = arith.constant 0 : i32
      %dma_start3A_170 = arith.constant 0 : i32
      %dma_start3A_171 = tpu.memref_slice %arg11[%run_scoped3A_27, %dma_start3A_169, %dma_start3A_170] : memref<2x128x64xf32, #tpu.memory_space<vmem>> -> memref<1x125x64xf32, #tpu.memory_space<vmem>>
      %dma_start3A_172 = tpu.memref_squeeze %dma_start3A_171 : memref<1x125x64xf32, #tpu.memory_space<vmem>> -> memref<125x64xf32, #tpu.memory_space<vmem>>
      tpu.enqueue_dma source(%dma_start3A_172 : memref<125x64xf32, #tpu.memory_space<vmem>>) target(%dma_start3A_168 : memref<125x64xf32, #tpu.memory_space<vmem_shared>>) target_semaphore(%run_scoped3A_160 : memref<!tpu.dma_semaphore, #tpu.memory_space<semaphore_mem>>)
      %dma_wait3A_173 = arith.constant 0 : i32
      %dma_wait3A_174 = arith.constant 0 : i32
      %dma_wait3A_175 = tpu.memref_slice %arg11[%run_scoped3A_27, %dma_wait3A_173, %dma_wait3A_174] : memref<2x128x64xf32, #tpu.memory_space<vmem>> -> memref<1x125x64xf32, #tpu.memory_space<vmem>>
      %dma_wait3A_176 = tpu.memref_squeeze %dma_wait3A_175 : memref<1x125x64xf32, #tpu.memory_space<vmem>> -> memref<125x64xf32, #tpu.memory_space<vmem>>
      %dma_wait3A_177 = arith.constant 0 : i32
      %dma_wait3A_178 = tpu.memref_slice %arg13[%add3A_26, %dma_wait3A_177] : memref<10000x64xf32, #tpu.memory_space<vmem_shared>> -> memref<125x64xf32, #tpu.memory_space<vmem_shared>>
      %dma_wait3A_179 = arith.constant 0 : i32
      %dma_wait3A_180 = tpu.memref_slice %arg13[%add3A_26, %dma_wait3A_179] : memref<10000x64xf32, #tpu.memory_space<vmem_shared>> -> memref<125x64xf32, #tpu.memory_space<vmem_shared>>
      %dma_wait3A_181 = arith.constant 0 : i32
      %dma_wait3A_182 = arith.constant 0 : i32
      %dma_wait3A_183 = tpu.memref_slice %arg11[%run_scoped3A_27, %dma_wait3A_181, %dma_wait3A_182] : memref<2x128x64xf32, #tpu.memory_space<vmem>> -> memref<1x125x64xf32, #tpu.memory_space<vmem>>
      %dma_wait3A_184 = tpu.memref_squeeze %dma_wait3A_183 : memref<1x125x64xf32, #tpu.memory_space<vmem>> -> memref<125x64xf32, #tpu.memory_space<vmem>>
      tpu.wait_dma2 semaphore(%run_scoped3A_160 : memref<!tpu.dma_semaphore, #tpu.memory_space<semaphore_mem>>) src(%dma_wait3A_184 : memref<125x64xf32, #tpu.memory_space<vmem>>) dst(%dma_wait3A_180 : memref<125x64xf32, #tpu.memory_space<vmem_shared>>)
      tpu.yield
    }) : () -> ()
    %run_scoped3A_28 = arith.constant 0 : i32
    "tpu.region"() ({
      %run_scoped3A_160 = tpu.sem_alloc : memref<!tpu.dma_semaphore, #tpu.memory_space<semaphore_mem>>
      %dma_start3A_161 = arith.constant 0 : i32
      %dma_start3A_162 = arith.constant 0 : i32
      %dma_start3A_163 = tpu.memref_slice %arg11[%run_scoped3A_28, %dma_start3A_161, %dma_start3A_162] : memref<2x128x64xf32, #tpu.memory_space<vmem>> -> memref<1x125x64xf32, #tpu.memory_space<vmem>>
      %dma_start3A_164 = tpu.memref_squeeze %dma_start3A_163 : memref<1x125x64xf32, #tpu.memory_space<vmem>> -> memref<125x64xf32, #tpu.memory_space<vmem>>
      %dma_start3A_165 = arith.constant 0 : i32
      %dma_start3A_166 = tpu.memref_slice %arg14[%add3A_26, %dma_start3A_165] : memref<10000x64xf32, #tpu.memory_space<vmem_shared>> -> memref<125x64xf32, #tpu.memory_space<vmem_shared>>
      %dma_start3A_167 = arith.constant 0 : i32
      %dma_start3A_168 = tpu.memref_slice %arg14[%add3A_26, %dma_start3A_167] : memref<10000x64xf32, #tpu.memory_space<vmem_shared>> -> memref<125x64xf32, #tpu.memory_space<vmem_shared>>
      %dma_start3A_169 = arith.constant 0 : i32
      %dma_start3A_170 = arith.constant 0 : i32
      %dma_start3A_171 = tpu.memref_slice %arg11[%run_scoped3A_28, %dma_start3A_169, %dma_start3A_170] : memref<2x128x64xf32, #tpu.memory_space<vmem>> -> memref<1x125x64xf32, #tpu.memory_space<vmem>>
      %dma_start3A_172 = tpu.memref_squeeze %dma_start3A_171 : memref<1x125x64xf32, #tpu.memory_space<vmem>> -> memref<125x64xf32, #tpu.memory_space<vmem>>
      tpu.enqueue_dma source(%dma_start3A_172 : memref<125x64xf32, #tpu.memory_space<vmem>>) target(%dma_start3A_168 : memref<125x64xf32, #tpu.memory_space<vmem_shared>>) target_semaphore(%run_scoped3A_160 : memref<!tpu.dma_semaphore, #tpu.memory_space<semaphore_mem>>)
      %dma_wait3A_173 = arith.constant 0 : i32
      %dma_wait3A_174 = arith.constant 0 : i32
      %dma_wait3A_175 = tpu.memref_slice %arg11[%run_scoped3A_28, %dma_wait3A_173, %dma_wait3A_174] : memref<2x128x64xf32, #tpu.memory_space<vmem>> -> memref<1x125x64xf32, #tpu.memory_space<vmem>>
      %dma_wait3A_176 = tpu.memref_squeeze %dma_wait3A_175 : memref<1x125x64xf32, #tpu.memory_space<vmem>> -> memref<125x64xf32, #tpu.memory_space<vmem>>
      %dma_wait3A_177 = arith.constant 0 : i32
      %dma_wait3A_178 = tpu.memref_slice %arg14[%add3A_26, %dma_wait3A_177] : memref<10000x64xf32, #tpu.memory_space<vmem_shared>> -> memref<125x64xf32, #tpu.memory_space<vmem_shared>>
      %dma_wait3A_179 = arith.constant 0 : i32
      %dma_wait3A_180 = tpu.memref_slice %arg14[%add3A_26, %dma_wait3A_179] : memref<10000x64xf32, #tpu.memory_space<vmem_shared>> -> memref<125x64xf32, #tpu.memory_space<vmem_shared>>
      %dma_wait3A_181 = arith.constant 0 : i32
      %dma_wait3A_182 = arith.constant 0 : i32
      %dma_wait3A_183 = tpu.memref_slice %arg11[%run_scoped3A_28, %dma_wait3A_181, %dma_wait3A_182] : memref<2x128x64xf32, #tpu.memory_space<vmem>> -> memref<1x125x64xf32, #tpu.memory_space<vmem>>
      %dma_wait3A_184 = tpu.memref_squeeze %dma_wait3A_183 : memref<1x125x64xf32, #tpu.memory_space<vmem>> -> memref<125x64xf32, #tpu.memory_space<vmem>>
      tpu.wait_dma2 semaphore(%run_scoped3A_160 : memref<!tpu.dma_semaphore, #tpu.memory_space<semaphore_mem>>) src(%dma_wait3A_184 : memref<125x64xf32, #tpu.memory_space<vmem>>) dst(%dma_wait3A_180 : memref<125x64xf32, #tpu.memory_space<vmem_shared>>)
      tpu.yield
    }) : () -> ()
    %run_scoped3A_29 = arith.constant 0 : i32
    "tpu.region"() ({
      %run_scoped3A_160 = tpu.sem_alloc : memref<!tpu.dma_semaphore, #tpu.memory_space<semaphore_mem>>
      %dma_start3A_161 = arith.constant 0 : i32
      %dma_start3A_162 = arith.constant 0 : i32
      %dma_start3A_163 = tpu.memref_slice %arg11[%run_scoped3A_29, %dma_start3A_161, %dma_start3A_162] : memref<2x128x64xf32, #tpu.memory_space<vmem>> -> memref<1x125x16xf32, #tpu.memory_space<vmem>>
      %dma_start3A_164 = tpu.memref_squeeze %dma_start3A_163 : memref<1x125x16xf32, #tpu.memory_space<vmem>> -> memref<125x16xf32, #tpu.memory_space<vmem>>
      %dma_start3A_165 = arith.constant 0 : i32
      %dma_start3A_166 = tpu.memref_slice %arg15[%add3A_26, %dma_start3A_165] : memref<10000x16xf32, #tpu.memory_space<vmem_shared>> -> memref<125x16xf32, #tpu.memory_space<vmem_shared>>
      %dma_start3A_167 = arith.constant 0 : i32
      %dma_start3A_168 = tpu.memref_slice %arg15[%add3A_26, %dma_start3A_167] : memref<10000x16xf32, #tpu.memory_space<vmem_shared>> -> memref<125x16xf32, #tpu.memory_space<vmem_shared>>
      %dma_start3A_169 = arith.constant 0 : i32
      %dma_start3A_170 = arith.constant 0 : i32
      %dma_start3A_171 = tpu.memref_slice %arg11[%run_scoped3A_29, %dma_start3A_169, %dma_start3A_170] : memref<2x128x64xf32, #tpu.memory_space<vmem>> -> memref<1x125x16xf32, #tpu.memory_space<vmem>>
      %dma_start3A_172 = tpu.memref_squeeze %dma_start3A_171 : memref<1x125x16xf32, #tpu.memory_space<vmem>> -> memref<125x16xf32, #tpu.memory_space<vmem>>
      tpu.enqueue_dma source(%dma_start3A_172 : memref<125x16xf32, #tpu.memory_space<vmem>>) target(%dma_start3A_168 : memref<125x16xf32, #tpu.memory_space<vmem_shared>>) target_semaphore(%run_scoped3A_160 : memref<!tpu.dma_semaphore, #tpu.memory_space<semaphore_mem>>)
      %dma_wait3A_173 = arith.constant 0 : i32
      %dma_wait3A_174 = arith.constant 0 : i32
      %dma_wait3A_175 = tpu.memref_slice %arg11[%run_scoped3A_29, %dma_wait3A_173, %dma_wait3A_174] : memref<2x128x64xf32, #tpu.memory_space<vmem>> -> memref<1x125x16xf32, #tpu.memory_space<vmem>>
      %dma_wait3A_176 = tpu.memref_squeeze %dma_wait3A_175 : memref<1x125x16xf32, #tpu.memory_space<vmem>> -> memref<125x16xf32, #tpu.memory_space<vmem>>
      %dma_wait3A_177 = arith.constant 0 : i32
      %dma_wait3A_178 = tpu.memref_slice %arg15[%add3A_26, %dma_wait3A_177] : memref<10000x16xf32, #tpu.memory_space<vmem_shared>> -> memref<125x16xf32, #tpu.memory_space<vmem_shared>>
      %dma_wait3A_179 = arith.constant 0 : i32
      %dma_wait3A_180 = tpu.memref_slice %arg15[%add3A_26, %dma_wait3A_179] : memref<10000x16xf32, #tpu.memory_space<vmem_shared>> -> memref<125x16xf32, #tpu.memory_space<vmem_shared>>
      %dma_wait3A_181 = arith.constant 0 : i32
      %dma_wait3A_182 = arith.constant 0 : i32
      %dma_wait3A_183 = tpu.memref_slice %arg11[%run_scoped3A_29, %dma_wait3A_181, %dma_wait3A_182] : memref<2x128x64xf32, #tpu.memory_space<vmem>> -> memref<1x125x16xf32, #tpu.memory_space<vmem>>
      %dma_wait3A_184 = tpu.memref_squeeze %dma_wait3A_183 : memref<1x125x16xf32, #tpu.memory_space<vmem>> -> memref<125x16xf32, #tpu.memory_space<vmem>>
      tpu.wait_dma2 semaphore(%run_scoped3A_160 : memref<!tpu.dma_semaphore, #tpu.memory_space<semaphore_mem>>) src(%dma_wait3A_184 : memref<125x16xf32, #tpu.memory_space<vmem>>) dst(%dma_wait3A_180 : memref<125x16xf32, #tpu.memory_space<vmem_shared>>)
      tpu.yield
    }) : () -> ()
    %add3A_30 = arith.constant 375 : i32
    %add3A_31 = arith.addi %mul3A_16, %add3A_30 : i32
    %run_scoped3A_32 = arith.constant 0 : i32
    "tpu.region"() ({
      %run_scoped3A_160 = tpu.sem_alloc : memref<!tpu.dma_semaphore, #tpu.memory_space<semaphore_mem>>
      %dma_start3A_161 = arith.constant 0 : i32
      %dma_start3A_162 = arith.constant 0 : i32
      %dma_start3A_163 = tpu.memref_slice %arg11[%run_scoped3A_32, %dma_start3A_161, %dma_start3A_162] : memref<2x128x64xf32, #tpu.memory_space<vmem>> -> memref<1x125x64xf32, #tpu.memory_space<vmem>>
      %dma_start3A_164 = tpu.memref_squeeze %dma_start3A_163 : memref<1x125x64xf32, #tpu.memory_space<vmem>> -> memref<125x64xf32, #tpu.memory_space<vmem>>
      %dma_start3A_165 = arith.constant 0 : i32
      %dma_start3A_166 = tpu.memref_slice %arg13[%add3A_31, %dma_start3A_165] : memref<10000x64xf32, #tpu.memory_space<vmem_shared>> -> memref<125x64xf32, #tpu.memory_space<vmem_shared>>
      %dma_start3A_167 = arith.constant 0 : i32
      %dma_start3A_168 = tpu.memref_slice %arg13[%add3A_31, %dma_start3A_167] : memref<10000x64xf32, #tpu.memory_space<vmem_shared>> -> memref<125x64xf32, #tpu.memory_space<vmem_shared>>
      %dma_start3A_169 = arith.constant 0 : i32
      %dma_start3A_170 = arith.constant 0 : i32
      %dma_start3A_171 = tpu.memref_slice %arg11[%run_scoped3A_32, %dma_start3A_169, %dma_start3A_170] : memref<2x128x64xf32, #tpu.memory_space<vmem>> -> memref<1x125x64xf32, #tpu.memory_space<vmem>>
      %dma_start3A_172 = tpu.memref_squeeze %dma_start3A_171 : memref<1x125x64xf32, #tpu.memory_space<vmem>> -> memref<125x64xf32, #tpu.memory_space<vmem>>
      tpu.enqueue_dma source(%dma_start3A_172 : memref<125x64xf32, #tpu.memory_space<vmem>>) target(%dma_start3A_168 : memref<125x64xf32, #tpu.memory_space<vmem_shared>>) target_semaphore(%run_scoped3A_160 : memref<!tpu.dma_semaphore, #tpu.memory_space<semaphore_mem>>)
      %dma_wait3A_173 = arith.constant 0 : i32
      %dma_wait3A_174 = arith.constant 0 : i32
      %dma_wait3A_175 = tpu.memref_slice %arg11[%run_scoped3A_32, %dma_wait3A_173, %dma_wait3A_174] : memref<2x128x64xf32, #tpu.memory_space<vmem>> -> memref<1x125x64xf32, #tpu.memory_space<vmem>>
      %dma_wait3A_176 = tpu.memref_squeeze %dma_wait3A_175 : memref<1x125x64xf32, #tpu.memory_space<vmem>> -> memref<125x64xf32, #tpu.memory_space<vmem>>
      %dma_wait3A_177 = arith.constant 0 : i32
      %dma_wait3A_178 = tpu.memref_slice %arg13[%add3A_31, %dma_wait3A_177] : memref<10000x64xf32, #tpu.memory_space<vmem_shared>> -> memref<125x64xf32, #tpu.memory_space<vmem_shared>>
      %dma_wait3A_179 = arith.constant 0 : i32
      %dma_wait3A_180 = tpu.memref_slice %arg13[%add3A_31, %dma_wait3A_179] : memref<10000x64xf32, #tpu.memory_space<vmem_shared>> -> memref<125x64xf32, #tpu.memory_space<vmem_shared>>
      %dma_wait3A_181 = arith.constant 0 : i32
      %dma_wait3A_182 = arith.constant 0 : i32
      %dma_wait3A_183 = tpu.memref_slice %arg11[%run_scoped3A_32, %dma_wait3A_181, %dma_wait3A_182] : memref<2x128x64xf32, #tpu.memory_space<vmem>> -> memref<1x125x64xf32, #tpu.memory_space<vmem>>
      %dma_wait3A_184 = tpu.memref_squeeze %dma_wait3A_183 : memref<1x125x64xf32, #tpu.memory_space<vmem>> -> memref<125x64xf32, #tpu.memory_space<vmem>>
      tpu.wait_dma2 semaphore(%run_scoped3A_160 : memref<!tpu.dma_semaphore, #tpu.memory_space<semaphore_mem>>) src(%dma_wait3A_184 : memref<125x64xf32, #tpu.memory_space<vmem>>) dst(%dma_wait3A_180 : memref<125x64xf32, #tpu.memory_space<vmem_shared>>)
      tpu.yield
    }) : () -> ()
    %run_scoped3A_33 = arith.constant 0 : i32
    "tpu.region"() ({
      %run_scoped3A_160 = tpu.sem_alloc : memref<!tpu.dma_semaphore, #tpu.memory_space<semaphore_mem>>
      %dma_start3A_161 = arith.constant 0 : i32
      %dma_start3A_162 = arith.constant 0 : i32
      %dma_start3A_163 = tpu.memref_slice %arg11[%run_scoped3A_33, %dma_start3A_161, %dma_start3A_162] : memref<2x128x64xf32, #tpu.memory_space<vmem>> -> memref<1x125x64xf32, #tpu.memory_space<vmem>>
      %dma_start3A_164 = tpu.memref_squeeze %dma_start3A_163 : memref<1x125x64xf32, #tpu.memory_space<vmem>> -> memref<125x64xf32, #tpu.memory_space<vmem>>
      %dma_start3A_165 = arith.constant 0 : i32
      %dma_start3A_166 = tpu.memref_slice %arg14[%add3A_31, %dma_start3A_165] : memref<10000x64xf32, #tpu.memory_space<vmem_shared>> -> memref<125x64xf32, #tpu.memory_space<vmem_shared>>
      %dma_start3A_167 = arith.constant 0 : i32
      %dma_start3A_168 = tpu.memref_slice %arg14[%add3A_31, %dma_start3A_167] : memref<10000x64xf32, #tpu.memory_space<vmem_shared>> -> memref<125x64xf32, #tpu.memory_space<vmem_shared>>
      %dma_start3A_169 = arith.constant 0 : i32
      %dma_start3A_170 = arith.constant 0 : i32
      %dma_start3A_171 = tpu.memref_slice %arg11[%run_scoped3A_33, %dma_start3A_169, %dma_start3A_170] : memref<2x128x64xf32, #tpu.memory_space<vmem>> -> memref<1x125x64xf32, #tpu.memory_space<vmem>>
      %dma_start3A_172 = tpu.memref_squeeze %dma_start3A_171 : memref<1x125x64xf32, #tpu.memory_space<vmem>> -> memref<125x64xf32, #tpu.memory_space<vmem>>
      tpu.enqueue_dma source(%dma_start3A_172 : memref<125x64xf32, #tpu.memory_space<vmem>>) target(%dma_start3A_168 : memref<125x64xf32, #tpu.memory_space<vmem_shared>>) target_semaphore(%run_scoped3A_160 : memref<!tpu.dma_semaphore, #tpu.memory_space<semaphore_mem>>)
      %dma_wait3A_173 = arith.constant 0 : i32
      %dma_wait3A_174 = arith.constant 0 : i32
      %dma_wait3A_175 = tpu.memref_slice %arg11[%run_scoped3A_33, %dma_wait3A_173, %dma_wait3A_174] : memref<2x128x64xf32, #tpu.memory_space<vmem>> -> memref<1x125x64xf32, #tpu.memory_space<vmem>>
      %dma_wait3A_176 = tpu.memref_squeeze %dma_wait3A_175 : memref<1x125x64xf32, #tpu.memory_space<vmem>> -> memref<125x64xf32, #tpu.memory_space<vmem>>
      %dma_wait3A_177 = arith.constant 0 : i32
      %dma_wait3A_178 = tpu.memref_slice %arg14[%add3A_31, %dma_wait3A_177] : memref<10000x64xf32, #tpu.memory_space<vmem_shared>> -> memref<125x64xf32, #tpu.memory_space<vmem_shared>>
      %dma_wait3A_179 = arith.constant 0 : i32
      %dma_wait3A_180 = tpu.memref_slice %arg14[%add3A_31, %dma_wait3A_179] : memref<10000x64xf32, #tpu.memory_space<vmem_shared>> -> memref<125x64xf32, #tpu.memory_space<vmem_shared>>
      %dma_wait3A_181 = arith.constant 0 : i32
      %dma_wait3A_182 = arith.constant 0 : i32
      %dma_wait3A_183 = tpu.memref_slice %arg11[%run_scoped3A_33, %dma_wait3A_181, %dma_wait3A_182] : memref<2x128x64xf32, #tpu.memory_space<vmem>> -> memref<1x125x64xf32, #tpu.memory_space<vmem>>
      %dma_wait3A_184 = tpu.memref_squeeze %dma_wait3A_183 : memref<1x125x64xf32, #tpu.memory_space<vmem>> -> memref<125x64xf32, #tpu.memory_space<vmem>>
      tpu.wait_dma2 semaphore(%run_scoped3A_160 : memref<!tpu.dma_semaphore, #tpu.memory_space<semaphore_mem>>) src(%dma_wait3A_184 : memref<125x64xf32, #tpu.memory_space<vmem>>) dst(%dma_wait3A_180 : memref<125x64xf32, #tpu.memory_space<vmem_shared>>)
      tpu.yield
    }) : () -> ()
    %run_scoped3A_34 = arith.constant 0 : i32
    "tpu.region"() ({
      %run_scoped3A_160 = tpu.sem_alloc : memref<!tpu.dma_semaphore, #tpu.memory_space<semaphore_mem>>
      %dma_start3A_161 = arith.constant 0 : i32
      %dma_start3A_162 = arith.constant 0 : i32
      %dma_start3A_163 = tpu.memref_slice %arg11[%run_scoped3A_34, %dma_start3A_161, %dma_start3A_162] : memref<2x128x64xf32, #tpu.memory_space<vmem>> -> memref<1x125x16xf32, #tpu.memory_space<vmem>>
      %dma_start3A_164 = tpu.memref_squeeze %dma_start3A_163 : memref<1x125x16xf32, #tpu.memory_space<vmem>> -> memref<125x16xf32, #tpu.memory_space<vmem>>
      %dma_start3A_165 = arith.constant 0 : i32
      %dma_start3A_166 = tpu.memref_slice %arg15[%add3A_31, %dma_start3A_165] : memref<10000x16xf32, #tpu.memory_space<vmem_shared>> -> memref<125x16xf32, #tpu.memory_space<vmem_shared>>
      %dma_start3A_167 = arith.constant 0 : i32
      %dma_start3A_168 = tpu.memref_slice %arg15[%add3A_31, %dma_start3A_167] : memref<10000x16xf32, #tpu.memory_space<vmem_shared>> -> memref<125x16xf32, #tpu.memory_space<vmem_shared>>
      %dma_start3A_169 = arith.constant 0 : i32
      %dma_start3A_170 = arith.constant 0 : i32
      %dma_start3A_171 = tpu.memref_slice %arg11[%run_scoped3A_34, %dma_start3A_169, %dma_start3A_170] : memref<2x128x64xf32, #tpu.memory_space<vmem>> -> memref<1x125x16xf32, #tpu.memory_space<vmem>>
      %dma_start3A_172 = tpu.memref_squeeze %dma_start3A_171 : memref<1x125x16xf32, #tpu.memory_space<vmem>> -> memref<125x16xf32, #tpu.memory_space<vmem>>
      tpu.enqueue_dma source(%dma_start3A_172 : memref<125x16xf32, #tpu.memory_space<vmem>>) target(%dma_start3A_168 : memref<125x16xf32, #tpu.memory_space<vmem_shared>>) target_semaphore(%run_scoped3A_160 : memref<!tpu.dma_semaphore, #tpu.memory_space<semaphore_mem>>)
      %dma_wait3A_173 = arith.constant 0 : i32
      %dma_wait3A_174 = arith.constant 0 : i32
      %dma_wait3A_175 = tpu.memref_slice %arg11[%run_scoped3A_34, %dma_wait3A_173, %dma_wait3A_174] : memref<2x128x64xf32, #tpu.memory_space<vmem>> -> memref<1x125x16xf32, #tpu.memory_space<vmem>>
      %dma_wait3A_176 = tpu.memref_squeeze %dma_wait3A_175 : memref<1x125x16xf32, #tpu.memory_space<vmem>> -> memref<125x16xf32, #tpu.memory_space<vmem>>
      %dma_wait3A_177 = arith.constant 0 : i32
      %dma_wait3A_178 = tpu.memref_slice %arg15[%add3A_31, %dma_wait3A_177] : memref<10000x16xf32, #tpu.memory_space<vmem_shared>> -> memref<125x16xf32, #tpu.memory_space<vmem_shared>>
      %dma_wait3A_179 = arith.constant 0 : i32
      %dma_wait3A_180 = tpu.memref_slice %arg15[%add3A_31, %dma_wait3A_179] : memref<10000x16xf32, #tpu.memory_space<vmem_shared>> -> memref<125x16xf32, #tpu.memory_space<vmem_shared>>
      %dma_wait3A_181 = arith.constant 0 : i32
      %dma_wait3A_182 = arith.constant 0 : i32
      %dma_wait3A_183 = tpu.memref_slice %arg11[%run_scoped3A_34, %dma_wait3A_181, %dma_wait3A_182] : memref<2x128x64xf32, #tpu.memory_space<vmem>> -> memref<1x125x16xf32, #tpu.memory_space<vmem>>
      %dma_wait3A_184 = tpu.memref_squeeze %dma_wait3A_183 : memref<1x125x16xf32, #tpu.memory_space<vmem>> -> memref<125x16xf32, #tpu.memory_space<vmem>>
      tpu.wait_dma2 semaphore(%run_scoped3A_160 : memref<!tpu.dma_semaphore, #tpu.memory_space<semaphore_mem>>) src(%dma_wait3A_184 : memref<125x16xf32, #tpu.memory_space<vmem>>) dst(%dma_wait3A_180 : memref<125x16xf32, #tpu.memory_space<vmem_shared>>)
      tpu.yield
    }) : () -> ()
    %add3A_35 = arith.constant 500 : i32
    %add3A_36 = arith.addi %mul3A_16, %add3A_35 : i32
    %run_scoped3A_37 = arith.constant 0 : i32
    "tpu.region"() ({
      %run_scoped3A_160 = tpu.sem_alloc : memref<!tpu.dma_semaphore, #tpu.memory_space<semaphore_mem>>
      %dma_start3A_161 = arith.constant 0 : i32
      %dma_start3A_162 = arith.constant 0 : i32
      %dma_start3A_163 = tpu.memref_slice %arg11[%run_scoped3A_37, %dma_start3A_161, %dma_start3A_162] : memref<2x128x64xf32, #tpu.memory_space<vmem>> -> memref<1x125x64xf32, #tpu.memory_space<vmem>>
      %dma_start3A_164 = tpu.memref_squeeze %dma_start3A_163 : memref<1x125x64xf32, #tpu.memory_space<vmem>> -> memref<125x64xf32, #tpu.memory_space<vmem>>
      %dma_start3A_165 = arith.constant 0 : i32
      %dma_start3A_166 = tpu.memref_slice %arg13[%add3A_36, %dma_start3A_165] : memref<10000x64xf32, #tpu.memory_space<vmem_shared>> -> memref<125x64xf32, #tpu.memory_space<vmem_shared>>
      %dma_start3A_167 = arith.constant 0 : i32
      %dma_start3A_168 = tpu.memref_slice %arg13[%add3A_36, %dma_start3A_167] : memref<10000x64xf32, #tpu.memory_space<vmem_shared>> -> memref<125x64xf32, #tpu.memory_space<vmem_shared>>
      %dma_start3A_169 = arith.constant 0 : i32
      %dma_start3A_170 = arith.constant 0 : i32
      %dma_start3A_171 = tpu.memref_slice %arg11[%run_scoped3A_37, %dma_start3A_169, %dma_start3A_170] : memref<2x128x64xf32, #tpu.memory_space<vmem>> -> memref<1x125x64xf32, #tpu.memory_space<vmem>>
      %dma_start3A_172 = tpu.memref_squeeze %dma_start3A_171 : memref<1x125x64xf32, #tpu.memory_space<vmem>> -> memref<125x64xf32, #tpu.memory_space<vmem>>
      tpu.enqueue_dma source(%dma_start3A_172 : memref<125x64xf32, #tpu.memory_space<vmem>>) target(%dma_start3A_168 : memref<125x64xf32, #tpu.memory_space<vmem_shared>>) target_semaphore(%run_scoped3A_160 : memref<!tpu.dma_semaphore, #tpu.memory_space<semaphore_mem>>)
      %dma_wait3A_173 = arith.constant 0 : i32
      %dma_wait3A_174 = arith.constant 0 : i32
      %dma_wait3A_175 = tpu.memref_slice %arg11[%run_scoped3A_37, %dma_wait3A_173, %dma_wait3A_174] : memref<2x128x64xf32, #tpu.memory_space<vmem>> -> memref<1x125x64xf32, #tpu.memory_space<vmem>>
      %dma_wait3A_176 = tpu.memref_squeeze %dma_wait3A_175 : memref<1x125x64xf32, #tpu.memory_space<vmem>> -> memref<125x64xf32, #tpu.memory_space<vmem>>
      %dma_wait3A_177 = arith.constant 0 : i32
      %dma_wait3A_178 = tpu.memref_slice %arg13[%add3A_36, %dma_wait3A_177] : memref<10000x64xf32, #tpu.memory_space<vmem_shared>> -> memref<125x64xf32, #tpu.memory_space<vmem_shared>>
      %dma_wait3A_179 = arith.constant 0 : i32
      %dma_wait3A_180 = tpu.memref_slice %arg13[%add3A_36, %dma_wait3A_179] : memref<10000x64xf32, #tpu.memory_space<vmem_shared>> -> memref<125x64xf32, #tpu.memory_space<vmem_shared>>
      %dma_wait3A_181 = arith.constant 0 : i32
      %dma_wait3A_182 = arith.constant 0 : i32
      %dma_wait3A_183 = tpu.memref_slice %arg11[%run_scoped3A_37, %dma_wait3A_181, %dma_wait3A_182] : memref<2x128x64xf32, #tpu.memory_space<vmem>> -> memref<1x125x64xf32, #tpu.memory_space<vmem>>
      %dma_wait3A_184 = tpu.memref_squeeze %dma_wait3A_183 : memref<1x125x64xf32, #tpu.memory_space<vmem>> -> memref<125x64xf32, #tpu.memory_space<vmem>>
      tpu.wait_dma2 semaphore(%run_scoped3A_160 : memref<!tpu.dma_semaphore, #tpu.memory_space<semaphore_mem>>) src(%dma_wait3A_184 : memref<125x64xf32, #tpu.memory_space<vmem>>) dst(%dma_wait3A_180 : memref<125x64xf32, #tpu.memory_space<vmem_shared>>)
      tpu.yield
    }) : () -> ()
    %run_scoped3A_38 = arith.constant 0 : i32
    "tpu.region"() ({
      %run_scoped3A_160 = tpu.sem_alloc : memref<!tpu.dma_semaphore, #tpu.memory_space<semaphore_mem>>
      %dma_start3A_161 = arith.constant 0 : i32
      %dma_start3A_162 = arith.constant 0 : i32
      %dma_start3A_163 = tpu.memref_slice %arg11[%run_scoped3A_38, %dma_start3A_161, %dma_start3A_162] : memref<2x128x64xf32, #tpu.memory_space<vmem>> -> memref<1x125x64xf32, #tpu.memory_space<vmem>>
      %dma_start3A_164 = tpu.memref_squeeze %dma_start3A_163 : memref<1x125x64xf32, #tpu.memory_space<vmem>> -> memref<125x64xf32, #tpu.memory_space<vmem>>
      %dma_start3A_165 = arith.constant 0 : i32
      %dma_start3A_166 = tpu.memref_slice %arg14[%add3A_36, %dma_start3A_165] : memref<10000x64xf32, #tpu.memory_space<vmem_shared>> -> memref<125x64xf32, #tpu.memory_space<vmem_shared>>
      %dma_start3A_167 = arith.constant 0 : i32
      %dma_start3A_168 = tpu.memref_slice %arg14[%add3A_36, %dma_start3A_167] : memref<10000x64xf32, #tpu.memory_space<vmem_shared>> -> memref<125x64xf32, #tpu.memory_space<vmem_shared>>
      %dma_start3A_169 = arith.constant 0 : i32
      %dma_start3A_170 = arith.constant 0 : i32
      %dma_start3A_171 = tpu.memref_slice %arg11[%run_scoped3A_38, %dma_start3A_169, %dma_start3A_170] : memref<2x128x64xf32, #tpu.memory_space<vmem>> -> memref<1x125x64xf32, #tpu.memory_space<vmem>>
      %dma_start3A_172 = tpu.memref_squeeze %dma_start3A_171 : memref<1x125x64xf32, #tpu.memory_space<vmem>> -> memref<125x64xf32, #tpu.memory_space<vmem>>
      tpu.enqueue_dma source(%dma_start3A_172 : memref<125x64xf32, #tpu.memory_space<vmem>>) target(%dma_start3A_168 : memref<125x64xf32, #tpu.memory_space<vmem_shared>>) target_semaphore(%run_scoped3A_160 : memref<!tpu.dma_semaphore, #tpu.memory_space<semaphore_mem>>)
      %dma_wait3A_173 = arith.constant 0 : i32
      %dma_wait3A_174 = arith.constant 0 : i32
      %dma_wait3A_175 = tpu.memref_slice %arg11[%run_scoped3A_38, %dma_wait3A_173, %dma_wait3A_174] : memref<2x128x64xf32, #tpu.memory_space<vmem>> -> memref<1x125x64xf32, #tpu.memory_space<vmem>>
      %dma_wait3A_176 = tpu.memref_squeeze %dma_wait3A_175 : memref<1x125x64xf32, #tpu.memory_space<vmem>> -> memref<125x64xf32, #tpu.memory_space<vmem>>
      %dma_wait3A_177 = arith.constant 0 : i32
      %dma_wait3A_178 = tpu.memref_slice %arg14[%add3A_36, %dma_wait3A_177] : memref<10000x64xf32, #tpu.memory_space<vmem_shared>> -> memref<125x64xf32, #tpu.memory_space<vmem_shared>>
      %dma_wait3A_179 = arith.constant 0 : i32
      %dma_wait3A_180 = tpu.memref_slice %arg14[%add3A_36, %dma_wait3A_179] : memref<10000x64xf32, #tpu.memory_space<vmem_shared>> -> memref<125x64xf32, #tpu.memory_space<vmem_shared>>
      %dma_wait3A_181 = arith.constant 0 : i32
      %dma_wait3A_182 = arith.constant 0 : i32
      %dma_wait3A_183 = tpu.memref_slice %arg11[%run_scoped3A_38, %dma_wait3A_181, %dma_wait3A_182] : memref<2x128x64xf32, #tpu.memory_space<vmem>> -> memref<1x125x64xf32, #tpu.memory_space<vmem>>
      %dma_wait3A_184 = tpu.memref_squeeze %dma_wait3A_183 : memref<1x125x64xf32, #tpu.memory_space<vmem>> -> memref<125x64xf32, #tpu.memory_space<vmem>>
      tpu.wait_dma2 semaphore(%run_scoped3A_160 : memref<!tpu.dma_semaphore, #tpu.memory_space<semaphore_mem>>) src(%dma_wait3A_184 : memref<125x64xf32, #tpu.memory_space<vmem>>) dst(%dma_wait3A_180 : memref<125x64xf32, #tpu.memory_space<vmem_shared>>)
      tpu.yield
    }) : () -> ()
    %run_scoped3A_39 = arith.constant 0 : i32
    "tpu.region"() ({
      %run_scoped3A_160 = tpu.sem_alloc : memref<!tpu.dma_semaphore, #tpu.memory_space<semaphore_mem>>
      %dma_start3A_161 = arith.constant 0 : i32
      %dma_start3A_162 = arith.constant 0 : i32
      %dma_start3A_163 = tpu.memref_slice %arg11[%run_scoped3A_39, %dma_start3A_161, %dma_start3A_162] : memref<2x128x64xf32, #tpu.memory_space<vmem>> -> memref<1x125x16xf32, #tpu.memory_space<vmem>>
      %dma_start3A_164 = tpu.memref_squeeze %dma_start3A_163 : memref<1x125x16xf32, #tpu.memory_space<vmem>> -> memref<125x16xf32, #tpu.memory_space<vmem>>
      %dma_start3A_165 = arith.constant 0 : i32
      %dma_start3A_166 = tpu.memref_slice %arg15[%add3A_36, %dma_start3A_165] : memref<10000x16xf32, #tpu.memory_space<vmem_shared>> -> memref<125x16xf32, #tpu.memory_space<vmem_shared>>
      %dma_start3A_167 = arith.constant 0 : i32
      %dma_start3A_168 = tpu.memref_slice %arg15[%add3A_36, %dma_start3A_167] : memref<10000x16xf32, #tpu.memory_space<vmem_shared>> -> memref<125x16xf32, #tpu.memory_space<vmem_shared>>
      %dma_start3A_169 = arith.constant 0 : i32
      %dma_start3A_170 = arith.constant 0 : i32
      %dma_start3A_171 = tpu.memref_slice %arg11[%run_scoped3A_39, %dma_start3A_169, %dma_start3A_170] : memref<2x128x64xf32, #tpu.memory_space<vmem>> -> memref<1x125x16xf32, #tpu.memory_space<vmem>>
      %dma_start3A_172 = tpu.memref_squeeze %dma_start3A_171 : memref<1x125x16xf32, #tpu.memory_space<vmem>> -> memref<125x16xf32, #tpu.memory_space<vmem>>
      tpu.enqueue_dma source(%dma_start3A_172 : memref<125x16xf32, #tpu.memory_space<vmem>>) target(%dma_start3A_168 : memref<125x16xf32, #tpu.memory_space<vmem_shared>>) target_semaphore(%run_scoped3A_160 : memref<!tpu.dma_semaphore, #tpu.memory_space<semaphore_mem>>)
      %dma_wait3A_173 = arith.constant 0 : i32
      %dma_wait3A_174 = arith.constant 0 : i32
      %dma_wait3A_175 = tpu.memref_slice %arg11[%run_scoped3A_39, %dma_wait3A_173, %dma_wait3A_174] : memref<2x128x64xf32, #tpu.memory_space<vmem>> -> memref<1x125x16xf32, #tpu.memory_space<vmem>>
      %dma_wait3A_176 = tpu.memref_squeeze %dma_wait3A_175 : memref<1x125x16xf32, #tpu.memory_space<vmem>> -> memref<125x16xf32, #tpu.memory_space<vmem>>
      %dma_wait3A_177 = arith.constant 0 : i32
      %dma_wait3A_178 = tpu.memref_slice %arg15[%add3A_36, %dma_wait3A_177] : memref<10000x16xf32, #tpu.memory_space<vmem_shared>> -> memref<125x16xf32, #tpu.memory_space<vmem_shared>>
      %dma_wait3A_179 = arith.constant 0 : i32
      %dma_wait3A_180 = tpu.memref_slice %arg15[%add3A_36, %dma_wait3A_179] : memref<10000x16xf32, #tpu.memory_space<vmem_shared>> -> memref<125x16xf32, #tpu.memory_space<vmem_shared>>
      %dma_wait3A_181 = arith.constant 0 : i32
      %dma_wait3A_182 = arith.constant 0 : i32
      %dma_wait3A_183 = tpu.memref_slice %arg11[%run_scoped3A_39, %dma_wait3A_181, %dma_wait3A_182] : memref<2x128x64xf32, #tpu.memory_space<vmem>> -> memref<1x125x16xf32, #tpu.memory_space<vmem>>
      %dma_wait3A_184 = tpu.memref_squeeze %dma_wait3A_183 : memref<1x125x16xf32, #tpu.memory_space<vmem>> -> memref<125x16xf32, #tpu.memory_space<vmem>>
      tpu.wait_dma2 semaphore(%run_scoped3A_160 : memref<!tpu.dma_semaphore, #tpu.memory_space<semaphore_mem>>) src(%dma_wait3A_184 : memref<125x16xf32, #tpu.memory_space<vmem>>) dst(%dma_wait3A_180 : memref<125x16xf32, #tpu.memory_space<vmem_shared>>)
      tpu.yield
    }) : () -> ()
    %barrier3A = arith.constant 0 : index
    tpu.barrier barrier_id(%barrier3A)
    %mul3A_40 = arith.constant 19968 : i32
    %mul3A_41 = arith.muli %arg1, %mul3A_40 : i32
    %add3A_42 = arith.constant 0 : i32
    %add3A_43 = arith.addi %mul3A_41, %add3A_42 : i32
    %rem3A = arith.constant 0 : i32
    %rem3A_44 = arith.constant 4 : i32
    %rem3A_45 = arith.remsi %rem3A, %rem3A_44 : i32
    %dma_start3A = arith.constant 0 : i32
    %dma_start3A_46 = tpu.memref_slice %arg8[%rem3A_45, %dma_start3A] : memref<4x128xi32, #tpu.memory_space<vmem>> -> memref<1x128xi32, #tpu.memory_space<vmem>>
    %dma_start3A_47 = tpu.memref_squeeze %dma_start3A_46 : memref<1x128xi32, #tpu.memory_space<vmem>> -> memref<128xi32, #tpu.memory_space<vmem>>
    %dma_start3A_48 = tpu.memref_slice %arg3[%add3A_43] : memref<320000xi32, #tpu.memory_space<hbm>> -> memref<128xi32, #tpu.memory_space<hbm>>
    %dma_start3A_49 = arith.constant 0 : i32
    %dma_start3A_50 = tpu.memref_slice %arg8[%rem3A_45, %dma_start3A_49] : memref<4x128xi32, #tpu.memory_space<vmem>> -> memref<1x128xi32, #tpu.memory_space<vmem>>
    %dma_start3A_51 = tpu.memref_squeeze %dma_start3A_50 : memref<1x128xi32, #tpu.memory_space<vmem>> -> memref<128xi32, #tpu.memory_space<vmem>>
    %dma_start3A_52 = tpu.memref_slice %arg3[%add3A_43] : memref<320000xi32, #tpu.memory_space<hbm>> -> memref<128xi32, #tpu.memory_space<hbm>>
    tpu.enqueue_dma source(%dma_start3A_52 : memref<128xi32, #tpu.memory_space<hbm>>) target(%dma_start3A_51 : memref<128xi32, #tpu.memory_space<vmem>>) target_semaphore(%arg16 : memref<!tpu.dma_semaphore, #tpu.memory_space<semaphore_mem>>)
    %mul3A_53 = arith.constant 64 : i32
    %mul3A_54 = arith.muli %arg0, %mul3A_53 : i32
    %add3A_55 = arith.addi %add3A_43, %mul3A_54 : i32
    %dma_start3A_56 = arith.constant 0 : i32
    %dma_start3A_57 = arith.constant 0 : i32
    %dma_start3A_58 = tpu.memref_slice %arg9[%dma_start3A_56, %dma_start3A_57] : memref<2x64xi32, #tpu.memory_space<vmem>> -> memref<1x64xi32, #tpu.memory_space<vmem>>
    %dma_start3A_59 = tpu.memref_squeeze %dma_start3A_58 : memref<1x64xi32, #tpu.memory_space<vmem>> -> memref<64xi32, #tpu.memory_space<vmem>>
    %dma_start3A_60 = tpu.memref_slice %arg3[%add3A_55] : memref<320000xi32, #tpu.memory_space<hbm>> -> memref<64xi32, #tpu.memory_space<hbm>>
    %dma_start3A_61 = arith.constant 0 : i32
    %dma_start3A_62 = tpu.memref_slice %arg9[%dma_start3A_56, %dma_start3A_61] : memref<2x64xi32, #tpu.memory_space<vmem>> -> memref<1x64xi32, #tpu.memory_space<vmem>>
    %dma_start3A_63 = tpu.memref_squeeze %dma_start3A_62 : memref<1x64xi32, #tpu.memory_space<vmem>> -> memref<64xi32, #tpu.memory_space<vmem>>
    %dma_start3A_64 = tpu.memref_slice %arg3[%add3A_55] : memref<320000xi32, #tpu.memory_space<hbm>> -> memref<64xi32, #tpu.memory_space<hbm>>
    tpu.enqueue_dma source(%dma_start3A_64 : memref<64xi32, #tpu.memory_space<hbm>>) target(%dma_start3A_63 : memref<64xi32, #tpu.memory_space<vmem>>) target_semaphore(%arg16 : memref<!tpu.dma_semaphore, #tpu.memory_space<semaphore_mem>>)
    %dma_start3A_65 = arith.constant 0 : i32
    %dma_start3A_66 = arith.constant 0 : i32
    %dma_start3A_67 = arith.constant 0 : i32
    %dma_start3A_68 = tpu.memref_slice %arg10[%dma_start3A_65, %dma_start3A_66, %dma_start3A_67] : memref<2x128x64xf32, #tpu.memory_space<vmem>> -> memref<1x128x64xf32, #tpu.memory_space<vmem>>
    %dma_start3A_69 = tpu.memref_squeeze %dma_start3A_68 : memref<1x128x64xf32, #tpu.memory_space<vmem>> -> memref<128x64xf32, #tpu.memory_space<vmem>>
    %dma_start3A_70 = tpu.memref_slice %arg2[%add3A_43, %mul3A_0] : memref<320000x128xf32, #tpu.memory_space<hbm>> -> memref<128x64xf32, #tpu.memory_space<hbm>>
    %dma_start3A_71 = arith.constant 0 : i32
    %dma_start3A_72 = arith.constant 0 : i32
    %dma_start3A_73 = tpu.memref_slice %arg10[%dma_start3A_65, %dma_start3A_71, %dma_start3A_72] : memref<2x128x64xf32, #tpu.memory_space<vmem>> -> memref<1x128x64xf32, #tpu.memory_space<vmem>>
    %dma_start3A_74 = tpu.memref_squeeze %dma_start3A_73 : memref<1x128x64xf32, #tpu.memory_space<vmem>> -> memref<128x64xf32, #tpu.memory_space<vmem>>
    %dma_start3A_75 = tpu.memref_slice %arg2[%add3A_43, %mul3A_0] : memref<320000x128xf32, #tpu.memory_space<hbm>> -> memref<128x64xf32, #tpu.memory_space<hbm>>
    tpu.enqueue_dma source(%dma_start3A_75 : memref<128x64xf32, #tpu.memory_space<hbm>>) target(%dma_start3A_74 : memref<128x64xf32, #tpu.memory_space<vmem>>) target_semaphore(%arg16 : memref<!tpu.dma_semaphore, #tpu.memory_space<semaphore_mem>>)
    %scan3A_76 = arith.constant 0 : i32
    %scan3A_77 = arith.constant 0 : i32
    %scan3A_78 = arith.constant 78 : i32
    %scan3A_79 = arith.addi %scan3A_77, %scan3A_78 : i32
    %scan3A_80 = arith.constant 1 : i32
    scf.for %scan3A_160 = %scan3A_77 to %scan3A_79 step %scan3A_80  : i32 {
      %mul3A_161 = arith.constant 2 : i32
      %mul3A_162 = arith.muli %scan3A_160, %mul3A_161 : i32
      %add3A_163 = arith.constant 0 : i32
      %add3A_164 = arith.addi %mul3A_162, %add3A_163 : i32
      %add3A_165 = arith.constant 1 : i32
      %add3A_166 = arith.addi %add3A_164, %add3A_165 : i32
      %lt3A_167 = arith.constant 156 : i32
      %lt3A_168 = arith.cmpi slt, %add3A_166, %lt3A_167 : i32
      %convert_element_type3A_169 = arith.extui %lt3A_168 : i1 to i32
      %cond3A_170 = arith.constant 0 : i32
      %cond3A_171 = arith.cmpi ne, %convert_element_type3A_169, %cond3A_170 : i32
      scf.if %cond3A_171 {
        %ge3A_344 = arith.constant 1 : i32
        %ge3A_345 = arith.cmpi sge, %add3A_164, %ge3A_344 : i32
        %convert_element_type3A_346 = arith.extui %ge3A_345 : i1 to i32
        %cond3A_347 = arith.constant 0 : i32
        %cond3A_348 = arith.cmpi ne, %convert_element_type3A_346, %cond3A_347 : i32
        scf.if %cond3A_348 {
          %dma_wait3A_387 = arith.constant 1 : i32
          %dma_wait3A_388 = arith.constant 0 : i32
          %dma_wait3A_389 = arith.constant 0 : i32
          %dma_wait3A_390 = arith.constant 0 : i32
          %dma_wait3A_391 = tpu.memref_slice %arg10[%dma_wait3A_387, %dma_wait3A_389, %dma_wait3A_390] : memref<2x128x64xf32, #tpu.memory_space<vmem>> -> memref<1x128x64xf32, #tpu.memory_space<vmem>>
          %dma_wait3A_392 = tpu.memref_squeeze %dma_wait3A_391 : memref<1x128x64xf32, #tpu.memory_space<vmem>> -> memref<128x64xf32, #tpu.memory_space<vmem>>
          %dma_wait3A_393 = arith.constant 0 : i32
          %dma_wait3A_394 = tpu.memref_slice %arg8[%dma_wait3A_388, %dma_wait3A_393] : memref<4x128xi32, #tpu.memory_space<vmem>> -> memref<1x128xi32, #tpu.memory_space<vmem>>
          %dma_wait3A_395 = tpu.memref_squeeze %dma_wait3A_394 : memref<1x128xi32, #tpu.memory_space<vmem>> -> memref<128xi32, #tpu.memory_space<vmem>>
          %dma_wait3A_396 = arith.constant 0 : i32
          %dma_wait3A_397 = arith.constant 0 : i32
          %dma_wait3A_398 = tpu.memref_slice %arg13[%dma_wait3A_396, %dma_wait3A_397] : memref<10000x64xf32, #tpu.memory_space<vmem_shared>> -> memref<10000x64xf32, #tpu.memory_space<vmem_shared>>
          tpu.wait_indirect_dma semaphore(%arg19 : memref<!tpu.dma_semaphore, #tpu.memory_space<semaphore_mem>>) src(%dma_wait3A_392 : memref<128x64xf32, #tpu.memory_space<vmem>>) dst(%dma_wait3A_398 : memref<10000x64xf32, #tpu.memory_space<vmem_shared>>)
          %dma_wait3A_399 = arith.constant 1 : i32
          %dma_wait3A_400 = arith.constant 0 : i32
          %dma_wait3A_401 = tpu.memref_slice %arg9[%dma_wait3A_399, %dma_wait3A_400] : memref<2x64xi32, #tpu.memory_space<vmem>> -> memref<1x64xi32, #tpu.memory_space<vmem>>
          %dma_wait3A_402 = tpu.memref_squeeze %dma_wait3A_401 : memref<1x64xi32, #tpu.memory_space<vmem>> -> memref<64xi32, #tpu.memory_space<vmem>>
          %dma_wait3A_403 = arith.constant 0 : i32
          %dma_wait3A_404 = arith.constant 0 : i32
          %dma_wait3A_405 = tpu.memref_slice %arg15[%dma_wait3A_403, %dma_wait3A_404] : memref<10000x16xf32, #tpu.memory_space<vmem_shared>> -> memref<10000x16xf32, #tpu.memory_space<vmem_shared>>
          tpu.wait_indirect_dma semaphore(%arg19 : memref<!tpu.dma_semaphore, #tpu.memory_space<semaphore_mem>>) src(%arg12 : memref<64x16xf32, #tpu.memory_space<vmem>>) dst(%dma_wait3A_405 : memref<10000x16xf32, #tpu.memory_space<vmem_shared>>)
        } else {
        }
        %mul3A_349 = arith.constant 19968 : i32
        %mul3A_350 = arith.muli %arg1, %mul3A_349 : i32
        %mul3A_351 = arith.constant 128 : i32
        %mul3A_352 = arith.muli %add3A_166, %mul3A_351 : i32
        %add3A_353 = arith.addi %mul3A_350, %mul3A_352 : i32
        %rem3A_354 = arith.constant 4 : i32
        %rem3A_355 = arith.remsi %add3A_166, %rem3A_354 : i32
        %dma_start3A_356 = arith.constant 0 : i32
        %dma_start3A_357 = tpu.memref_slice %arg8[%rem3A_355, %dma_start3A_356] : memref<4x128xi32, #tpu.memory_space<vmem>> -> memref<1x128xi32, #tpu.memory_space<vmem>>
        %dma_start3A_358 = tpu.memref_squeeze %dma_start3A_357 : memref<1x128xi32, #tpu.memory_space<vmem>> -> memref<128xi32, #tpu.memory_space<vmem>>
        %dma_start3A_359 = tpu.memref_slice %arg3[%add3A_353] : memref<320000xi32, #tpu.memory_space<hbm>> -> memref<128xi32, #tpu.memory_space<hbm>>
        %dma_start3A_360 = arith.constant 0 : i32
        %dma_start3A_361 = tpu.memref_slice %arg8[%rem3A_355, %dma_start3A_360] : memref<4x128xi32, #tpu.memory_space<vmem>> -> memref<1x128xi32, #tpu.memory_space<vmem>>
        %dma_start3A_362 = tpu.memref_squeeze %dma_start3A_361 : memref<1x128xi32, #tpu.memory_space<vmem>> -> memref<128xi32, #tpu.memory_space<vmem>>
        %dma_start3A_363 = tpu.memref_slice %arg3[%add3A_353] : memref<320000xi32, #tpu.memory_space<hbm>> -> memref<128xi32, #tpu.memory_space<hbm>>
        tpu.enqueue_dma source(%dma_start3A_363 : memref<128xi32, #tpu.memory_space<hbm>>) target(%dma_start3A_362 : memref<128xi32, #tpu.memory_space<vmem>>) target_semaphore(%arg17 : memref<!tpu.dma_semaphore, #tpu.memory_space<semaphore_mem>>)
        %mul3A_364 = arith.constant 64 : i32
        %mul3A_365 = arith.muli %arg0, %mul3A_364 : i32
        %add3A_366 = arith.addi %add3A_353, %mul3A_365 : i32
        %dma_start3A_367 = arith.constant 1 : i32
        %dma_start3A_368 = arith.constant 0 : i32
        %dma_start3A_369 = tpu.memref_slice %arg9[%dma_start3A_367, %dma_start3A_368] : memref<2x64xi32, #tpu.memory_space<vmem>> -> memref<1x64xi32, #tpu.memory_space<vmem>>
        %dma_start3A_370 = tpu.memref_squeeze %dma_start3A_369 : memref<1x64xi32, #tpu.memory_space<vmem>> -> memref<64xi32, #tpu.memory_space<vmem>>
        %dma_start3A_371 = tpu.memref_slice %arg3[%add3A_366] : memref<320000xi32, #tpu.memory_space<hbm>> -> memref<64xi32, #tpu.memory_space<hbm>>
        %dma_start3A_372 = arith.constant 0 : i32
        %dma_start3A_373 = tpu.memref_slice %arg9[%dma_start3A_367, %dma_start3A_372] : memref<2x64xi32, #tpu.memory_space<vmem>> -> memref<1x64xi32, #tpu.memory_space<vmem>>
        %dma_start3A_374 = tpu.memref_squeeze %dma_start3A_373 : memref<1x64xi32, #tpu.memory_space<vmem>> -> memref<64xi32, #tpu.memory_space<vmem>>
        %dma_start3A_375 = tpu.memref_slice %arg3[%add3A_366] : memref<320000xi32, #tpu.memory_space<hbm>> -> memref<64xi32, #tpu.memory_space<hbm>>
        tpu.enqueue_dma source(%dma_start3A_375 : memref<64xi32, #tpu.memory_space<hbm>>) target(%dma_start3A_374 : memref<64xi32, #tpu.memory_space<vmem>>) target_semaphore(%arg17 : memref<!tpu.dma_semaphore, #tpu.memory_space<semaphore_mem>>)
        %dma_start3A_376 = arith.constant 1 : i32
        %dma_start3A_377 = arith.constant 0 : i32
        %dma_start3A_378 = arith.constant 0 : i32
        %dma_start3A_379 = tpu.memref_slice %arg10[%dma_start3A_376, %dma_start3A_377, %dma_start3A_378] : memref<2x128x64xf32, #tpu.memory_space<vmem>> -> memref<1x128x64xf32, #tpu.memory_space<vmem>>
        %dma_start3A_380 = tpu.memref_squeeze %dma_start3A_379 : memref<1x128x64xf32, #tpu.memory_space<vmem>> -> memref<128x64xf32, #tpu.memory_space<vmem>>
        %dma_start3A_381 = tpu.memref_slice %arg2[%add3A_353, %mul3A_0] : memref<320000x128xf32, #tpu.memory_space<hbm>> -> memref<128x64xf32, #tpu.memory_space<hbm>>
        %dma_start3A_382 = arith.constant 0 : i32
        %dma_start3A_383 = arith.constant 0 : i32
        %dma_start3A_384 = tpu.memref_slice %arg10[%dma_start3A_376, %dma_start3A_382, %dma_start3A_383] : memref<2x128x64xf32, #tpu.memory_space<vmem>> -> memref<1x128x64xf32, #tpu.memory_space<vmem>>
        %dma_start3A_385 = tpu.memref_squeeze %dma_start3A_384 : memref<1x128x64xf32, #tpu.memory_space<vmem>> -> memref<128x64xf32, #tpu.memory_space<vmem>>
        %dma_start3A_386 = tpu.memref_slice %arg2[%add3A_353, %mul3A_0] : memref<320000x128xf32, #tpu.memory_space<hbm>> -> memref<128x64xf32, #tpu.memory_space<hbm>>
        tpu.enqueue_dma source(%dma_start3A_386 : memref<128x64xf32, #tpu.memory_space<hbm>>) target(%dma_start3A_385 : memref<128x64xf32, #tpu.memory_space<vmem>>) target_semaphore(%arg17 : memref<!tpu.dma_semaphore, #tpu.memory_space<semaphore_mem>>)
      } else {
      }
      %dma_wait3A_172 = arith.constant 0 : i32
      %dma_wait3A_173 = arith.constant 0 : i32
      %dma_wait3A_174 = tpu.memref_slice %arg8[%dma_wait3A_172, %dma_wait3A_173] : memref<4x128xi32, #tpu.memory_space<vmem>> -> memref<1x128xi32, #tpu.memory_space<vmem>>
      %dma_wait3A_175 = tpu.memref_squeeze %dma_wait3A_174 : memref<1x128xi32, #tpu.memory_space<vmem>> -> memref<128xi32, #tpu.memory_space<vmem>>
      %dma_wait3A_176 = arith.constant 0 : i32
      %dma_wait3A_177 = tpu.memref_slice %arg3[%dma_wait3A_176] : memref<320000xi32, #tpu.memory_space<hbm>> -> memref<128xi32, #tpu.memory_space<hbm>>
      %dma_wait3A_178 = arith.constant 0 : i32
      %dma_wait3A_179 = tpu.memref_slice %arg8[%dma_wait3A_172, %dma_wait3A_178] : memref<4x128xi32, #tpu.memory_space<vmem>> -> memref<1x128xi32, #tpu.memory_space<vmem>>
      %dma_wait3A_180 = tpu.memref_squeeze %dma_wait3A_179 : memref<1x128xi32, #tpu.memory_space<vmem>> -> memref<128xi32, #tpu.memory_space<vmem>>
      %dma_wait3A_181 = arith.constant 0 : i32
      %dma_wait3A_182 = tpu.memref_slice %arg3[%dma_wait3A_181] : memref<320000xi32, #tpu.memory_space<hbm>> -> memref<128xi32, #tpu.memory_space<hbm>>
      tpu.wait_dma2 semaphore(%arg16 : memref<!tpu.dma_semaphore, #tpu.memory_space<semaphore_mem>>) src(%dma_wait3A_182 : memref<128xi32, #tpu.memory_space<hbm>>) dst(%dma_wait3A_180 : memref<128xi32, #tpu.memory_space<vmem>>)
      %dma_wait3A_183 = arith.constant 0 : i32
      %dma_wait3A_184 = arith.constant 0 : i32
      %dma_wait3A_185 = tpu.memref_slice %arg9[%dma_wait3A_183, %dma_wait3A_184] : memref<2x64xi32, #tpu.memory_space<vmem>> -> memref<1x64xi32, #tpu.memory_space<vmem>>
      %dma_wait3A_186 = tpu.memref_squeeze %dma_wait3A_185 : memref<1x64xi32, #tpu.memory_space<vmem>> -> memref<64xi32, #tpu.memory_space<vmem>>
      %dma_wait3A_187 = arith.constant 0 : i32
      %dma_wait3A_188 = tpu.memref_slice %arg3[%dma_wait3A_187] : memref<320000xi32, #tpu.memory_space<hbm>> -> memref<64xi32, #tpu.memory_space<hbm>>
      %dma_wait3A_189 = arith.constant 0 : i32
      %dma_wait3A_190 = tpu.memref_slice %arg9[%dma_wait3A_183, %dma_wait3A_189] : memref<2x64xi32, #tpu.memory_space<vmem>> -> memref<1x64xi32, #tpu.memory_space<vmem>>
      %dma_wait3A_191 = tpu.memref_squeeze %dma_wait3A_190 : memref<1x64xi32, #tpu.memory_space<vmem>> -> memref<64xi32, #tpu.memory_space<vmem>>
      %dma_wait3A_192 = arith.constant 0 : i32
      %dma_wait3A_193 = tpu.memref_slice %arg3[%dma_wait3A_192] : memref<320000xi32, #tpu.memory_space<hbm>> -> memref<64xi32, #tpu.memory_space<hbm>>
      tpu.wait_dma2 semaphore(%arg16 : memref<!tpu.dma_semaphore, #tpu.memory_space<semaphore_mem>>) src(%dma_wait3A_193 : memref<64xi32, #tpu.memory_space<hbm>>) dst(%dma_wait3A_191 : memref<64xi32, #tpu.memory_space<vmem>>)
      %dma_wait3A_194 = arith.constant 0 : i32
      %dma_wait3A_195 = arith.constant 0 : i32
      %dma_wait3A_196 = arith.constant 0 : i32
      %dma_wait3A_197 = tpu.memref_slice %arg10[%dma_wait3A_194, %dma_wait3A_195, %dma_wait3A_196] : memref<2x128x64xf32, #tpu.memory_space<vmem>> -> memref<1x128x64xf32, #tpu.memory_space<vmem>>
      %dma_wait3A_198 = tpu.memref_squeeze %dma_wait3A_197 : memref<1x128x64xf32, #tpu.memory_space<vmem>> -> memref<128x64xf32, #tpu.memory_space<vmem>>
      %dma_wait3A_199 = arith.constant 0 : i32
      %dma_wait3A_200 = arith.constant 0 : i32
      %dma_wait3A_201 = tpu.memref_slice %arg2[%dma_wait3A_199, %dma_wait3A_200] : memref<320000x128xf32, #tpu.memory_space<hbm>> -> memref<128x64xf32, #tpu.memory_space<hbm>>
      %dma_wait3A_202 = arith.constant 0 : i32
      %dma_wait3A_203 = arith.constant 0 : i32
      %dma_wait3A_204 = tpu.memref_slice %arg10[%dma_wait3A_194, %dma_wait3A_202, %dma_wait3A_203] : memref<2x128x64xf32, #tpu.memory_space<vmem>> -> memref<1x128x64xf32, #tpu.memory_space<vmem>>
      %dma_wait3A_205 = tpu.memref_squeeze %dma_wait3A_204 : memref<1x128x64xf32, #tpu.memory_space<vmem>> -> memref<128x64xf32, #tpu.memory_space<vmem>>
      %dma_wait3A_206 = arith.constant 0 : i32
      %dma_wait3A_207 = arith.constant 0 : i32
      %dma_wait3A_208 = tpu.memref_slice %arg2[%dma_wait3A_206, %dma_wait3A_207] : memref<320000x128xf32, #tpu.memory_space<hbm>> -> memref<128x64xf32, #tpu.memory_space<hbm>>
      tpu.wait_dma2 semaphore(%arg16 : memref<!tpu.dma_semaphore, #tpu.memory_space<semaphore_mem>>) src(%dma_wait3A_208 : memref<128x64xf32, #tpu.memory_space<hbm>>) dst(%dma_wait3A_205 : memref<128x64xf32, #tpu.memory_space<vmem>>)
      %rem3A_209 = arith.constant 4 : i32
      %rem3A_210 = arith.remsi %add3A_164, %rem3A_209 : i32
      %dma_start3A_211 = arith.constant 0 : i32
      %dma_start3A_212 = arith.constant 0 : i32
      %dma_start3A_213 = arith.constant 0 : i32
      %dma_start3A_214 = tpu.memref_slice %arg10[%dma_start3A_211, %dma_start3A_212, %dma_start3A_213] : memref<2x128x64xf32, #tpu.memory_space<vmem>> -> memref<1x128x64xf32, #tpu.memory_space<vmem>>
      %dma_start3A_215 = tpu.memref_squeeze %dma_start3A_214 : memref<1x128x64xf32, #tpu.memory_space<vmem>> -> memref<128x64xf32, #tpu.memory_space<vmem>>
      %dma_start3A_216 = arith.constant 0 : i32
      %dma_start3A_217 = tpu.memref_slice %arg8[%rem3A_210, %dma_start3A_216] : memref<4x128xi32, #tpu.memory_space<vmem>> -> memref<1x128xi32, #tpu.memory_space<vmem>>
      %dma_start3A_218 = tpu.memref_squeeze %dma_start3A_217 : memref<1x128xi32, #tpu.memory_space<vmem>> -> memref<128xi32, #tpu.memory_space<vmem>>
      %dma_start3A_219 = arith.constant 0 : i32
      %dma_start3A_220 = arith.constant 0 : i32
      %dma_start3A_221 = tpu.memref_slice %arg13[%dma_start3A_219, %dma_start3A_220] : memref<10000x64xf32, #tpu.memory_space<vmem_shared>> -> memref<10000x64xf32, #tpu.memory_space<vmem_shared>>
      tpu.enqueue_indirect_dma source(%dma_start3A_215 : memref<128x64xf32, #tpu.memory_space<vmem>>) target(%dma_start3A_221 : memref<10000x64xf32, #tpu.memory_space<vmem_shared>>) offsets(%dma_start3A_218 : memref<128xi32, #tpu.memory_space<vmem>>) semaphore(%arg18 : memref<!tpu.dma_semaphore, #tpu.memory_space<semaphore_mem>>) {add = true}
      %dma_start3A_222 = arith.constant 0 : i32
      %dma_start3A_223 = arith.constant 0 : i32
      %dma_start3A_224 = tpu.memref_slice %arg9[%dma_start3A_222, %dma_start3A_223] : memref<2x64xi32, #tpu.memory_space<vmem>> -> memref<1x64xi32, #tpu.memory_space<vmem>>
      %dma_start3A_225 = tpu.memref_squeeze %dma_start3A_224 : memref<1x64xi32, #tpu.memory_space<vmem>> -> memref<64xi32, #tpu.memory_space<vmem>>
      %dma_start3A_226 = arith.constant 0 : i32
      %dma_start3A_227 = arith.constant 0 : i32
      %dma_start3A_228 = tpu.memref_slice %arg15[%dma_start3A_226, %dma_start3A_227] : memref<10000x16xf32, #tpu.memory_space<vmem_shared>> -> memref<10000x16xf32, #tpu.memory_space<vmem_shared>>
      tpu.enqueue_indirect_dma source(%arg12 : memref<64x16xf32, #tpu.memory_space<vmem>>) target(%dma_start3A_228 : memref<10000x16xf32, #tpu.memory_space<vmem_shared>>) offsets(%dma_start3A_225 : memref<64xi32, #tpu.memory_space<vmem>>) semaphore(%arg18 : memref<!tpu.dma_semaphore, #tpu.memory_space<semaphore_mem>>) {add = true}
      %ge3A = arith.constant 2 : i32
      %ge3A_229 = arith.cmpi sge, %add3A_164, %ge3A : i32
      %convert_element_type3A_230 = arith.extui %ge3A_229 : i1 to i32
      %cond3A_231 = arith.constant 0 : i32
      %cond3A_232 = arith.cmpi ne, %convert_element_type3A_230, %cond3A_231 : i32
      scf.if %cond3A_232 {
        %dma_wait3A_344 = arith.constant 0 : i32
        %dma_wait3A_345 = arith.constant 0 : i32
        %dma_wait3A_346 = arith.constant 0 : i32
        %dma_wait3A_347 = arith.constant 0 : i32
        %dma_wait3A_348 = tpu.memref_slice %arg11[%dma_wait3A_344, %dma_wait3A_346, %dma_wait3A_347] : memref<2x128x64xf32, #tpu.memory_space<vmem>> -> memref<1x128x64xf32, #tpu.memory_space<vmem>>
        %dma_wait3A_349 = tpu.memref_squeeze %dma_wait3A_348 : memref<1x128x64xf32, #tpu.memory_space<vmem>> -> memref<128x64xf32, #tpu.memory_space<vmem>>
        %dma_wait3A_350 = arith.constant 0 : i32
        %dma_wait3A_351 = tpu.memref_slice %arg8[%dma_wait3A_345, %dma_wait3A_350] : memref<4x128xi32, #tpu.memory_space<vmem>> -> memref<1x128xi32, #tpu.memory_space<vmem>>
        %dma_wait3A_352 = tpu.memref_squeeze %dma_wait3A_351 : memref<1x128xi32, #tpu.memory_space<vmem>> -> memref<128xi32, #tpu.memory_space<vmem>>
        %dma_wait3A_353 = arith.constant 0 : i32
        %dma_wait3A_354 = arith.constant 0 : i32
        %dma_wait3A_355 = tpu.memref_slice %arg14[%dma_wait3A_353, %dma_wait3A_354] : memref<10000x64xf32, #tpu.memory_space<vmem_shared>> -> memref<10000x64xf32, #tpu.memory_space<vmem_shared>>
        tpu.wait_indirect_dma semaphore(%arg20 : memref<!tpu.dma_semaphore, #tpu.memory_space<semaphore_mem>>) src(%dma_wait3A_349 : memref<128x64xf32, #tpu.memory_space<vmem>>) dst(%dma_wait3A_355 : memref<10000x64xf32, #tpu.memory_space<vmem_shared>>)
      } else {
      }
      %scan3A_233 = arith.constant 0 : i32
      %scan3A_234 = arith.constant 0 : i32
      %scan3A_235 = arith.constant 32 : i32
      %scan3A_236 = arith.addi %scan3A_234, %scan3A_235 : i32
      %scan3A_237 = arith.constant 1 : i32
      scf.for %scan3A_344 = %scan3A_234 to %scan3A_236 step %scan3A_237  : i32 {
        %mul3A_345 = arith.constant 4 : i32
        %mul3A_346 = arith.muli %scan3A_344, %mul3A_345 : i32
        %add3A_347 = arith.constant 0 : i32
        %add3A_348 = arith.addi %mul3A_346, %add3A_347 : i32
        %get3A = arith.constant 0 : i32
        %get3A_349 = arith.index_cast %get3A : i32 to index
        %get3A_350 = arith.index_cast %add3A_348 : i32 to index
        %get3A_351 = arith.constant 0 : index
        %get3A_352 = tpu.vector_load %arg10[%get3A_349, %get3A_350, %get3A_351] {strides = array<i32>} : memref<2x128x64xf32, #tpu.memory_space<vmem>>, vector<1x1x16xf32>,
        %get3A_353 = vector.shape_cast %get3A_352 : vector<1x1x16xf32> to vector<16xf32>
        %mul3A_354 = arith.mulf %get3A_353, %get3A_353 : vector<16xf32>
        %swap3A = arith.constant 0 : i32
        %swap3A_355 = arith.index_cast %swap3A : i32 to index
        %swap3A_356 = arith.index_cast %add3A_348 : i32 to index
        %swap3A_357 = arith.constant 0 : index
        %swap3A_358 = tpu.vector_load %arg11[%swap3A_355, %swap3A_356, %swap3A_357] {strides = array<i32>} : memref<2x128x64xf32, #tpu.memory_space<vmem>>, vector<1x1x16xf32>,
        %swap3A_359 = vector.shape_cast %swap3A_358 : vector<1x1x16xf32> to vector<16xf32>
        %swap3A_360 = vector.shape_cast %mul3A_354 : vector<16xf32> to vector<1x1x16xf32>
        tpu.vector_store %arg11[%swap3A_355, %swap3A_356, %swap3A_357], %swap3A_360 {strides = array<i32>} : memref<2x128x64xf32, #tpu.memory_space<vmem>>, vector<1x1x16xf32>,
        %get3A_361 = arith.constant 0 : i32
        %get3A_362 = arith.index_cast %get3A_361 : i32 to index
        %get3A_363 = arith.index_cast %add3A_348 : i32 to index
        %get3A_364 = arith.constant 16 : index
        %get3A_365 = tpu.vector_load %arg10[%get3A_362, %get3A_363, %get3A_364] {strides = array<i32>} : memref<2x128x64xf32, #tpu.memory_space<vmem>>, vector<1x1x16xf32>,
        %get3A_366 = vector.shape_cast %get3A_365 : vector<1x1x16xf32> to vector<16xf32>
        %mul3A_367 = arith.mulf %get3A_366, %get3A_366 : vector<16xf32>
        %swap3A_368 = arith.constant 0 : i32
        %swap3A_369 = arith.index_cast %swap3A_368 : i32 to index
        %swap3A_370 = arith.index_cast %add3A_348 : i32 to index
        %swap3A_371 = arith.constant 16 : index
        %swap3A_372 = tpu.vector_load %arg11[%swap3A_369, %swap3A_370, %swap3A_371] {strides = array<i32>} : memref<2x128x64xf32, #tpu.memory_space<vmem>>, vector<1x1x16xf32>,
        %swap3A_373 = vector.shape_cast %swap3A_372 : vector<1x1x16xf32> to vector<16xf32>
        %swap3A_374 = vector.shape_cast %mul3A_367 : vector<16xf32> to vector<1x1x16xf32>
        tpu.vector_store %arg11[%swap3A_369, %swap3A_370, %swap3A_371], %swap3A_374 {strides = array<i32>} : memref<2x128x64xf32, #tpu.memory_space<vmem>>, vector<1x1x16xf32>,
        %get3A_375 = arith.constant 0 : i32
        %get3A_376 = arith.index_cast %get3A_375 : i32 to index
        %get3A_377 = arith.index_cast %add3A_348 : i32 to index
        %get3A_378 = arith.constant 32 : index
        %get3A_379 = tpu.vector_load %arg10[%get3A_376, %get3A_377, %get3A_378] {strides = array<i32>} : memref<2x128x64xf32, #tpu.memory_space<vmem>>, vector<1x1x16xf32>,
        %get3A_380 = vector.shape_cast %get3A_379 : vector<1x1x16xf32> to vector<16xf32>
        %mul3A_381 = arith.mulf %get3A_380, %get3A_380 : vector<16xf32>
        %swap3A_382 = arith.constant 0 : i32
        %swap3A_383 = arith.index_cast %swap3A_382 : i32 to index
        %swap3A_384 = arith.index_cast %add3A_348 : i32 to index
        %swap3A_385 = arith.constant 32 : index
        %swap3A_386 = tpu.vector_load %arg11[%swap3A_383, %swap3A_384, %swap3A_385] {strides = array<i32>} : memref<2x128x64xf32, #tpu.memory_space<vmem>>, vector<1x1x16xf32>,
        %swap3A_387 = vector.shape_cast %swap3A_386 : vector<1x1x16xf32> to vector<16xf32>
        %swap3A_388 = vector.shape_cast %mul3A_381 : vector<16xf32> to vector<1x1x16xf32>
        tpu.vector_store %arg11[%swap3A_383, %swap3A_384, %swap3A_385], %swap3A_388 {strides = array<i32>} : memref<2x128x64xf32, #tpu.memory_space<vmem>>, vector<1x1x16xf32>,
        %get3A_389 = arith.constant 0 : i32
        %get3A_390 = arith.index_cast %get3A_389 : i32 to index
        %get3A_391 = arith.index_cast %add3A_348 : i32 to index
        %get3A_392 = arith.constant 48 : index
        %get3A_393 = tpu.vector_load %arg10[%get3A_390, %get3A_391, %get3A_392] {strides = array<i32>} : memref<2x128x64xf32, #tpu.memory_space<vmem>>, vector<1x1x16xf32>,
        %get3A_394 = vector.shape_cast %get3A_393 : vector<1x1x16xf32> to vector<16xf32>
        %mul3A_395 = arith.mulf %get3A_394, %get3A_394 : vector<16xf32>
        %swap3A_396 = arith.constant 0 : i32
        %swap3A_397 = arith.index_cast %swap3A_396 : i32 to index
        %swap3A_398 = arith.index_cast %add3A_348 : i32 to index
        %swap3A_399 = arith.constant 48 : index
        %swap3A_400 = tpu.vector_load %arg11[%swap3A_397, %swap3A_398, %swap3A_399] {strides = array<i32>} : memref<2x128x64xf32, #tpu.memory_space<vmem>>, vector<1x1x16xf32>,
        %swap3A_401 = vector.shape_cast %swap3A_400 : vector<1x1x16xf32> to vector<16xf32>
        %swap3A_402 = vector.shape_cast %mul3A_395 : vector<16xf32> to vector<1x1x16xf32>
        tpu.vector_store %arg11[%swap3A_397, %swap3A_398, %swap3A_399], %swap3A_402 {strides = array<i32>} : memref<2x128x64xf32, #tpu.memory_space<vmem>>, vector<1x1x16xf32>,
        %mul3A_403 = arith.constant 4 : i32
        %mul3A_404 = arith.muli %scan3A_344, %mul3A_403 : i32
        %add3A_405 = arith.constant 1 : i32
        %add3A_406 = arith.addi %mul3A_404, %add3A_405 : i32
        %get3A_407 = arith.constant 0 : i32
        %get3A_408 = arith.index_cast %get3A_407 : i32 to index
        %get3A_409 = arith.index_cast %add3A_406 : i32 to index
        %get3A_410 = arith.constant 0 : index
        %get3A_411 = tpu.vector_load %arg10[%get3A_408, %get3A_409, %get3A_410] {strides = array<i32>} : memref<2x128x64xf32, #tpu.memory_space<vmem>>, vector<1x1x16xf32>,
        %get3A_412 = vector.shape_cast %get3A_411 : vector<1x1x16xf32> to vector<16xf32>
        %mul3A_413 = arith.mulf %get3A_412, %get3A_412 : vector<16xf32>
        %swap3A_414 = arith.constant 0 : i32
        %swap3A_415 = arith.index_cast %swap3A_414 : i32 to index
        %swap3A_416 = arith.index_cast %add3A_406 : i32 to index
        %swap3A_417 = arith.constant 0 : index
        %swap3A_418 = tpu.vector_load %arg11[%swap3A_415, %swap3A_416, %swap3A_417] {strides = array<i32>} : memref<2x128x64xf32, #tpu.memory_space<vmem>>, vector<1x1x16xf32>,
        %swap3A_419 = vector.shape_cast %swap3A_418 : vector<1x1x16xf32> to vector<16xf32>
        %swap3A_420 = vector.shape_cast %mul3A_413 : vector<16xf32> to vector<1x1x16xf32>
        tpu.vector_store %arg11[%swap3A_415, %swap3A_416, %swap3A_417], %swap3A_420 {strides = array<i32>} : memref<2x128x64xf32, #tpu.memory_space<vmem>>, vector<1x1x16xf32>,
        %get3A_421 = arith.constant 0 : i32
        %get3A_422 = arith.index_cast %get3A_421 : i32 to index
        %get3A_423 = arith.index_cast %add3A_406 : i32 to index
        %get3A_424 = arith.constant 16 : index
        %get3A_425 = tpu.vector_load %arg10[%get3A_422, %get3A_423, %get3A_424] {strides = array<i32>} : memref<2x128x64xf32, #tpu.memory_space<vmem>>, vector<1x1x16xf32>,
        %get3A_426 = vector.shape_cast %get3A_425 : vector<1x1x16xf32> to vector<16xf32>
        %mul3A_427 = arith.mulf %get3A_426, %get3A_426 : vector<16xf32>
        %swap3A_428 = arith.constant 0 : i32
        %swap3A_429 = arith.index_cast %swap3A_428 : i32 to index
        %swap3A_430 = arith.index_cast %add3A_406 : i32 to index
        %swap3A_431 = arith.constant 16 : index
        %swap3A_432 = tpu.vector_load %arg11[%swap3A_429, %swap3A_430, %swap3A_431] {strides = array<i32>} : memref<2x128x64xf32, #tpu.memory_space<vmem>>, vector<1x1x16xf32>,
        %swap3A_433 = vector.shape_cast %swap3A_432 : vector<1x1x16xf32> to vector<16xf32>
        %swap3A_434 = vector.shape_cast %mul3A_427 : vector<16xf32> to vector<1x1x16xf32>
        tpu.vector_store %arg11[%swap3A_429, %swap3A_430, %swap3A_431], %swap3A_434 {strides = array<i32>} : memref<2x128x64xf32, #tpu.memory_space<vmem>>, vector<1x1x16xf32>,
        %get3A_435 = arith.constant 0 : i32
        %get3A_436 = arith.index_cast %get3A_435 : i32 to index
        %get3A_437 = arith.index_cast %add3A_406 : i32 to index
        %get3A_438 = arith.constant 32 : index
        %get3A_439 = tpu.vector_load %arg10[%get3A_436, %get3A_437, %get3A_438] {strides = array<i32>} : memref<2x128x64xf32, #tpu.memory_space<vmem>>, vector<1x1x16xf32>,
        %get3A_440 = vector.shape_cast %get3A_439 : vector<1x1x16xf32> to vector<16xf32>
        %mul3A_441 = arith.mulf %get3A_440, %get3A_440 : vector<16xf32>
        %swap3A_442 = arith.constant 0 : i32
        %swap3A_443 = arith.index_cast %swap3A_442 : i32 to index
        %swap3A_444 = arith.index_cast %add3A_406 : i32 to index
        %swap3A_445 = arith.constant 32 : index
        %swap3A_446 = tpu.vector_load %arg11[%swap3A_443, %swap3A_444, %swap3A_445] {strides = array<i32>} : memref<2x128x64xf32, #tpu.memory_space<vmem>>, vector<1x1x16xf32>,
        %swap3A_447 = vector.shape_cast %swap3A_446 : vector<1x1x16xf32> to vector<16xf32>
        %swap3A_448 = vector.shape_cast %mul3A_441 : vector<16xf32> to vector<1x1x16xf32>
        tpu.vector_store %arg11[%swap3A_443, %swap3A_444, %swap3A_445], %swap3A_448 {strides = array<i32>} : memref<2x128x64xf32, #tpu.memory_space<vmem>>, vector<1x1x16xf32>,
        %get3A_449 = arith.constant 0 : i32
        %get3A_450 = arith.index_cast %get3A_449 : i32 to index
        %get3A_451 = arith.index_cast %add3A_406 : i32 to index
        %get3A_452 = arith.constant 48 : index
        %get3A_453 = tpu.vector_load %arg10[%get3A_450, %get3A_451, %get3A_452] {strides = array<i32>} : memref<2x128x64xf32, #tpu.memory_space<vmem>>, vector<1x1x16xf32>,
        %get3A_454 = vector.shape_cast %get3A_453 : vector<1x1x16xf32> to vector<16xf32>
        %mul3A_455 = arith.mulf %get3A_454, %get3A_454 : vector<16xf32>
        %swap3A_456 = arith.constant 0 : i32
        %swap3A_457 = arith.index_cast %swap3A_456 : i32 to index
        %swap3A_458 = arith.index_cast %add3A_406 : i32 to index
        %swap3A_459 = arith.constant 48 : index
        %swap3A_460 = tpu.vector_load %arg11[%swap3A_457, %swap3A_458, %swap3A_459] {strides = array<i32>} : memref<2x128x64xf32, #tpu.memory_space<vmem>>, vector<1x1x16xf32>,
        %swap3A_461 = vector.shape_cast %swap3A_460 : vector<1x1x16xf32> to vector<16xf32>
        %swap3A_462 = vector.shape_cast %mul3A_455 : vector<16xf32> to vector<1x1x16xf32>
        tpu.vector_store %arg11[%swap3A_457, %swap3A_458, %swap3A_459], %swap3A_462 {strides = array<i32>} : memref<2x128x64xf32, #tpu.memory_space<vmem>>, vector<1x1x16xf32>,
        %mul3A_463 = arith.constant 4 : i32
        %mul3A_464 = arith.muli %scan3A_344, %mul3A_463 : i32
        %add3A_465 = arith.constant 2 : i32
        %add3A_466 = arith.addi %mul3A_464, %add3A_465 : i32
        %get3A_467 = arith.constant 0 : i32
        %get3A_468 = arith.index_cast %get3A_467 : i32 to index
        %get3A_469 = arith.index_cast %add3A_466 : i32 to index
        %get3A_470 = arith.constant 0 : index
        %get3A_471 = tpu.vector_load %arg10[%get3A_468, %get3A_469, %get3A_470] {strides = array<i32>} : memref<2x128x64xf32, #tpu.memory_space<vmem>>, vector<1x1x16xf32>,
        %get3A_472 = vector.shape_cast %get3A_471 : vector<1x1x16xf32> to vector<16xf32>
        %mul3A_473 = arith.mulf %get3A_472, %get3A_472 : vector<16xf32>
        %swap3A_474 = arith.constant 0 : i32
        %swap3A_475 = arith.index_cast %swap3A_474 : i32 to index
        %swap3A_476 = arith.index_cast %add3A_466 : i32 to index
        %swap3A_477 = arith.constant 0 : index
        %swap3A_478 = tpu.vector_load %arg11[%swap3A_475, %swap3A_476, %swap3A_477] {strides = array<i32>} : memref<2x128x64xf32, #tpu.memory_space<vmem>>, vector<1x1x16xf32>,
        %swap3A_479 = vector.shape_cast %swap3A_478 : vector<1x1x16xf32> to vector<16xf32>
        %swap3A_480 = vector.shape_cast %mul3A_473 : vector<16xf32> to vector<1x1x16xf32>
        tpu.vector_store %arg11[%swap3A_475, %swap3A_476, %swap3A_477], %swap3A_480 {strides = array<i32>} : memref<2x128x64xf32, #tpu.memory_space<vmem>>, vector<1x1x16xf32>,
        %get3A_481 = arith.constant 0 : i32
        %get3A_482 = arith.index_cast %get3A_481 : i32 to index
        %get3A_483 = arith.index_cast %add3A_466 : i32 to index
        %get3A_484 = arith.constant 16 : index
        %get3A_485 = tpu.vector_load %arg10[%get3A_482, %get3A_483, %get3A_484] {strides = array<i32>} : memref<2x128x64xf32, #tpu.memory_space<vmem>>, vector<1x1x16xf32>,
        %get3A_486 = vector.shape_cast %get3A_485 : vector<1x1x16xf32> to vector<16xf32>
        %mul3A_487 = arith.mulf %get3A_486, %get3A_486 : vector<16xf32>
        %swap3A_488 = arith.constant 0 : i32
        %swap3A_489 = arith.index_cast %swap3A_488 : i32 to index
        %swap3A_490 = arith.index_cast %add3A_466 : i32 to index
        %swap3A_491 = arith.constant 16 : index
        %swap3A_492 = tpu.vector_load %arg11[%swap3A_489, %swap3A_490, %swap3A_491] {strides = array<i32>} : memref<2x128x64xf32, #tpu.memory_space<vmem>>, vector<1x1x16xf32>,
        %swap3A_493 = vector.shape_cast %swap3A_492 : vector<1x1x16xf32> to vector<16xf32>
        %swap3A_494 = vector.shape_cast %mul3A_487 : vector<16xf32> to vector<1x1x16xf32>
        tpu.vector_store %arg11[%swap3A_489, %swap3A_490, %swap3A_491], %swap3A_494 {strides = array<i32>} : memref<2x128x64xf32, #tpu.memory_space<vmem>>, vector<1x1x16xf32>,
        %get3A_495 = arith.constant 0 : i32
        %get3A_496 = arith.index_cast %get3A_495 : i32 to index
        %get3A_497 = arith.index_cast %add3A_466 : i32 to index
        %get3A_498 = arith.constant 32 : index
        %get3A_499 = tpu.vector_load %arg10[%get3A_496, %get3A_497, %get3A_498] {strides = array<i32>} : memref<2x128x64xf32, #tpu.memory_space<vmem>>, vector<1x1x16xf32>,
        %get3A_500 = vector.shape_cast %get3A_499 : vector<1x1x16xf32> to vector<16xf32>
        %mul3A_501 = arith.mulf %get3A_500, %get3A_500 : vector<16xf32>
        %swap3A_502 = arith.constant 0 : i32
        %swap3A_503 = arith.index_cast %swap3A_502 : i32 to index
        %swap3A_504 = arith.index_cast %add3A_466 : i32 to index
        %swap3A_505 = arith.constant 32 : index
        %swap3A_506 = tpu.vector_load %arg11[%swap3A_503, %swap3A_504, %swap3A_505] {strides = array<i32>} : memref<2x128x64xf32, #tpu.memory_space<vmem>>, vector<1x1x16xf32>,
        %swap3A_507 = vector.shape_cast %swap3A_506 : vector<1x1x16xf32> to vector<16xf32>
        %swap3A_508 = vector.shape_cast %mul3A_501 : vector<16xf32> to vector<1x1x16xf32>
        tpu.vector_store %arg11[%swap3A_503, %swap3A_504, %swap3A_505], %swap3A_508 {strides = array<i32>} : memref<2x128x64xf32, #tpu.memory_space<vmem>>, vector<1x1x16xf32>,
        %get3A_509 = arith.constant 0 : i32
        %get3A_510 = arith.index_cast %get3A_509 : i32 to index
        %get3A_511 = arith.index_cast %add3A_466 : i32 to index
        %get3A_512 = arith.constant 48 : index
        %get3A_513 = tpu.vector_load %arg10[%get3A_510, %get3A_511, %get3A_512] {strides = array<i32>} : memref<2x128x64xf32, #tpu.memory_space<vmem>>, vector<1x1x16xf32>,
        %get3A_514 = vector.shape_cast %get3A_513 : vector<1x1x16xf32> to vector<16xf32>
        %mul3A_515 = arith.mulf %get3A_514, %get3A_514 : vector<16xf32>
        %swap3A_516 = arith.constant 0 : i32
        %swap3A_517 = arith.index_cast %swap3A_516 : i32 to index
        %swap3A_518 = arith.index_cast %add3A_466 : i32 to index
        %swap3A_519 = arith.constant 48 : index
        %swap3A_520 = tpu.vector_load %arg11[%swap3A_517, %swap3A_518, %swap3A_519] {strides = array<i32>} : memref<2x128x64xf32, #tpu.memory_space<vmem>>, vector<1x1x16xf32>,
        %swap3A_521 = vector.shape_cast %swap3A_520 : vector<1x1x16xf32> to vector<16xf32>
        %swap3A_522 = vector.shape_cast %mul3A_515 : vector<16xf32> to vector<1x1x16xf32>
        tpu.vector_store %arg11[%swap3A_517, %swap3A_518, %swap3A_519], %swap3A_522 {strides = array<i32>} : memref<2x128x64xf32, #tpu.memory_space<vmem>>, vector<1x1x16xf32>,
        %mul3A_523 = arith.constant 4 : i32
        %mul3A_524 = arith.muli %scan3A_344, %mul3A_523 : i32
        %add3A_525 = arith.constant 3 : i32
        %add3A_526 = arith.addi %mul3A_524, %add3A_525 : i32
        %get3A_527 = arith.constant 0 : i32
        %get3A_528 = arith.index_cast %get3A_527 : i32 to index
        %get3A_529 = arith.index_cast %add3A_526 : i32 to index
        %get3A_530 = arith.constant 0 : index
        %get3A_531 = tpu.vector_load %arg10[%get3A_528, %get3A_529, %get3A_530] {strides = array<i32>} : memref<2x128x64xf32, #tpu.memory_space<vmem>>, vector<1x1x16xf32>,
        %get3A_532 = vector.shape_cast %get3A_531 : vector<1x1x16xf32> to vector<16xf32>
        %mul3A_533 = arith.mulf %get3A_532, %get3A_532 : vector<16xf32>
        %swap3A_534 = arith.constant 0 : i32
        %swap3A_535 = arith.index_cast %swap3A_534 : i32 to index
        %swap3A_536 = arith.index_cast %add3A_526 : i32 to index
        %swap3A_537 = arith.constant 0 : index
        %swap3A_538 = tpu.vector_load %arg11[%swap3A_535, %swap3A_536, %swap3A_537] {strides = array<i32>} : memref<2x128x64xf32, #tpu.memory_space<vmem>>, vector<1x1x16xf32>,
        %swap3A_539 = vector.shape_cast %swap3A_538 : vector<1x1x16xf32> to vector<16xf32>
        %swap3A_540 = vector.shape_cast %mul3A_533 : vector<16xf32> to vector<1x1x16xf32>
        tpu.vector_store %arg11[%swap3A_535, %swap3A_536, %swap3A_537], %swap3A_540 {strides = array<i32>} : memref<2x128x64xf32, #tpu.memory_space<vmem>>, vector<1x1x16xf32>,
        %get3A_541 = arith.constant 0 : i32
        %get3A_542 = arith.index_cast %get3A_541 : i32 to index
        %get3A_543 = arith.index_cast %add3A_526 : i32 to index
        %get3A_544 = arith.constant 16 : index
        %get3A_545 = tpu.vector_load %arg10[%get3A_542, %get3A_543, %get3A_544] {strides = array<i32>} : memref<2x128x64xf32, #tpu.memory_space<vmem>>, vector<1x1x16xf32>,
        %get3A_546 = vector.shape_cast %get3A_545 : vector<1x1x16xf32> to vector<16xf32>
        %mul3A_547 = arith.mulf %get3A_546, %get3A_546 : vector<16xf32>
        %swap3A_548 = arith.constant 0 : i32
        %swap3A_549 = arith.index_cast %swap3A_548 : i32 to index
        %swap3A_550 = arith.index_cast %add3A_526 : i32 to index
        %swap3A_551 = arith.constant 16 : index
        %swap3A_552 = tpu.vector_load %arg11[%swap3A_549, %swap3A_550, %swap3A_551] {strides = array<i32>} : memref<2x128x64xf32, #tpu.memory_space<vmem>>, vector<1x1x16xf32>,
        %swap3A_553 = vector.shape_cast %swap3A_552 : vector<1x1x16xf32> to vector<16xf32>
        %swap3A_554 = vector.shape_cast %mul3A_547 : vector<16xf32> to vector<1x1x16xf32>
        tpu.vector_store %arg11[%swap3A_549, %swap3A_550, %swap3A_551], %swap3A_554 {strides = array<i32>} : memref<2x128x64xf32, #tpu.memory_space<vmem>>, vector<1x1x16xf32>,
        %get3A_555 = arith.constant 0 : i32
        %get3A_556 = arith.index_cast %get3A_555 : i32 to index
        %get3A_557 = arith.index_cast %add3A_526 : i32 to index
        %get3A_558 = arith.constant 32 : index
        %get3A_559 = tpu.vector_load %arg10[%get3A_556, %get3A_557, %get3A_558] {strides = array<i32>} : memref<2x128x64xf32, #tpu.memory_space<vmem>>, vector<1x1x16xf32>,
        %get3A_560 = vector.shape_cast %get3A_559 : vector<1x1x16xf32> to vector<16xf32>
        %mul3A_561 = arith.mulf %get3A_560, %get3A_560 : vector<16xf32>
        %swap3A_562 = arith.constant 0 : i32
        %swap3A_563 = arith.index_cast %swap3A_562 : i32 to index
        %swap3A_564 = arith.index_cast %add3A_526 : i32 to index
        %swap3A_565 = arith.constant 32 : index
        %swap3A_566 = tpu.vector_load %arg11[%swap3A_563, %swap3A_564, %swap3A_565] {strides = array<i32>} : memref<2x128x64xf32, #tpu.memory_space<vmem>>, vector<1x1x16xf32>,
        %swap3A_567 = vector.shape_cast %swap3A_566 : vector<1x1x16xf32> to vector<16xf32>
        %swap3A_568 = vector.shape_cast %mul3A_561 : vector<16xf32> to vector<1x1x16xf32>
        tpu.vector_store %arg11[%swap3A_563, %swap3A_564, %swap3A_565], %swap3A_568 {strides = array<i32>} : memref<2x128x64xf32, #tpu.memory_space<vmem>>, vector<1x1x16xf32>,
        %get3A_569 = arith.constant 0 : i32
        %get3A_570 = arith.index_cast %get3A_569 : i32 to index
        %get3A_571 = arith.index_cast %add3A_526 : i32 to index
        %get3A_572 = arith.constant 48 : index
        %get3A_573 = tpu.vector_load %arg10[%get3A_570, %get3A_571, %get3A_572] {strides = array<i32>} : memref<2x128x64xf32, #tpu.memory_space<vmem>>, vector<1x1x16xf32>,
        %get3A_574 = vector.shape_cast %get3A_573 : vector<1x1x16xf32> to vector<16xf32>
        %mul3A_575 = arith.mulf %get3A_574, %get3A_574 : vector<16xf32>
        %swap3A_576 = arith.constant 0 : i32
        %swap3A_577 = arith.index_cast %swap3A_576 : i32 to index
        %swap3A_578 = arith.index_cast %add3A_526 : i32 to index
        %swap3A_579 = arith.constant 48 : index
        %swap3A_580 = tpu.vector_load %arg11[%swap3A_577, %swap3A_578, %swap3A_579] {strides = array<i32>} : memref<2x128x64xf32, #tpu.memory_space<vmem>>, vector<1x1x16xf32>,
        %swap3A_581 = vector.shape_cast %swap3A_580 : vector<1x1x16xf32> to vector<16xf32>
        %swap3A_582 = vector.shape_cast %mul3A_575 : vector<16xf32> to vector<1x1x16xf32>
        tpu.vector_store %arg11[%swap3A_577, %swap3A_578, %swap3A_579], %swap3A_582 {strides = array<i32>} : memref<2x128x64xf32, #tpu.memory_space<vmem>>, vector<1x1x16xf32>,
      }
      %scan3A_238 = arith.constant 32 : i32
      %rem3A_239 = arith.constant 4 : i32
      %rem3A_240 = arith.remsi %add3A_164, %rem3A_239 : i32
      %dma_start3A_241 = arith.constant 0 : i32
      %dma_start3A_242 = arith.constant 0 : i32
      %dma_start3A_243 = arith.constant 0 : i32
      %dma_start3A_244 = tpu.memref_slice %arg11[%dma_start3A_241, %dma_start3A_242, %dma_start3A_243] : memref<2x128x64xf32, #tpu.memory_space<vmem>> -> memref<1x128x64xf32, #tpu.memory_space<vmem>>
      %dma_start3A_245 = tpu.memref_squeeze %dma_start3A_244 : memref<1x128x64xf32, #tpu.memory_space<vmem>> -> memref<128x64xf32, #tpu.memory_space<vmem>>
      %dma_start3A_246 = arith.constant 0 : i32
      %dma_start3A_247 = tpu.memref_slice %arg8[%rem3A_240, %dma_start3A_246] : memref<4x128xi32, #tpu.memory_space<vmem>> -> memref<1x128xi32, #tpu.memory_space<vmem>>
      %dma_start3A_248 = tpu.memref_squeeze %dma_start3A_247 : memref<1x128xi32, #tpu.memory_space<vmem>> -> memref<128xi32, #tpu.memory_space<vmem>>
      %dma_start3A_249 = arith.constant 0 : i32
      %dma_start3A_250 = arith.constant 0 : i32
      %dma_start3A_251 = tpu.memref_slice %arg14[%dma_start3A_249, %dma_start3A_250] : memref<10000x64xf32, #tpu.memory_space<vmem_shared>> -> memref<10000x64xf32, #tpu.memory_space<vmem_shared>>
      tpu.enqueue_indirect_dma source(%dma_start3A_245 : memref<128x64xf32, #tpu.memory_space<vmem>>) target(%dma_start3A_251 : memref<10000x64xf32, #tpu.memory_space<vmem_shared>>) offsets(%dma_start3A_248 : memref<128xi32, #tpu.memory_space<vmem>>) semaphore(%arg20 : memref<!tpu.dma_semaphore, #tpu.memory_space<semaphore_mem>>) {add = true}
      %mul3A_252 = arith.constant 2 : i32
      %mul3A_253 = arith.muli %scan3A_160, %mul3A_252 : i32
      %add3A_254 = arith.constant 1 : i32
      %add3A_255 = arith.addi %mul3A_253, %add3A_254 : i32
      %add3A_256 = arith.constant 1 : i32
      %add3A_257 = arith.addi %add3A_255, %add3A_256 : i32
      %lt3A_258 = arith.constant 156 : i32
      %lt3A_259 = arith.cmpi slt, %add3A_257, %lt3A_258 : i32
      %convert_element_type3A_260 = arith.extui %lt3A_259 : i1 to i32
      %cond3A_261 = arith.constant 0 : i32
      %cond3A_262 = arith.cmpi ne, %convert_element_type3A_260, %cond3A_261 : i32
      scf.if %cond3A_262 {
        %ge3A_344 = arith.constant 1 : i32
        %ge3A_345 = arith.cmpi sge, %add3A_255, %ge3A_344 : i32
        %convert_element_type3A_346 = arith.extui %ge3A_345 : i1 to i32
        %cond3A_347 = arith.constant 0 : i32
        %cond3A_348 = arith.cmpi ne, %convert_element_type3A_346, %cond3A_347 : i32
        scf.if %cond3A_348 {
          %dma_wait3A_387 = arith.constant 0 : i32
          %dma_wait3A_388 = arith.constant 0 : i32
          %dma_wait3A_389 = arith.constant 0 : i32
          %dma_wait3A_390 = arith.constant 0 : i32
          %dma_wait3A_391 = tpu.memref_slice %arg10[%dma_wait3A_387, %dma_wait3A_389, %dma_wait3A_390] : memref<2x128x64xf32, #tpu.memory_space<vmem>> -> memref<1x128x64xf32, #tpu.memory_space<vmem>>
          %dma_wait3A_392 = tpu.memref_squeeze %dma_wait3A_391 : memref<1x128x64xf32, #tpu.memory_space<vmem>> -> memref<128x64xf32, #tpu.memory_space<vmem>>
          %dma_wait3A_393 = arith.constant 0 : i32
          %dma_wait3A_394 = tpu.memref_slice %arg8[%dma_wait3A_388, %dma_wait3A_393] : memref<4x128xi32, #tpu.memory_space<vmem>> -> memref<1x128xi32, #tpu.memory_space<vmem>>
          %dma_wait3A_395 = tpu.memref_squeeze %dma_wait3A_394 : memref<1x128xi32, #tpu.memory_space<vmem>> -> memref<128xi32, #tpu.memory_space<vmem>>
          %dma_wait3A_396 = arith.constant 0 : i32
          %dma_wait3A_397 = arith.constant 0 : i32
          %dma_wait3A_398 = tpu.memref_slice %arg13[%dma_wait3A_396, %dma_wait3A_397] : memref<10000x64xf32, #tpu.memory_space<vmem_shared>> -> memref<10000x64xf32, #tpu.memory_space<vmem_shared>>
          tpu.wait_indirect_dma semaphore(%arg18 : memref<!tpu.dma_semaphore, #tpu.memory_space<semaphore_mem>>) src(%dma_wait3A_392 : memref<128x64xf32, #tpu.memory_space<vmem>>) dst(%dma_wait3A_398 : memref<10000x64xf32, #tpu.memory_space<vmem_shared>>)
          %dma_wait3A_399 = arith.constant 0 : i32
          %dma_wait3A_400 = arith.constant 0 : i32
          %dma_wait3A_401 = tpu.memref_slice %arg9[%dma_wait3A_399, %dma_wait3A_400] : memref<2x64xi32, #tpu.memory_space<vmem>> -> memref<1x64xi32, #tpu.memory_space<vmem>>
          %dma_wait3A_402 = tpu.memref_squeeze %dma_wait3A_401 : memref<1x64xi32, #tpu.memory_space<vmem>> -> memref<64xi32, #tpu.memory_space<vmem>>
          %dma_wait3A_403 = arith.constant 0 : i32
          %dma_wait3A_404 = arith.constant 0 : i32
          %dma_wait3A_405 = tpu.memref_slice %arg15[%dma_wait3A_403, %dma_wait3A_404] : memref<10000x16xf32, #tpu.memory_space<vmem_shared>> -> memref<10000x16xf32, #tpu.memory_space<vmem_shared>>
          tpu.wait_indirect_dma semaphore(%arg18 : memref<!tpu.dma_semaphore, #tpu.memory_space<semaphore_mem>>) src(%arg12 : memref<64x16xf32, #tpu.memory_space<vmem>>) dst(%dma_wait3A_405 : memref<10000x16xf32, #tpu.memory_space<vmem_shared>>)
        } else {
        }
        %mul3A_349 = arith.constant 19968 : i32
        %mul3A_350 = arith.muli %arg1, %mul3A_349 : i32
        %mul3A_351 = arith.constant 128 : i32
        %mul3A_352 = arith.muli %add3A_257, %mul3A_351 : i32
        %add3A_353 = arith.addi %mul3A_350, %mul3A_352 : i32
        %rem3A_354 = arith.constant 4 : i32
        %rem3A_355 = arith.remsi %add3A_257, %rem3A_354 : i32
        %dma_start3A_356 = arith.constant 0 : i32
        %dma_start3A_357 = tpu.memref_slice %arg8[%rem3A_355, %dma_start3A_356] : memref<4x128xi32, #tpu.memory_space<vmem>> -> memref<1x128xi32, #tpu.memory_space<vmem>>
        %dma_start3A_358 = tpu.memref_squeeze %dma_start3A_357 : memref<1x128xi32, #tpu.memory_space<vmem>> -> memref<128xi32, #tpu.memory_space<vmem>>
        %dma_start3A_359 = tpu.memref_slice %arg3[%add3A_353] : memref<320000xi32, #tpu.memory_space<hbm>> -> memref<128xi32, #tpu.memory_space<hbm>>
        %dma_start3A_360 = arith.constant 0 : i32
        %dma_start3A_361 = tpu.memref_slice %arg8[%rem3A_355, %dma_start3A_360] : memref<4x128xi32, #tpu.memory_space<vmem>> -> memref<1x128xi32, #tpu.memory_space<vmem>>
        %dma_start3A_362 = tpu.memref_squeeze %dma_start3A_361 : memref<1x128xi32, #tpu.memory_space<vmem>> -> memref<128xi32, #tpu.memory_space<vmem>>
        %dma_start3A_363 = tpu.memref_slice %arg3[%add3A_353] : memref<320000xi32, #tpu.memory_space<hbm>> -> memref<128xi32, #tpu.memory_space<hbm>>
        tpu.enqueue_dma source(%dma_start3A_363 : memref<128xi32, #tpu.memory_space<hbm>>) target(%dma_start3A_362 : memref<128xi32, #tpu.memory_space<vmem>>) target_semaphore(%arg16 : memref<!tpu.dma_semaphore, #tpu.memory_space<semaphore_mem>>)
        %mul3A_364 = arith.constant 64 : i32
        %mul3A_365 = arith.muli %arg0, %mul3A_364 : i32
        %add3A_366 = arith.addi %add3A_353, %mul3A_365 : i32
        %dma_start3A_367 = arith.constant 0 : i32
        %dma_start3A_368 = arith.constant 0 : i32
        %dma_start3A_369 = tpu.memref_slice %arg9[%dma_start3A_367, %dma_start3A_368] : memref<2x64xi32, #tpu.memory_space<vmem>> -> memref<1x64xi32, #tpu.memory_space<vmem>>
        %dma_start3A_370 = tpu.memref_squeeze %dma_start3A_369 : memref<1x64xi32, #tpu.memory_space<vmem>> -> memref<64xi32, #tpu.memory_space<vmem>>
        %dma_start3A_371 = tpu.memref_slice %arg3[%add3A_366] : memref<320000xi32, #tpu.memory_space<hbm>> -> memref<64xi32, #tpu.memory_space<hbm>>
        %dma_start3A_372 = arith.constant 0 : i32
        %dma_start3A_373 = tpu.memref_slice %arg9[%dma_start3A_367, %dma_start3A_372] : memref<2x64xi32, #tpu.memory_space<vmem>> -> memref<1x64xi32, #tpu.memory_space<vmem>>
        %dma_start3A_374 = tpu.memref_squeeze %dma_start3A_373 : memref<1x64xi32, #tpu.memory_space<vmem>> -> memref<64xi32, #tpu.memory_space<vmem>>
        %dma_start3A_375 = tpu.memref_slice %arg3[%add3A_366] : memref<320000xi32, #tpu.memory_space<hbm>> -> memref<64xi32, #tpu.memory_space<hbm>>
        tpu.enqueue_dma source(%dma_start3A_375 : memref<64xi32, #tpu.memory_space<hbm>>) target(%dma_start3A_374 : memref<64xi32, #tpu.memory_space<vmem>>) target_semaphore(%arg16 : memref<!tpu.dma_semaphore, #tpu.memory_space<semaphore_mem>>)
        %dma_start3A_376 = arith.constant 0 : i32
        %dma_start3A_377 = arith.constant 0 : i32
        %dma_start3A_378 = arith.constant 0 : i32
        %dma_start3A_379 = tpu.memref_slice %arg10[%dma_start3A_376, %dma_start3A_377, %dma_start3A_378] : memref<2x128x64xf32, #tpu.memory_space<vmem>> -> memref<1x128x64xf32, #tpu.memory_space<vmem>>
        %dma_start3A_380 = tpu.memref_squeeze %dma_start3A_379 : memref<1x128x64xf32, #tpu.memory_space<vmem>> -> memref<128x64xf32, #tpu.memory_space<vmem>>
        %dma_start3A_381 = tpu.memref_slice %arg2[%add3A_353, %mul3A_0] : memref<320000x128xf32, #tpu.memory_space<hbm>> -> memref<128x64xf32, #tpu.memory_space<hbm>>
        %dma_start3A_382 = arith.constant 0 : i32
        %dma_start3A_383 = arith.constant 0 : i32
        %dma_start3A_384 = tpu.memref_slice %arg10[%dma_start3A_376, %dma_start3A_382, %dma_start3A_383] : memref<2x128x64xf32, #tpu.memory_space<vmem>> -> memref<1x128x64xf32, #tpu.memory_space<vmem>>
        %dma_start3A_385 = tpu.memref_squeeze %dma_start3A_384 : memref<1x128x64xf32, #tpu.memory_space<vmem>> -> memref<128x64xf32, #tpu.memory_space<vmem>>
        %dma_start3A_386 = tpu.memref_slice %arg2[%add3A_353, %mul3A_0] : memref<320000x128xf32, #tpu.memory_space<hbm>> -> memref<128x64xf32, #tpu.memory_space<hbm>>
        tpu.enqueue_dma source(%dma_start3A_386 : memref<128x64xf32, #tpu.memory_space<hbm>>) target(%dma_start3A_385 : memref<128x64xf32, #tpu.memory_space<vmem>>) target_semaphore(%arg16 : memref<!tpu.dma_semaphore, #tpu.memory_space<semaphore_mem>>)
      } else {
      }
      %dma_wait3A_263 = arith.constant 0 : i32
      %dma_wait3A_264 = arith.constant 0 : i32
      %dma_wait3A_265 = tpu.memref_slice %arg8[%dma_wait3A_263, %dma_wait3A_264] : memref<4x128xi32, #tpu.memory_space<vmem>> -> memref<1x128xi32, #tpu.memory_space<vmem>>
      %dma_wait3A_266 = tpu.memref_squeeze %dma_wait3A_265 : memref<1x128xi32, #tpu.memory_space<vmem>> -> memref<128xi32, #tpu.memory_space<vmem>>
      %dma_wait3A_267 = arith.constant 0 : i32
      %dma_wait3A_268 = tpu.memref_slice %arg3[%dma_wait3A_267] : memref<320000xi32, #tpu.memory_space<hbm>> -> memref<128xi32, #tpu.memory_space<hbm>>
      %dma_wait3A_269 = arith.constant 0 : i32
      %dma_wait3A_270 = tpu.memref_slice %arg8[%dma_wait3A_263, %dma_wait3A_269] : memref<4x128xi32, #tpu.memory_space<vmem>> -> memref<1x128xi32, #tpu.memory_space<vmem>>
      %dma_wait3A_271 = tpu.memref_squeeze %dma_wait3A_270 : memref<1x128xi32, #tpu.memory_space<vmem>> -> memref<128xi32, #tpu.memory_space<vmem>>
      %dma_wait3A_272 = arith.constant 0 : i32
      %dma_wait3A_273 = tpu.memref_slice %arg3[%dma_wait3A_272] : memref<320000xi32, #tpu.memory_space<hbm>> -> memref<128xi32, #tpu.memory_space<hbm>>
      tpu.wait_dma2 semaphore(%arg17 : memref<!tpu.dma_semaphore, #tpu.memory_space<semaphore_mem>>) src(%dma_wait3A_273 : memref<128xi32, #tpu.memory_space<hbm>>) dst(%dma_wait3A_271 : memref<128xi32, #tpu.memory_space<vmem>>)
      %dma_wait3A_274 = arith.constant 1 : i32
      %dma_wait3A_275 = arith.constant 0 : i32
      %dma_wait3A_276 = tpu.memref_slice %arg9[%dma_wait3A_274, %dma_wait3A_275] : memref<2x64xi32, #tpu.memory_space<vmem>> -> memref<1x64xi32, #tpu.memory_space<vmem>>
      %dma_wait3A_277 = tpu.memref_squeeze %dma_wait3A_276 : memref<1x64xi32, #tpu.memory_space<vmem>> -> memref<64xi32, #tpu.memory_space<vmem>>
      %dma_wait3A_278 = arith.constant 0 : i32
      %dma_wait3A_279 = tpu.memref_slice %arg3[%dma_wait3A_278] : memref<320000xi32, #tpu.memory_space<hbm>> -> memref<64xi32, #tpu.memory_space<hbm>>
      %dma_wait3A_280 = arith.constant 0 : i32
      %dma_wait3A_281 = tpu.memref_slice %arg9[%dma_wait3A_274, %dma_wait3A_280] : memref<2x64xi32, #tpu.memory_space<vmem>> -> memref<1x64xi32, #tpu.memory_space<vmem>>
      %dma_wait3A_282 = tpu.memref_squeeze %dma_wait3A_281 : memref<1x64xi32, #tpu.memory_space<vmem>> -> memref<64xi32, #tpu.memory_space<vmem>>
      %dma_wait3A_283 = arith.constant 0 : i32
      %dma_wait3A_284 = tpu.memref_slice %arg3[%dma_wait3A_283] : memref<320000xi32, #tpu.memory_space<hbm>> -> memref<64xi32, #tpu.memory_space<hbm>>
      tpu.wait_dma2 semaphore(%arg17 : memref<!tpu.dma_semaphore, #tpu.memory_space<semaphore_mem>>) src(%dma_wait3A_284 : memref<64xi32, #tpu.memory_space<hbm>>) dst(%dma_wait3A_282 : memref<64xi32, #tpu.memory_space<vmem>>)
      %dma_wait3A_285 = arith.constant 1 : i32
      %dma_wait3A_286 = arith.constant 0 : i32
      %dma_wait3A_287 = arith.constant 0 : i32
      %dma_wait3A_288 = tpu.memref_slice %arg10[%dma_wait3A_285, %dma_wait3A_286, %dma_wait3A_287] : memref<2x128x64xf32, #tpu.memory_space<vmem>> -> memref<1x128x64xf32, #tpu.memory_space<vmem>>
      %dma_wait3A_289 = tpu.memref_squeeze %dma_wait3A_288 : memref<1x128x64xf32, #tpu.memory_space<vmem>> -> memref<128x64xf32, #tpu.memory_space<vmem>>
      %dma_wait3A_290 = arith.constant 0 : i32
      %dma_wait3A_291 = arith.constant 0 : i32
      %dma_wait3A_292 = tpu.memref_slice %arg2[%dma_wait3A_290, %dma_wait3A_291] : memref<320000x128xf32, #tpu.memory_space<hbm>> -> memref<128x64xf32, #tpu.memory_space<hbm>>
      %dma_wait3A_293 = arith.constant 0 : i32
      %dma_wait3A_294 = arith.constant 0 : i32
      %dma_wait3A_295 = tpu.memref_slice %arg10[%dma_wait3A_285, %dma_wait3A_293, %dma_wait3A_294] : memref<2x128x64xf32, #tpu.memory_space<vmem>> -> memref<1x128x64xf32, #tpu.memory_space<vmem>>
      %dma_wait3A_296 = tpu.memref_squeeze %dma_wait3A_295 : memref<1x128x64xf32, #tpu.memory_space<vmem>> -> memref<128x64xf32, #tpu.memory_space<vmem>>
      %dma_wait3A_297 = arith.constant 0 : i32
      %dma_wait3A_298 = arith.constant 0 : i32
      %dma_wait3A_299 = tpu.memref_slice %arg2[%dma_wait3A_297, %dma_wait3A_298] : memref<320000x128xf32, #tpu.memory_space<hbm>> -> memref<128x64xf32, #tpu.memory_space<hbm>>
      tpu.wait_dma2 semaphore(%arg17 : memref<!tpu.dma_semaphore, #tpu.memory_space<semaphore_mem>>) src(%dma_wait3A_299 : memref<128x64xf32, #tpu.memory_space<hbm>>) dst(%dma_wait3A_296 : memref<128x64xf32, #tpu.memory_space<vmem>>)
      %rem3A_300 = arith.constant 4 : i32
      %rem3A_301 = arith.remsi %add3A_255, %rem3A_300 : i32
      %dma_start3A_302 = arith.constant 1 : i32
      %dma_start3A_303 = arith.constant 0 : i32
      %dma_start3A_304 = arith.constant 0 : i32
      %dma_start3A_305 = tpu.memref_slice %arg10[%dma_start3A_302, %dma_start3A_303, %dma_start3A_304] : memref<2x128x64xf32, #tpu.memory_space<vmem>> -> memref<1x128x64xf32, #tpu.memory_space<vmem>>
      %dma_start3A_306 = tpu.memref_squeeze %dma_start3A_305 : memref<1x128x64xf32, #tpu.memory_space<vmem>> -> memref<128x64xf32, #tpu.memory_space<vmem>>
      %dma_start3A_307 = arith.constant 0 : i32
      %dma_start3A_308 = tpu.memref_slice %arg8[%rem3A_301, %dma_start3A_307] : memref<4x128xi32, #tpu.memory_space<vmem>> -> memref<1x128xi32, #tpu.memory_space<vmem>>
      %dma_start3A_309 = tpu.memref_squeeze %dma_start3A_308 : memref<1x128xi32, #tpu.memory_space<vmem>> -> memref<128xi32, #tpu.memory_space<vmem>>
      %dma_start3A_310 = arith.constant 0 : i32
      %dma_start3A_311 = arith.constant 0 : i32
      %dma_start3A_312 = tpu.memref_slice %arg13[%dma_start3A_310, %dma_start3A_311] : memref<10000x64xf32, #tpu.memory_space<vmem_shared>> -> memref<10000x64xf32, #tpu.memory_space<vmem_shared>>
      tpu.enqueue_indirect_dma source(%dma_start3A_306 : memref<128x64xf32, #tpu.memory_space<vmem>>) target(%dma_start3A_312 : memref<10000x64xf32, #tpu.memory_space<vmem_shared>>) offsets(%dma_start3A_309 : memref<128xi32, #tpu.memory_space<vmem>>) semaphore(%arg19 : memref<!tpu.dma_semaphore, #tpu.memory_space<semaphore_mem>>) {add = true}
      %dma_start3A_313 = arith.constant 1 : i32
      %dma_start3A_314 = arith.constant 0 : i32
      %dma_start3A_315 = tpu.memref_slice %arg9[%dma_start3A_313, %dma_start3A_314] : memref<2x64xi32, #tpu.memory_space<vmem>> -> memref<1x64xi32, #tpu.memory_space<vmem>>
      %dma_start3A_316 = tpu.memref_squeeze %dma_start3A_315 : memref<1x64xi32, #tpu.memory_space<vmem>> -> memref<64xi32, #tpu.memory_space<vmem>>
      %dma_start3A_317 = arith.constant 0 : i32
      %dma_start3A_318 = arith.constant 0 : i32
      %dma_start3A_319 = tpu.memref_slice %arg15[%dma_start3A_317, %dma_start3A_318] : memref<10000x16xf32, #tpu.memory_space<vmem_shared>> -> memref<10000x16xf32, #tpu.memory_space<vmem_shared>>
      tpu.enqueue_indirect_dma source(%arg12 : memref<64x16xf32, #tpu.memory_space<vmem>>) target(%dma_start3A_319 : memref<10000x16xf32, #tpu.memory_space<vmem_shared>>) offsets(%dma_start3A_316 : memref<64xi32, #tpu.memory_space<vmem>>) semaphore(%arg19 : memref<!tpu.dma_semaphore, #tpu.memory_space<semaphore_mem>>) {add = true}
      %ge3A_320 = arith.constant 2 : i32
      %ge3A_321 = arith.cmpi sge, %add3A_255, %ge3A_320 : i32
      %convert_element_type3A_322 = arith.extui %ge3A_321 : i1 to i32
      %cond3A_323 = arith.constant 0 : i32
      %cond3A_324 = arith.cmpi ne, %convert_element_type3A_322, %cond3A_323 : i32
      scf.if %cond3A_324 {
        %dma_wait3A_344 = arith.constant 1 : i32
        %dma_wait3A_345 = arith.constant 0 : i32
        %dma_wait3A_346 = arith.constant 0 : i32
        %dma_wait3A_347 = arith.constant 0 : i32
        %dma_wait3A_348 = tpu.memref_slice %arg11[%dma_wait3A_344, %dma_wait3A_346, %dma_wait3A_347] : memref<2x128x64xf32, #tpu.memory_space<vmem>> -> memref<1x128x64xf32, #tpu.memory_space<vmem>>
        %dma_wait3A_349 = tpu.memref_squeeze %dma_wait3A_348 : memref<1x128x64xf32, #tpu.memory_space<vmem>> -> memref<128x64xf32, #tpu.memory_space<vmem>>
        %dma_wait3A_350 = arith.constant 0 : i32
        %dma_wait3A_351 = tpu.memref_slice %arg8[%dma_wait3A_345, %dma_wait3A_350] : memref<4x128xi32, #tpu.memory_space<vmem>> -> memref<1x128xi32, #tpu.memory_space<vmem>>
        %dma_wait3A_352 = tpu.memref_squeeze %dma_wait3A_351 : memref<1x128xi32, #tpu.memory_space<vmem>> -> memref<128xi32, #tpu.memory_space<vmem>>
        %dma_wait3A_353 = arith.constant 0 : i32
        %dma_wait3A_354 = arith.constant 0 : i32
        %dma_wait3A_355 = tpu.memref_slice %arg14[%dma_wait3A_353, %dma_wait3A_354] : memref<10000x64xf32, #tpu.memory_space<vmem_shared>> -> memref<10000x64xf32, #tpu.memory_space<vmem_shared>>
        tpu.wait_indirect_dma semaphore(%arg21 : memref<!tpu.dma_semaphore, #tpu.memory_space<semaphore_mem>>) src(%dma_wait3A_349 : memref<128x64xf32, #tpu.memory_space<vmem>>) dst(%dma_wait3A_355 : memref<10000x64xf32, #tpu.memory_space<vmem_shared>>)
      } else {
      }
      %scan3A_325 = arith.constant 0 : i32
      %scan3A_326 = arith.constant 0 : i32
      %scan3A_327 = arith.constant 32 : i32
      %scan3A_328 = arith.addi %scan3A_326, %scan3A_327 : i32
      %scan3A_329 = arith.constant 1 : i32
      scf.for %scan3A_344 = %scan3A_326 to %scan3A_328 step %scan3A_329  : i32 {
        %mul3A_345 = arith.constant 4 : i32
        %mul3A_346 = arith.muli %scan3A_344, %mul3A_345 : i32
        %add3A_347 = arith.constant 0 : i32
        %add3A_348 = arith.addi %mul3A_346, %add3A_347 : i32
        %get3A = arith.constant 1 : i32
        %get3A_349 = arith.index_cast %get3A : i32 to index
        %get3A_350 = arith.index_cast %add3A_348 : i32 to index
        %get3A_351 = arith.constant 0 : index
        %get3A_352 = tpu.vector_load %arg10[%get3A_349, %get3A_350, %get3A_351] {strides = array<i32>} : memref<2x128x64xf32, #tpu.memory_space<vmem>>, vector<1x1x16xf32>,
        %get3A_353 = vector.shape_cast %get3A_352 : vector<1x1x16xf32> to vector<16xf32>
        %mul3A_354 = arith.mulf %get3A_353, %get3A_353 : vector<16xf32>
        %swap3A = arith.constant 1 : i32
        %swap3A_355 = arith.index_cast %swap3A : i32 to index
        %swap3A_356 = arith.index_cast %add3A_348 : i32 to index
        %swap3A_357 = arith.constant 0 : index
        %swap3A_358 = tpu.vector_load %arg11[%swap3A_355, %swap3A_356, %swap3A_357] {strides = array<i32>} : memref<2x128x64xf32, #tpu.memory_space<vmem>>, vector<1x1x16xf32>,
        %swap3A_359 = vector.shape_cast %swap3A_358 : vector<1x1x16xf32> to vector<16xf32>
        %swap3A_360 = vector.shape_cast %mul3A_354 : vector<16xf32> to vector<1x1x16xf32>
        tpu.vector_store %arg11[%swap3A_355, %swap3A_356, %swap3A_357], %swap3A_360 {strides = array<i32>} : memref<2x128x64xf32, #tpu.memory_space<vmem>>, vector<1x1x16xf32>,
        %get3A_361 = arith.constant 1 : i32
        %get3A_362 = arith.index_cast %get3A_361 : i32 to index
        %get3A_363 = arith.index_cast %add3A_348 : i32 to index
        %get3A_364 = arith.constant 16 : index
        %get3A_365 = tpu.vector_load %arg10[%get3A_362, %get3A_363, %get3A_364] {strides = array<i32>} : memref<2x128x64xf32, #tpu.memory_space<vmem>>, vector<1x1x16xf32>,
        %get3A_366 = vector.shape_cast %get3A_365 : vector<1x1x16xf32> to vector<16xf32>
        %mul3A_367 = arith.mulf %get3A_366, %get3A_366 : vector<16xf32>
        %swap3A_368 = arith.constant 1 : i32
        %swap3A_369 = arith.index_cast %swap3A_368 : i32 to index
        %swap3A_370 = arith.index_cast %add3A_348 : i32 to index
        %swap3A_371 = arith.constant 16 : index
        %swap3A_372 = tpu.vector_load %arg11[%swap3A_369, %swap3A_370, %swap3A_371] {strides = array<i32>} : memref<2x128x64xf32, #tpu.memory_space<vmem>>, vector<1x1x16xf32>,
        %swap3A_373 = vector.shape_cast %swap3A_372 : vector<1x1x16xf32> to vector<16xf32>
        %swap3A_374 = vector.shape_cast %mul3A_367 : vector<16xf32> to vector<1x1x16xf32>
        tpu.vector_store %arg11[%swap3A_369, %swap3A_370, %swap3A_371], %swap3A_374 {strides = array<i32>} : memref<2x128x64xf32, #tpu.memory_space<vmem>>, vector<1x1x16xf32>,
        %get3A_375 = arith.constant 1 : i32
        %get3A_376 = arith.index_cast %get3A_375 : i32 to index
        %get3A_377 = arith.index_cast %add3A_348 : i32 to index
        %get3A_378 = arith.constant 32 : index
        %get3A_379 = tpu.vector_load %arg10[%get3A_376, %get3A_377, %get3A_378] {strides = array<i32>} : memref<2x128x64xf32, #tpu.memory_space<vmem>>, vector<1x1x16xf32>,
        %get3A_380 = vector.shape_cast %get3A_379 : vector<1x1x16xf32> to vector<16xf32>
        %mul3A_381 = arith.mulf %get3A_380, %get3A_380 : vector<16xf32>
        %swap3A_382 = arith.constant 1 : i32
        %swap3A_383 = arith.index_cast %swap3A_382 : i32 to index
        %swap3A_384 = arith.index_cast %add3A_348 : i32 to index
        %swap3A_385 = arith.constant 32 : index
        %swap3A_386 = tpu.vector_load %arg11[%swap3A_383, %swap3A_384, %swap3A_385] {strides = array<i32>} : memref<2x128x64xf32, #tpu.memory_space<vmem>>, vector<1x1x16xf32>,
        %swap3A_387 = vector.shape_cast %swap3A_386 : vector<1x1x16xf32> to vector<16xf32>
        %swap3A_388 = vector.shape_cast %mul3A_381 : vector<16xf32> to vector<1x1x16xf32>
        tpu.vector_store %arg11[%swap3A_383, %swap3A_384, %swap3A_385], %swap3A_388 {strides = array<i32>} : memref<2x128x64xf32, #tpu.memory_space<vmem>>, vector<1x1x16xf32>,
        %get3A_389 = arith.constant 1 : i32
        %get3A_390 = arith.index_cast %get3A_389 : i32 to index
        %get3A_391 = arith.index_cast %add3A_348 : i32 to index
        %get3A_392 = arith.constant 48 : index
        %get3A_393 = tpu.vector_load %arg10[%get3A_390, %get3A_391, %get3A_392] {strides = array<i32>} : memref<2x128x64xf32, #tpu.memory_space<vmem>>, vector<1x1x16xf32>,
        %get3A_394 = vector.shape_cast %get3A_393 : vector<1x1x16xf32> to vector<16xf32>
        %mul3A_395 = arith.mulf %get3A_394, %get3A_394 : vector<16xf32>
        %swap3A_396 = arith.constant 1 : i32
        %swap3A_397 = arith.index_cast %swap3A_396 : i32 to index
        %swap3A_398 = arith.index_cast %add3A_348 : i32 to index
        %swap3A_399 = arith.constant 48 : index
        %swap3A_400 = tpu.vector_load %arg11[%swap3A_397, %swap3A_398, %swap3A_399] {strides = array<i32>} : memref<2x128x64xf32, #tpu.memory_space<vmem>>, vector<1x1x16xf32>,
        %swap3A_401 = vector.shape_cast %swap3A_400 : vector<1x1x16xf32> to vector<16xf32>
        %swap3A_402 = vector.shape_cast %mul3A_395 : vector<16xf32> to vector<1x1x16xf32>
        tpu.vector_store %arg11[%swap3A_397, %swap3A_398, %swap3A_399], %swap3A_402 {strides = array<i32>} : memref<2x128x64xf32, #tpu.memory_space<vmem>>, vector<1x1x16xf32>,
        %mul3A_403 = arith.constant 4 : i32
        %mul3A_404 = arith.muli %scan3A_344, %mul3A_403 : i32
        %add3A_405 = arith.constant 1 : i32
        %add3A_406 = arith.addi %mul3A_404, %add3A_405 : i32
        %get3A_407 = arith.constant 1 : i32
        %get3A_408 = arith.index_cast %get3A_407 : i32 to index
        %get3A_409 = arith.index_cast %add3A_406 : i32 to index
        %get3A_410 = arith.constant 0 : index
        %get3A_411 = tpu.vector_load %arg10[%get3A_408, %get3A_409, %get3A_410] {strides = array<i32>} : memref<2x128x64xf32, #tpu.memory_space<vmem>>, vector<1x1x16xf32>,
        %get3A_412 = vector.shape_cast %get3A_411 : vector<1x1x16xf32> to vector<16xf32>
        %mul3A_413 = arith.mulf %get3A_412, %get3A_412 : vector<16xf32>
        %swap3A_414 = arith.constant 1 : i32
        %swap3A_415 = arith.index_cast %swap3A_414 : i32 to index
        %swap3A_416 = arith.index_cast %add3A_406 : i32 to index
        %swap3A_417 = arith.constant 0 : index
        %swap3A_418 = tpu.vector_load %arg11[%swap3A_415, %swap3A_416, %swap3A_417] {strides = array<i32>} : memref<2x128x64xf32, #tpu.memory_space<vmem>>, vector<1x1x16xf32>,
        %swap3A_419 = vector.shape_cast %swap3A_418 : vector<1x1x16xf32> to vector<16xf32>
        %swap3A_420 = vector.shape_cast %mul3A_413 : vector<16xf32> to vector<1x1x16xf32>
        tpu.vector_store %arg11[%swap3A_415, %swap3A_416, %swap3A_417], %swap3A_420 {strides = array<i32>} : memref<2x128x64xf32, #tpu.memory_space<vmem>>, vector<1x1x16xf32>,
        %get3A_421 = arith.constant 1 : i32
        %get3A_422 = arith.index_cast %get3A_421 : i32 to index
        %get3A_423 = arith.index_cast %add3A_406 : i32 to index
        %get3A_424 = arith.constant 16 : index
        %get3A_425 = tpu.vector_load %arg10[%get3A_422, %get3A_423, %get3A_424] {strides = array<i32>} : memref<2x128x64xf32, #tpu.memory_space<vmem>>, vector<1x1x16xf32>,
        %get3A_426 = vector.shape_cast %get3A_425 : vector<1x1x16xf32> to vector<16xf32>
        %mul3A_427 = arith.mulf %get3A_426, %get3A_426 : vector<16xf32>
        %swap3A_428 = arith.constant 1 : i32
        %swap3A_429 = arith.index_cast %swap3A_428 : i32 to index
        %swap3A_430 = arith.index_cast %add3A_406 : i32 to index
        %swap3A_431 = arith.constant 16 : index
        %swap3A_432 = tpu.vector_load %arg11[%swap3A_429, %swap3A_430, %swap3A_431] {strides = array<i32>} : memref<2x128x64xf32, #tpu.memory_space<vmem>>, vector<1x1x16xf32>,
        %swap3A_433 = vector.shape_cast %swap3A_432 : vector<1x1x16xf32> to vector<16xf32>
        %swap3A_434 = vector.shape_cast %mul3A_427 : vector<16xf32> to vector<1x1x16xf32>
        tpu.vector_store %arg11[%swap3A_429, %swap3A_430, %swap3A_431], %swap3A_434 {strides = array<i32>} : memref<2x128x64xf32, #tpu.memory_space<vmem>>, vector<1x1x16xf32>,
        %get3A_435 = arith.constant 1 : i32
        %get3A_436 = arith.index_cast %get3A_435 : i32 to index
        %get3A_437 = arith.index_cast %add3A_406 : i32 to index
        %get3A_438 = arith.constant 32 : index
        %get3A_439 = tpu.vector_load %arg10[%get3A_436, %get3A_437, %get3A_438] {strides = array<i32>} : memref<2x128x64xf32, #tpu.memory_space<vmem>>, vector<1x1x16xf32>,
        %get3A_440 = vector.shape_cast %get3A_439 : vector<1x1x16xf32> to vector<16xf32>
        %mul3A_441 = arith.mulf %get3A_440, %get3A_440 : vector<16xf32>
        %swap3A_442 = arith.constant 1 : i32
        %swap3A_443 = arith.index_cast %swap3A_442 : i32 to index
        %swap3A_444 = arith.index_cast %add3A_406 : i32 to index
        %swap3A_445 = arith.constant 32 : index
        %swap3A_446 = tpu.vector_load %arg11[%swap3A_443, %swap3A_444, %swap3A_445] {strides = array<i32>} : memref<2x128x64xf32, #tpu.memory_space<vmem>>, vector<1x1x16xf32>,
        %swap3A_447 = vector.shape_cast %swap3A_446 : vector<1x1x16xf32> to vector<16xf32>
        %swap3A_448 = vector.shape_cast %mul3A_441 : vector<16xf32> to vector<1x1x16xf32>
        tpu.vector_store %arg11[%swap3A_443, %swap3A_444, %swap3A_445], %swap3A_448 {strides = array<i32>} : memref<2x128x64xf32, #tpu.memory_space<vmem>>, vector<1x1x16xf32>,
        %get3A_449 = arith.constant 1 : i32
        %get3A_450 = arith.index_cast %get3A_449 : i32 to index
        %get3A_451 = arith.index_cast %add3A_406 : i32 to index
        %get3A_452 = arith.constant 48 : index
        %get3A_453 = tpu.vector_load %arg10[%get3A_450, %get3A_451, %get3A_452] {strides = array<i32>} : memref<2x128x64xf32, #tpu.memory_space<vmem>>, vector<1x1x16xf32>,
        %get3A_454 = vector.shape_cast %get3A_453 : vector<1x1x16xf32> to vector<16xf32>
        %mul3A_455 = arith.mulf %get3A_454, %get3A_454 : vector<16xf32>
        %swap3A_456 = arith.constant 1 : i32
        %swap3A_457 = arith.index_cast %swap3A_456 : i32 to index
        %swap3A_458 = arith.index_cast %add3A_406 : i32 to index
        %swap3A_459 = arith.constant 48 : index
        %swap3A_460 = tpu.vector_load %arg11[%swap3A_457, %swap3A_458, %swap3A_459] {strides = array<i32>} : memref<2x128x64xf32, #tpu.memory_space<vmem>>, vector<1x1x16xf32>,
        %swap3A_461 = vector.shape_cast %swap3A_460 : vector<1x1x16xf32> to vector<16xf32>
        %swap3A_462 = vector.shape_cast %mul3A_455 : vector<16xf32> to vector<1x1x16xf32>
        tpu.vector_store %arg11[%swap3A_457, %swap3A_458, %swap3A_459], %swap3A_462 {strides = array<i32>} : memref<2x128x64xf32, #tpu.memory_space<vmem>>, vector<1x1x16xf32>,
        %mul3A_463 = arith.constant 4 : i32
        %mul3A_464 = arith.muli %scan3A_344, %mul3A_463 : i32
        %add3A_465 = arith.constant 2 : i32
        %add3A_466 = arith.addi %mul3A_464, %add3A_465 : i32
        %get3A_467 = arith.constant 1 : i32
        %get3A_468 = arith.index_cast %get3A_467 : i32 to index
        %get3A_469 = arith.index_cast %add3A_466 : i32 to index
        %get3A_470 = arith.constant 0 : index
        %get3A_471 = tpu.vector_load %arg10[%get3A_468, %get3A_469, %get3A_470] {strides = array<i32>} : memref<2x128x64xf32, #tpu.memory_space<vmem>>, vector<1x1x16xf32>,
        %get3A_472 = vector.shape_cast %get3A_471 : vector<1x1x16xf32> to vector<16xf32>
        %mul3A_473 = arith.mulf %get3A_472, %get3A_472 : vector<16xf32>
        %swap3A_474 = arith.constant 1 : i32
        %swap3A_475 = arith.index_cast %swap3A_474 : i32 to index
        %swap3A_476 = arith.index_cast %add3A_466 : i32 to index
        %swap3A_477 = arith.constant 0 : index
        %swap3A_478 = tpu.vector_load %arg11[%swap3A_475, %swap3A_476, %swap3A_477] {strides = array<i32>} : memref<2x128x64xf32, #tpu.memory_space<vmem>>, vector<1x1x16xf32>,
        %swap3A_479 = vector.shape_cast %swap3A_478 : vector<1x1x16xf32> to vector<16xf32>
        %swap3A_480 = vector.shape_cast %mul3A_473 : vector<16xf32> to vector<1x1x16xf32>
        tpu.vector_store %arg11[%swap3A_475, %swap3A_476, %swap3A_477], %swap3A_480 {strides = array<i32>} : memref<2x128x64xf32, #tpu.memory_space<vmem>>, vector<1x1x16xf32>,
        %get3A_481 = arith.constant 1 : i32
        %get3A_482 = arith.index_cast %get3A_481 : i32 to index
        %get3A_483 = arith.index_cast %add3A_466 : i32 to index
        %get3A_484 = arith.constant 16 : index
        %get3A_485 = tpu.vector_load %arg10[%get3A_482, %get3A_483, %get3A_484] {strides = array<i32>} : memref<2x128x64xf32, #tpu.memory_space<vmem>>, vector<1x1x16xf32>,
        %get3A_486 = vector.shape_cast %get3A_485 : vector<1x1x16xf32> to vector<16xf32>
        %mul3A_487 = arith.mulf %get3A_486, %get3A_486 : vector<16xf32>
        %swap3A_488 = arith.constant 1 : i32
        %swap3A_489 = arith.index_cast %swap3A_488 : i32 to index
        %swap3A_490 = arith.index_cast %add3A_466 : i32 to index
        %swap3A_491 = arith.constant 16 : index
        %swap3A_492 = tpu.vector_load %arg11[%swap3A_489, %swap3A_490, %swap3A_491] {strides = array<i32>} : memref<2x128x64xf32, #tpu.memory_space<vmem>>, vector<1x1x16xf32>,
        %swap3A_493 = vector.shape_cast %swap3A_492 : vector<1x1x16xf32> to vector<16xf32>
        %swap3A_494 = vector.shape_cast %mul3A_487 : vector<16xf32> to vector<1x1x16xf32>
        tpu.vector_store %arg11[%swap3A_489, %swap3A_490, %swap3A_491], %swap3A_494 {strides = array<i32>} : memref<2x128x64xf32, #tpu.memory_space<vmem>>, vector<1x1x16xf32>,
        %get3A_495 = arith.constant 1 : i32
        %get3A_496 = arith.index_cast %get3A_495 : i32 to index
        %get3A_497 = arith.index_cast %add3A_466 : i32 to index
        %get3A_498 = arith.constant 32 : index
        %get3A_499 = tpu.vector_load %arg10[%get3A_496, %get3A_497, %get3A_498] {strides = array<i32>} : memref<2x128x64xf32, #tpu.memory_space<vmem>>, vector<1x1x16xf32>,
        %get3A_500 = vector.shape_cast %get3A_499 : vector<1x1x16xf32> to vector<16xf32>
        %mul3A_501 = arith.mulf %get3A_500, %get3A_500 : vector<16xf32>
        %swap3A_502 = arith.constant 1 : i32
        %swap3A_503 = arith.index_cast %swap3A_502 : i32 to index
        %swap3A_504 = arith.index_cast %add3A_466 : i32 to index
        %swap3A_505 = arith.constant 32 : index
        %swap3A_506 = tpu.vector_load %arg11[%swap3A_503, %swap3A_504, %swap3A_505] {strides = array<i32>} : memref<2x128x64xf32, #tpu.memory_space<vmem>>, vector<1x1x16xf32>,
        %swap3A_507 = vector.shape_cast %swap3A_506 : vector<1x1x16xf32> to vector<16xf32>
        %swap3A_508 = vector.shape_cast %mul3A_501 : vector<16xf32> to vector<1x1x16xf32>
        tpu.vector_store %arg11[%swap3A_503, %swap3A_504, %swap3A_505], %swap3A_508 {strides = array<i32>} : memref<2x128x64xf32, #tpu.memory_space<vmem>>, vector<1x1x16xf32>,
        %get3A_509 = arith.constant 1 : i32
        %get3A_510 = arith.index_cast %get3A_509 : i32 to index
        %get3A_511 = arith.index_cast %add3A_466 : i32 to index
        %get3A_512 = arith.constant 48 : index
        %get3A_513 = tpu.vector_load %arg10[%get3A_510, %get3A_511, %get3A_512] {strides = array<i32>} : memref<2x128x64xf32, #tpu.memory_space<vmem>>, vector<1x1x16xf32>,
        %get3A_514 = vector.shape_cast %get3A_513 : vector<1x1x16xf32> to vector<16xf32>
        %mul3A_515 = arith.mulf %get3A_514, %get3A_514 : vector<16xf32>
        %swap3A_516 = arith.constant 1 : i32
        %swap3A_517 = arith.index_cast %swap3A_516 : i32 to index
        %swap3A_518 = arith.index_cast %add3A_466 : i32 to index
        %swap3A_519 = arith.constant 48 : index
        %swap3A_520 = tpu.vector_load %arg11[%swap3A_517, %swap3A_518, %swap3A_519] {strides = array<i32>} : memref<2x128x64xf32, #tpu.memory_space<vmem>>, vector<1x1x16xf32>,
        %swap3A_521 = vector.shape_cast %swap3A_520 : vector<1x1x16xf32> to vector<16xf32>
        %swap3A_522 = vector.shape_cast %mul3A_515 : vector<16xf32> to vector<1x1x16xf32>
        tpu.vector_store %arg11[%swap3A_517, %swap3A_518, %swap3A_519], %swap3A_522 {strides = array<i32>} : memref<2x128x64xf32, #tpu.memory_space<vmem>>, vector<1x1x16xf32>,
        %mul3A_523 = arith.constant 4 : i32
        %mul3A_524 = arith.muli %scan3A_344, %mul3A_523 : i32
        %add3A_525 = arith.constant 3 : i32
        %add3A_526 = arith.addi %mul3A_524, %add3A_525 : i32
        %get3A_527 = arith.constant 1 : i32
        %get3A_528 = arith.index_cast %get3A_527 : i32 to index
        %get3A_529 = arith.index_cast %add3A_526 : i32 to index
        %get3A_530 = arith.constant 0 : index
        %get3A_531 = tpu.vector_load %arg10[%get3A_528, %get3A_529, %get3A_530] {strides = array<i32>} : memref<2x128x64xf32, #tpu.memory_space<vmem>>, vector<1x1x16xf32>,
        %get3A_532 = vector.shape_cast %get3A_531 : vector<1x1x16xf32> to vector<16xf32>
        %mul3A_533 = arith.mulf %get3A_532, %get3A_532 : vector<16xf32>
        %swap3A_534 = arith.constant 1 : i32
        %swap3A_535 = arith.index_cast %swap3A_534 : i32 to index
        %swap3A_536 = arith.index_cast %add3A_526 : i32 to index
        %swap3A_537 = arith.constant 0 : index
        %swap3A_538 = tpu.vector_load %arg11[%swap3A_535, %swap3A_536, %swap3A_537] {strides = array<i32>} : memref<2x128x64xf32, #tpu.memory_space<vmem>>, vector<1x1x16xf32>,
        %swap3A_539 = vector.shape_cast %swap3A_538 : vector<1x1x16xf32> to vector<16xf32>
        %swap3A_540 = vector.shape_cast %mul3A_533 : vector<16xf32> to vector<1x1x16xf32>
        tpu.vector_store %arg11[%swap3A_535, %swap3A_536, %swap3A_537], %swap3A_540 {strides = array<i32>} : memref<2x128x64xf32, #tpu.memory_space<vmem>>, vector<1x1x16xf32>,
        %get3A_541 = arith.constant 1 : i32
        %get3A_542 = arith.index_cast %get3A_541 : i32 to index
        %get3A_543 = arith.index_cast %add3A_526 : i32 to index
        %get3A_544 = arith.constant 16 : index
        %get3A_545 = tpu.vector_load %arg10[%get3A_542, %get3A_543, %get3A_544] {strides = array<i32>} : memref<2x128x64xf32, #tpu.memory_space<vmem>>, vector<1x1x16xf32>,
        %get3A_546 = vector.shape_cast %get3A_545 : vector<1x1x16xf32> to vector<16xf32>
        %mul3A_547 = arith.mulf %get3A_546, %get3A_546 : vector<16xf32>
        %swap3A_548 = arith.constant 1 : i32
        %swap3A_549 = arith.index_cast %swap3A_548 : i32 to index
        %swap3A_550 = arith.index_cast %add3A_526 : i32 to index
        %swap3A_551 = arith.constant 16 : index
        %swap3A_552 = tpu.vector_load %arg11[%swap3A_549, %swap3A_550, %swap3A_551] {strides = array<i32>} : memref<2x128x64xf32, #tpu.memory_space<vmem>>, vector<1x1x16xf32>,
        %swap3A_553 = vector.shape_cast %swap3A_552 : vector<1x1x16xf32> to vector<16xf32>
        %swap3A_554 = vector.shape_cast %mul3A_547 : vector<16xf32> to vector<1x1x16xf32>
        tpu.vector_store %arg11[%swap3A_549, %swap3A_550, %swap3A_551], %swap3A_554 {strides = array<i32>} : memref<2x128x64xf32, #tpu.memory_space<vmem>>, vector<1x1x16xf32>,
        %get3A_555 = arith.constant 1 : i32
        %get3A_556 = arith.index_cast %get3A_555 : i32 to index
        %get3A_557 = arith.index_cast %add3A_526 : i32 to index
        %get3A_558 = arith.constant 32 : index
        %get3A_559 = tpu.vector_load %arg10[%get3A_556, %get3A_557, %get3A_558] {strides = array<i32>} : memref<2x128x64xf32, #tpu.memory_space<vmem>>, vector<1x1x16xf32>,
        %get3A_560 = vector.shape_cast %get3A_559 : vector<1x1x16xf32> to vector<16xf32>
        %mul3A_561 = arith.mulf %get3A_560, %get3A_560 : vector<16xf32>
        %swap3A_562 = arith.constant 1 : i32
        %swap3A_563 = arith.index_cast %swap3A_562 : i32 to index
        %swap3A_564 = arith.index_cast %add3A_526 : i32 to index
        %swap3A_565 = arith.constant 32 : index
        %swap3A_566 = tpu.vector_load %arg11[%swap3A_563, %swap3A_564, %swap3A_565] {strides = array<i32>} : memref<2x128x64xf32, #tpu.memory_space<vmem>>, vector<1x1x16xf32>,
        %swap3A_567 = vector.shape_cast %swap3A_566 : vector<1x1x16xf32> to vector<16xf32>
        %swap3A_568 = vector.shape_cast %mul3A_561 : vector<16xf32> to vector<1x1x16xf32>
        tpu.vector_store %arg11[%swap3A_563, %swap3A_564, %swap3A_565], %swap3A_568 {strides = array<i32>} : memref<2x128x64xf32, #tpu.memory_space<vmem>>, vector<1x1x16xf32>,
        %get3A_569 = arith.constant 1 : i32
        %get3A_570 = arith.index_cast %get3A_569 : i32 to index
        %get3A_571 = arith.index_cast %add3A_526 : i32 to index
        %get3A_572 = arith.constant 48 : index
        %get3A_573 = tpu.vector_load %arg10[%get3A_570, %get3A_571, %get3A_572] {strides = array<i32>} : memref<2x128x64xf32, #tpu.memory_space<vmem>>, vector<1x1x16xf32>,
        %get3A_574 = vector.shape_cast %get3A_573 : vector<1x1x16xf32> to vector<16xf32>
        %mul3A_575 = arith.mulf %get3A_574, %get3A_574 : vector<16xf32>
        %swap3A_576 = arith.constant 1 : i32
        %swap3A_577 = arith.index_cast %swap3A_576 : i32 to index
        %swap3A_578 = arith.index_cast %add3A_526 : i32 to index
        %swap3A_579 = arith.constant 48 : index
        %swap3A_580 = tpu.vector_load %arg11[%swap3A_577, %swap3A_578, %swap3A_579] {strides = array<i32>} : memref<2x128x64xf32, #tpu.memory_space<vmem>>, vector<1x1x16xf32>,
        %swap3A_581 = vector.shape_cast %swap3A_580 : vector<1x1x16xf32> to vector<16xf32>
        %swap3A_582 = vector.shape_cast %mul3A_575 : vector<16xf32> to vector<1x1x16xf32>
        tpu.vector_store %arg11[%swap3A_577, %swap3A_578, %swap3A_579], %swap3A_582 {strides = array<i32>} : memref<2x128x64xf32, #tpu.memory_space<vmem>>, vector<1x1x16xf32>,
      }
      %scan3A_330 = arith.constant 32 : i32
      %rem3A_331 = arith.constant 4 : i32
      %rem3A_332 = arith.remsi %add3A_255, %rem3A_331 : i32
      %dma_start3A_333 = arith.constant 1 : i32
      %dma_start3A_334 = arith.constant 0 : i32
      %dma_start3A_335 = arith.constant 0 : i32
      %dma_start3A_336 = tpu.memref_slice %arg11[%dma_start3A_333, %dma_start3A_334, %dma_start3A_335] : memref<2x128x64xf32, #tpu.memory_space<vmem>> -> memref<1x128x64xf32, #tpu.memory_space<vmem>>
      %dma_start3A_337 = tpu.memref_squeeze %dma_start3A_336 : memref<1x128x64xf32, #tpu.memory_space<vmem>> -> memref<128x64xf32, #tpu.memory_space<vmem>>
      %dma_start3A_338 = arith.constant 0 : i32
      %dma_start3A_339 = tpu.memref_slice %arg8[%rem3A_332, %dma_start3A_338] : memref<4x128xi32, #tpu.memory_space<vmem>> -> memref<1x128xi32, #tpu.memory_space<vmem>>
      %dma_start3A_340 = tpu.memref_squeeze %dma_start3A_339 : memref<1x128xi32, #tpu.memory_space<vmem>> -> memref<128xi32, #tpu.memory_space<vmem>>
      %dma_start3A_341 = arith.constant 0 : i32
      %dma_start3A_342 = arith.constant 0 : i32
      %dma_start3A_343 = tpu.memref_slice %arg14[%dma_start3A_341, %dma_start3A_342] : memref<10000x64xf32, #tpu.memory_space<vmem_shared>> -> memref<10000x64xf32, #tpu.memory_space<vmem_shared>>
      tpu.enqueue_indirect_dma source(%dma_start3A_337 : memref<128x64xf32, #tpu.memory_space<vmem>>) target(%dma_start3A_343 : memref<10000x64xf32, #tpu.memory_space<vmem_shared>>) offsets(%dma_start3A_340 : memref<128xi32, #tpu.memory_space<vmem>>) semaphore(%arg21 : memref<!tpu.dma_semaphore, #tpu.memory_space<semaphore_mem>>) {add = true}
    }
    %scan3A_81 = arith.constant 78 : i32
    %dma_wait3A = arith.constant 0 : i32
    %dma_wait3A_82 = arith.constant 0 : i32
    %dma_wait3A_83 = arith.constant 0 : i32
    %dma_wait3A_84 = arith.constant 0 : i32
    %dma_wait3A_85 = tpu.memref_slice %arg10[%dma_wait3A, %dma_wait3A_83, %dma_wait3A_84] : memref<2x128x64xf32, #tpu.memory_space<vmem>> -> memref<1x128x64xf32, #tpu.memory_space<vmem>>
    %dma_wait3A_86 = tpu.memref_squeeze %dma_wait3A_85 : memref<1x128x64xf32, #tpu.memory_space<vmem>> -> memref<128x64xf32, #tpu.memory_space<vmem>>
    %dma_wait3A_87 = arith.constant 0 : i32
    %dma_wait3A_88 = tpu.memref_slice %arg8[%dma_wait3A_82, %dma_wait3A_87] : memref<4x128xi32, #tpu.memory_space<vmem>> -> memref<1x128xi32, #tpu.memory_space<vmem>>
    %dma_wait3A_89 = tpu.memref_squeeze %dma_wait3A_88 : memref<1x128xi32, #tpu.memory_space<vmem>> -> memref<128xi32, #tpu.memory_space<vmem>>
    %dma_wait3A_90 = arith.constant 0 : i32
    %dma_wait3A_91 = arith.constant 0 : i32
    %dma_wait3A_92 = tpu.memref_slice %arg13[%dma_wait3A_90, %dma_wait3A_91] : memref<10000x64xf32, #tpu.memory_space<vmem_shared>> -> memref<10000x64xf32, #tpu.memory_space<vmem_shared>>
    tpu.wait_indirect_dma semaphore(%arg18 : memref<!tpu.dma_semaphore, #tpu.memory_space<semaphore_mem>>) src(%dma_wait3A_86 : memref<128x64xf32, #tpu.memory_space<vmem>>) dst(%dma_wait3A_92 : memref<10000x64xf32, #tpu.memory_space<vmem_shared>>)
    %dma_wait3A_93 = arith.constant 0 : i32
    %dma_wait3A_94 = arith.constant 0 : i32
    %dma_wait3A_95 = tpu.memref_slice %arg9[%dma_wait3A_93, %dma_wait3A_94] : memref<2x64xi32, #tpu.memory_space<vmem>> -> memref<1x64xi32, #tpu.memory_space<vmem>>
    %dma_wait3A_96 = tpu.memref_squeeze %dma_wait3A_95 : memref<1x64xi32, #tpu.memory_space<vmem>> -> memref<64xi32, #tpu.memory_space<vmem>>
    %dma_wait3A_97 = arith.constant 0 : i32
    %dma_wait3A_98 = arith.constant 0 : i32
    %dma_wait3A_99 = tpu.memref_slice %arg15[%dma_wait3A_97, %dma_wait3A_98] : memref<10000x16xf32, #tpu.memory_space<vmem_shared>> -> memref<10000x16xf32, #tpu.memory_space<vmem_shared>>
    tpu.wait_indirect_dma semaphore(%arg18 : memref<!tpu.dma_semaphore, #tpu.memory_space<semaphore_mem>>) src(%arg12 : memref<64x16xf32, #tpu.memory_space<vmem>>) dst(%dma_wait3A_99 : memref<10000x16xf32, #tpu.memory_space<vmem_shared>>)
    %dma_wait3A_100 = arith.constant 1 : i32
    %dma_wait3A_101 = arith.constant 0 : i32
    %dma_wait3A_102 = arith.constant 0 : i32
    %dma_wait3A_103 = arith.constant 0 : i32
    %dma_wait3A_104 = tpu.memref_slice %arg10[%dma_wait3A_100, %dma_wait3A_102, %dma_wait3A_103] : memref<2x128x64xf32, #tpu.memory_space<vmem>> -> memref<1x128x64xf32, #tpu.memory_space<vmem>>
    %dma_wait3A_105 = tpu.memref_squeeze %dma_wait3A_104 : memref<1x128x64xf32, #tpu.memory_space<vmem>> -> memref<128x64xf32, #tpu.memory_space<vmem>>
    %dma_wait3A_106 = arith.constant 0 : i32
    %dma_wait3A_107 = tpu.memref_slice %arg8[%dma_wait3A_101, %dma_wait3A_106] : memref<4x128xi32, #tpu.memory_space<vmem>> -> memref<1x128xi32, #tpu.memory_space<vmem>>
    %dma_wait3A_108 = tpu.memref_squeeze %dma_wait3A_107 : memref<1x128xi32, #tpu.memory_space<vmem>> -> memref<128xi32, #tpu.memory_space<vmem>>
    %dma_wait3A_109 = arith.constant 0 : i32
    %dma_wait3A_110 = arith.constant 0 : i32
    %dma_wait3A_111 = tpu.memref_slice %arg13[%dma_wait3A_109, %dma_wait3A_110] : memref<10000x64xf32, #tpu.memory_space<vmem_shared>> -> memref<10000x64xf32, #tpu.memory_space<vmem_shared>>
    tpu.wait_indirect_dma semaphore(%arg19 : memref<!tpu.dma_semaphore, #tpu.memory_space<semaphore_mem>>) src(%dma_wait3A_105 : memref<128x64xf32, #tpu.memory_space<vmem>>) dst(%dma_wait3A_111 : memref<10000x64xf32, #tpu.memory_space<vmem_shared>>)
    %dma_wait3A_112 = arith.constant 1 : i32
    %dma_wait3A_113 = arith.constant 0 : i32
    %dma_wait3A_114 = tpu.memref_slice %arg9[%dma_wait3A_112, %dma_wait3A_113] : memref<2x64xi32, #tpu.memory_space<vmem>> -> memref<1x64xi32, #tpu.memory_space<vmem>>
    %dma_wait3A_115 = tpu.memref_squeeze %dma_wait3A_114 : memref<1x64xi32, #tpu.memory_space<vmem>> -> memref<64xi32, #tpu.memory_space<vmem>>
    %dma_wait3A_116 = arith.constant 0 : i32
    %dma_wait3A_117 = arith.constant 0 : i32
    %dma_wait3A_118 = tpu.memref_slice %arg15[%dma_wait3A_116, %dma_wait3A_117] : memref<10000x16xf32, #tpu.memory_space<vmem_shared>> -> memref<10000x16xf32, #tpu.memory_space<vmem_shared>>
    tpu.wait_indirect_dma semaphore(%arg19 : memref<!tpu.dma_semaphore, #tpu.memory_space<semaphore_mem>>) src(%arg12 : memref<64x16xf32, #tpu.memory_space<vmem>>) dst(%dma_wait3A_118 : memref<10000x16xf32, #tpu.memory_space<vmem_shared>>)
    %dma_wait3A_119 = arith.constant 0 : i32
    %dma_wait3A_120 = arith.constant 0 : i32
    %dma_wait3A_121 = arith.constant 0 : i32
    %dma_wait3A_122 = arith.constant 0 : i32
    %dma_wait3A_123 = tpu.memref_slice %arg11[%dma_wait3A_119, %dma_wait3A_121, %dma_wait3A_122] : memref<2x128x64xf32, #tpu.memory_space<vmem>> -> memref<1x128x64xf32, #tpu.memory_space<vmem>>
    %dma_wait3A_124 = tpu.memref_squeeze %dma_wait3A_123 : memref<1x128x64xf32, #tpu.memory_space<vmem>> -> memref<128x64xf32, #tpu.memory_space<vmem>>
    %dma_wait3A_125 = arith.constant 0 : i32
    %dma_wait3A_126 = tpu.memref_slice %arg8[%dma_wait3A_120, %dma_wait3A_125] : memref<4x128xi32, #tpu.memory_space<vmem>> -> memref<1x128xi32, #tpu.memory_space<vmem>>
    %dma_wait3A_127 = tpu.memref_squeeze %dma_wait3A_126 : memref<1x128xi32, #tpu.memory_space<vmem>> -> memref<128xi32, #tpu.memory_space<vmem>>
    %dma_wait3A_128 = arith.constant 0 : i32
    %dma_wait3A_129 = arith.constant 0 : i32
    %dma_wait3A_130 = tpu.memref_slice %arg14[%dma_wait3A_128, %dma_wait3A_129] : memref<10000x64xf32, #tpu.memory_space<vmem_shared>> -> memref<10000x64xf32, #tpu.memory_space<vmem_shared>>
    tpu.wait_indirect_dma semaphore(%arg20 : memref<!tpu.dma_semaphore, #tpu.memory_space<semaphore_mem>>) src(%dma_wait3A_124 : memref<128x64xf32, #tpu.memory_space<vmem>>) dst(%dma_wait3A_130 : memref<10000x64xf32, #tpu.memory_space<vmem_shared>>)
    %dma_wait3A_131 = arith.constant 1 : i32
    %dma_wait3A_132 = arith.constant 0 : i32
    %dma_wait3A_133 = arith.constant 0 : i32
    %dma_wait3A_134 = arith.constant 0 : i32
    %dma_wait3A_135 = tpu.memref_slice %arg11[%dma_wait3A_131, %dma_wait3A_133, %dma_wait3A_134] : memref<2x128x64xf32, #tpu.memory_space<vmem>> -> memref<1x128x64xf32, #tpu.memory_space<vmem>>
    %dma_wait3A_136 = tpu.memref_squeeze %dma_wait3A_135 : memref<1x128x64xf32, #tpu.memory_space<vmem>> -> memref<128x64xf32, #tpu.memory_space<vmem>>
    %dma_wait3A_137 = arith.constant 0 : i32
    %dma_wait3A_138 = tpu.memref_slice %arg8[%dma_wait3A_132, %dma_wait3A_137] : memref<4x128xi32, #tpu.memory_space<vmem>> -> memref<1x128xi32, #tpu.memory_space<vmem>>
    %dma_wait3A_139 = tpu.memref_squeeze %dma_wait3A_138 : memref<1x128xi32, #tpu.memory_space<vmem>> -> memref<128xi32, #tpu.memory_space<vmem>>
    %dma_wait3A_140 = arith.constant 0 : i32
    %dma_wait3A_141 = arith.constant 0 : i32
    %dma_wait3A_142 = tpu.memref_slice %arg14[%dma_wait3A_140, %dma_wait3A_141] : memref<10000x64xf32, #tpu.memory_space<vmem_shared>> -> memref<10000x64xf32, #tpu.memory_space<vmem_shared>>
    tpu.wait_indirect_dma semaphore(%arg21 : memref<!tpu.dma_semaphore, #tpu.memory_space<semaphore_mem>>) src(%dma_wait3A_136 : memref<128x64xf32, #tpu.memory_space<vmem>>) dst(%dma_wait3A_142 : memref<10000x64xf32, #tpu.memory_space<vmem_shared>>)
    %lt3A = arith.constant 4 : i32
    %lt3A_143 = arith.cmpi slt, %arg1, %lt3A : i32
    %convert_element_type3A = arith.extui %lt3A_143 : i1 to i32
    %cond3A = arith.constant 0 : i32
    %cond3A_144 = arith.cmpi ne, %convert_element_type3A, %cond3A : i32
    scf.if %cond3A_144 {
      %mul3A_160 = arith.constant 128 : i32
      %mul3A_161 = arith.muli %arg1, %mul3A_160 : i32
      %add3A_162 = arith.constant 319488 : i32
      %add3A_163 = arith.addi %add3A_162, %mul3A_161 : i32
      %run_scoped3A_164 = arith.constant 0 : i32
      "tpu.region"() ({
        %run_scoped3A_180 = tpu.sem_alloc : memref<!tpu.dma_semaphore, #tpu.memory_space<semaphore_mem>>
        %dma_start3A_181 = arith.constant 0 : i32
        %dma_start3A_182 = tpu.memref_slice %arg8[%run_scoped3A_164, %dma_start3A_181] : memref<4x128xi32, #tpu.memory_space<vmem>> -> memref<1x128xi32, #tpu.memory_space<vmem>>
        %dma_start3A_183 = tpu.memref_squeeze %dma_start3A_182 : memref<1x128xi32, #tpu.memory_space<vmem>> -> memref<128xi32, #tpu.memory_space<vmem>>
        %dma_start3A_184 = tpu.memref_slice %arg3[%add3A_163] : memref<320000xi32, #tpu.memory_space<hbm>> -> memref<128xi32, #tpu.memory_space<hbm>>
        %dma_start3A_185 = arith.constant 0 : i32
        %dma_start3A_186 = tpu.memref_slice %arg8[%run_scoped3A_164, %dma_start3A_185] : memref<4x128xi32, #tpu.memory_space<vmem>> -> memref<1x128xi32, #tpu.memory_space<vmem>>
        %dma_start3A_187 = tpu.memref_squeeze %dma_start3A_186 : memref<1x128xi32, #tpu.memory_space<vmem>> -> memref<128xi32, #tpu.memory_space<vmem>>
        %dma_start3A_188 = tpu.memref_slice %arg3[%add3A_163] : memref<320000xi32, #tpu.memory_space<hbm>> -> memref<128xi32, #tpu.memory_space<hbm>>
        tpu.enqueue_dma source(%dma_start3A_188 : memref<128xi32, #tpu.memory_space<hbm>>) target(%dma_start3A_187 : memref<128xi32, #tpu.memory_space<vmem>>) target_semaphore(%run_scoped3A_180 : memref<!tpu.dma_semaphore, #tpu.memory_space<semaphore_mem>>)
        %dma_wait3A_189 = arith.constant 0 : i32
        %dma_wait3A_190 = tpu.memref_slice %arg8[%run_scoped3A_164, %dma_wait3A_189] : memref<4x128xi32, #tpu.memory_space<vmem>> -> memref<1x128xi32, #tpu.memory_space<vmem>>
        %dma_wait3A_191 = tpu.memref_squeeze %dma_wait3A_190 : memref<1x128xi32, #tpu.memory_space<vmem>> -> memref<128xi32, #tpu.memory_space<vmem>>
        %dma_wait3A_192 = tpu.memref_slice %arg3[%add3A_163] : memref<320000xi32, #tpu.memory_space<hbm>> -> memref<128xi32, #tpu.memory_space<hbm>>
        %dma_wait3A_193 = arith.constant 0 : i32
        %dma_wait3A_194 = tpu.memref_slice %arg8[%run_scoped3A_164, %dma_wait3A_193] : memref<4x128xi32, #tpu.memory_space<vmem>> -> memref<1x128xi32, #tpu.memory_space<vmem>>
        %dma_wait3A_195 = tpu.memref_squeeze %dma_wait3A_194 : memref<1x128xi32, #tpu.memory_space<vmem>> -> memref<128xi32, #tpu.memory_space<vmem>>
        %dma_wait3A_196 = tpu.memref_slice %arg3[%add3A_163] : memref<320000xi32, #tpu.memory_space<hbm>> -> memref<128xi32, #tpu.memory_space<hbm>>
        tpu.wait_dma2 semaphore(%run_scoped3A_180 : memref<!tpu.dma_semaphore, #tpu.memory_space<semaphore_mem>>) src(%dma_wait3A_196 : memref<128xi32, #tpu.memory_space<hbm>>) dst(%dma_wait3A_195 : memref<128xi32, #tpu.memory_space<vmem>>)
        tpu.yield
      }) : () -> ()
      %mul3A_165 = arith.constant 64 : i32
      %mul3A_166 = arith.muli %arg0, %mul3A_165 : i32
      %add3A_167 = arith.addi %add3A_163, %mul3A_166 : i32
      %run_scoped3A_168 = arith.constant 0 : i32
      "tpu.region"() ({
        %run_scoped3A_180 = tpu.sem_alloc : memref<!tpu.dma_semaphore, #tpu.memory_space<semaphore_mem>>
        %dma_start3A_181 = arith.constant 0 : i32
        %dma_start3A_182 = tpu.memref_slice %arg9[%run_scoped3A_168, %dma_start3A_181] : memref<2x64xi32, #tpu.memory_space<vmem>> -> memref<1x64xi32, #tpu.memory_space<vmem>>
        %dma_start3A_183 = tpu.memref_squeeze %dma_start3A_182 : memref<1x64xi32, #tpu.memory_space<vmem>> -> memref<64xi32, #tpu.memory_space<vmem>>
        %dma_start3A_184 = tpu.memref_slice %arg3[%add3A_167] : memref<320000xi32, #tpu.memory_space<hbm>> -> memref<64xi32, #tpu.memory_space<hbm>>
        %dma_start3A_185 = arith.constant 0 : i32
        %dma_start3A_186 = tpu.memref_slice %arg9[%run_scoped3A_168, %dma_start3A_185] : memref<2x64xi32, #tpu.memory_space<vmem>> -> memref<1x64xi32, #tpu.memory_space<vmem>>
        %dma_start3A_187 = tpu.memref_squeeze %dma_start3A_186 : memref<1x64xi32, #tpu.memory_space<vmem>> -> memref<64xi32, #tpu.memory_space<vmem>>
        %dma_start3A_188 = tpu.memref_slice %arg3[%add3A_167] : memref<320000xi32, #tpu.memory_space<hbm>> -> memref<64xi32, #tpu.memory_space<hbm>>
        tpu.enqueue_dma source(%dma_start3A_188 : memref<64xi32, #tpu.memory_space<hbm>>) target(%dma_start3A_187 : memref<64xi32, #tpu.memory_space<vmem>>) target_semaphore(%run_scoped3A_180 : memref<!tpu.dma_semaphore, #tpu.memory_space<semaphore_mem>>)
        %dma_wait3A_189 = arith.constant 0 : i32
        %dma_wait3A_190 = tpu.memref_slice %arg9[%run_scoped3A_168, %dma_wait3A_189] : memref<2x64xi32, #tpu.memory_space<vmem>> -> memref<1x64xi32, #tpu.memory_space<vmem>>
        %dma_wait3A_191 = tpu.memref_squeeze %dma_wait3A_190 : memref<1x64xi32, #tpu.memory_space<vmem>> -> memref<64xi32, #tpu.memory_space<vmem>>
        %dma_wait3A_192 = tpu.memref_slice %arg3[%add3A_167] : memref<320000xi32, #tpu.memory_space<hbm>> -> memref<64xi32, #tpu.memory_space<hbm>>
        %dma_wait3A_193 = arith.constant 0 : i32
        %dma_wait3A_194 = tpu.memref_slice %arg9[%run_scoped3A_168, %dma_wait3A_193] : memref<2x64xi32, #tpu.memory_space<vmem>> -> memref<1x64xi32, #tpu.memory_space<vmem>>
        %dma_wait3A_195 = tpu.memref_squeeze %dma_wait3A_194 : memref<1x64xi32, #tpu.memory_space<vmem>> -> memref<64xi32, #tpu.memory_space<vmem>>
        %dma_wait3A_196 = tpu.memref_slice %arg3[%add3A_167] : memref<320000xi32, #tpu.memory_space<hbm>> -> memref<64xi32, #tpu.memory_space<hbm>>
        tpu.wait_dma2 semaphore(%run_scoped3A_180 : memref<!tpu.dma_semaphore, #tpu.memory_space<semaphore_mem>>) src(%dma_wait3A_196 : memref<64xi32, #tpu.memory_space<hbm>>) dst(%dma_wait3A_195 : memref<64xi32, #tpu.memory_space<vmem>>)
        tpu.yield
      }) : () -> ()
      %run_scoped3A_169 = arith.constant 0 : i32
      "tpu.region"() ({
        %run_scoped3A_180 = tpu.sem_alloc : memref<!tpu.dma_semaphore, #tpu.memory_space<semaphore_mem>>
        %dma_start3A_181 = arith.constant 0 : i32
        %dma_start3A_182 = arith.constant 0 : i32
        %dma_start3A_183 = tpu.memref_slice %arg10[%run_scoped3A_169, %dma_start3A_181, %dma_start3A_182] : memref<2x128x64xf32, #tpu.memory_space<vmem>> -> memref<1x128x64xf32, #tpu.memory_space<vmem>>
        %dma_start3A_184 = tpu.memref_squeeze %dma_start3A_183 : memref<1x128x64xf32, #tpu.memory_space<vmem>> -> memref<128x64xf32, #tpu.memory_space<vmem>>
        %dma_start3A_185 = tpu.memref_slice %arg2[%add3A_163, %mul3A_0] : memref<320000x128xf32, #tpu.memory_space<hbm>> -> memref<128x64xf32, #tpu.memory_space<hbm>>
        %dma_start3A_186 = arith.constant 0 : i32
        %dma_start3A_187 = arith.constant 0 : i32
        %dma_start3A_188 = tpu.memref_slice %arg10[%run_scoped3A_169, %dma_start3A_186, %dma_start3A_187] : memref<2x128x64xf32, #tpu.memory_space<vmem>> -> memref<1x128x64xf32, #tpu.memory_space<vmem>>
        %dma_start3A_189 = tpu.memref_squeeze %dma_start3A_188 : memref<1x128x64xf32, #tpu.memory_space<vmem>> -> memref<128x64xf32, #tpu.memory_space<vmem>>
        %dma_start3A_190 = tpu.memref_slice %arg2[%add3A_163, %mul3A_0] : memref<320000x128xf32, #tpu.memory_space<hbm>> -> memref<128x64xf32, #tpu.memory_space<hbm>>
        tpu.enqueue_dma source(%dma_start3A_190 : memref<128x64xf32, #tpu.memory_space<hbm>>) target(%dma_start3A_189 : memref<128x64xf32, #tpu.memory_space<vmem>>) target_semaphore(%run_scoped3A_180 : memref<!tpu.dma_semaphore, #tpu.memory_space<semaphore_mem>>)
        %dma_wait3A_191 = arith.constant 0 : i32
        %dma_wait3A_192 = arith.constant 0 : i32
        %dma_wait3A_193 = tpu.memref_slice %arg10[%run_scoped3A_169, %dma_wait3A_191, %dma_wait3A_192] : memref<2x128x64xf32, #tpu.memory_space<vmem>> -> memref<1x128x64xf32, #tpu.memory_space<vmem>>
        %dma_wait3A_194 = tpu.memref_squeeze %dma_wait3A_193 : memref<1x128x64xf32, #tpu.memory_space<vmem>> -> memref<128x64xf32, #tpu.memory_space<vmem>>
        %dma_wait3A_195 = tpu.memref_slice %arg2[%add3A_163, %mul3A_0] : memref<320000x128xf32, #tpu.memory_space<hbm>> -> memref<128x64xf32, #tpu.memory_space<hbm>>
        %dma_wait3A_196 = arith.constant 0 : i32
        %dma_wait3A_197 = arith.constant 0 : i32
        %dma_wait3A_198 = tpu.memref_slice %arg10[%run_scoped3A_169, %dma_wait3A_196, %dma_wait3A_197] : memref<2x128x64xf32, #tpu.memory_space<vmem>> -> memref<1x128x64xf32, #tpu.memory_space<vmem>>
        %dma_wait3A_199 = tpu.memref_squeeze %dma_wait3A_198 : memref<1x128x64xf32, #tpu.memory_space<vmem>> -> memref<128x64xf32, #tpu.memory_space<vmem>>
        %dma_wait3A_200 = tpu.memref_slice %arg2[%add3A_163, %mul3A_0] : memref<320000x128xf32, #tpu.memory_space<hbm>> -> memref<128x64xf32, #tpu.memory_space<hbm>>
        tpu.wait_dma2 semaphore(%run_scoped3A_180 : memref<!tpu.dma_semaphore, #tpu.memory_space<semaphore_mem>>) src(%dma_wait3A_200 : memref<128x64xf32, #tpu.memory_space<hbm>>) dst(%dma_wait3A_199 : memref<128x64xf32, #tpu.memory_space<vmem>>)
        tpu.yield
      }) : () -> ()
      %scan3A_170 = arith.constant 0 : i32
      %scan3A_171 = arith.constant 0 : i32
      %scan3A_172 = arith.constant 32 : i32
      %scan3A_173 = arith.addi %scan3A_171, %scan3A_172 : i32
      %scan3A_174 = arith.constant 1 : i32
      scf.for %scan3A_180 = %scan3A_171 to %scan3A_173 step %scan3A_174  : i32 {
        %mul3A_181 = arith.constant 4 : i32
        %mul3A_182 = arith.muli %scan3A_180, %mul3A_181 : i32
        %add3A_183 = arith.constant 0 : i32
        %add3A_184 = arith.addi %mul3A_182, %add3A_183 : i32
        %get3A = arith.constant 0 : i32
        %get3A_185 = arith.index_cast %get3A : i32 to index
        %get3A_186 = arith.index_cast %add3A_184 : i32 to index
        %get3A_187 = arith.constant 0 : index
        %get3A_188 = tpu.vector_load %arg10[%get3A_185, %get3A_186, %get3A_187] {strides = array<i32>} : memref<2x128x64xf32, #tpu.memory_space<vmem>>, vector<1x1x16xf32>,
        %get3A_189 = vector.shape_cast %get3A_188 : vector<1x1x16xf32> to vector<16xf32>
        %mul3A_190 = arith.mulf %get3A_189, %get3A_189 : vector<16xf32>
        %swap3A = arith.constant 0 : i32
        %swap3A_191 = arith.index_cast %swap3A : i32 to index
        %swap3A_192 = arith.index_cast %add3A_184 : i32 to index
        %swap3A_193 = arith.constant 0 : index
        %swap3A_194 = tpu.vector_load %arg11[%swap3A_191, %swap3A_192, %swap3A_193] {strides = array<i32>} : memref<2x128x64xf32, #tpu.memory_space<vmem>>, vector<1x1x16xf32>,
        %swap3A_195 = vector.shape_cast %swap3A_194 : vector<1x1x16xf32> to vector<16xf32>
        %swap3A_196 = vector.shape_cast %mul3A_190 : vector<16xf32> to vector<1x1x16xf32>
        tpu.vector_store %arg11[%swap3A_191, %swap3A_192, %swap3A_193], %swap3A_196 {strides = array<i32>} : memref<2x128x64xf32, #tpu.memory_space<vmem>>, vector<1x1x16xf32>,
        %get3A_197 = arith.constant 0 : i32
        %get3A_198 = arith.index_cast %get3A_197 : i32 to index
        %get3A_199 = arith.index_cast %add3A_184 : i32 to index
        %get3A_200 = arith.constant 16 : index
        %get3A_201 = tpu.vector_load %arg10[%get3A_198, %get3A_199, %get3A_200] {strides = array<i32>} : memref<2x128x64xf32, #tpu.memory_space<vmem>>, vector<1x1x16xf32>,
        %get3A_202 = vector.shape_cast %get3A_201 : vector<1x1x16xf32> to vector<16xf32>
        %mul3A_203 = arith.mulf %get3A_202, %get3A_202 : vector<16xf32>
        %swap3A_204 = arith.constant 0 : i32
        %swap3A_205 = arith.index_cast %swap3A_204 : i32 to index
        %swap3A_206 = arith.index_cast %add3A_184 : i32 to index
        %swap3A_207 = arith.constant 16 : index
        %swap3A_208 = tpu.vector_load %arg11[%swap3A_205, %swap3A_206, %swap3A_207] {strides = array<i32>} : memref<2x128x64xf32, #tpu.memory_space<vmem>>, vector<1x1x16xf32>,
        %swap3A_209 = vector.shape_cast %swap3A_208 : vector<1x1x16xf32> to vector<16xf32>
        %swap3A_210 = vector.shape_cast %mul3A_203 : vector<16xf32> to vector<1x1x16xf32>
        tpu.vector_store %arg11[%swap3A_205, %swap3A_206, %swap3A_207], %swap3A_210 {strides = array<i32>} : memref<2x128x64xf32, #tpu.memory_space<vmem>>, vector<1x1x16xf32>,
        %get3A_211 = arith.constant 0 : i32
        %get3A_212 = arith.index_cast %get3A_211 : i32 to index
        %get3A_213 = arith.index_cast %add3A_184 : i32 to index
        %get3A_214 = arith.constant 32 : index
        %get3A_215 = tpu.vector_load %arg10[%get3A_212, %get3A_213, %get3A_214] {strides = array<i32>} : memref<2x128x64xf32, #tpu.memory_space<vmem>>, vector<1x1x16xf32>,
        %get3A_216 = vector.shape_cast %get3A_215 : vector<1x1x16xf32> to vector<16xf32>
        %mul3A_217 = arith.mulf %get3A_216, %get3A_216 : vector<16xf32>
        %swap3A_218 = arith.constant 0 : i32
        %swap3A_219 = arith.index_cast %swap3A_218 : i32 to index
        %swap3A_220 = arith.index_cast %add3A_184 : i32 to index
        %swap3A_221 = arith.constant 32 : index
        %swap3A_222 = tpu.vector_load %arg11[%swap3A_219, %swap3A_220, %swap3A_221] {strides = array<i32>} : memref<2x128x64xf32, #tpu.memory_space<vmem>>, vector<1x1x16xf32>,
        %swap3A_223 = vector.shape_cast %swap3A_222 : vector<1x1x16xf32> to vector<16xf32>
        %swap3A_224 = vector.shape_cast %mul3A_217 : vector<16xf32> to vector<1x1x16xf32>
        tpu.vector_store %arg11[%swap3A_219, %swap3A_220, %swap3A_221], %swap3A_224 {strides = array<i32>} : memref<2x128x64xf32, #tpu.memory_space<vmem>>, vector<1x1x16xf32>,
        %get3A_225 = arith.constant 0 : i32
        %get3A_226 = arith.index_cast %get3A_225 : i32 to index
        %get3A_227 = arith.index_cast %add3A_184 : i32 to index
        %get3A_228 = arith.constant 48 : index
        %get3A_229 = tpu.vector_load %arg10[%get3A_226, %get3A_227, %get3A_228] {strides = array<i32>} : memref<2x128x64xf32, #tpu.memory_space<vmem>>, vector<1x1x16xf32>,
        %get3A_230 = vector.shape_cast %get3A_229 : vector<1x1x16xf32> to vector<16xf32>
        %mul3A_231 = arith.mulf %get3A_230, %get3A_230 : vector<16xf32>
        %swap3A_232 = arith.constant 0 : i32
        %swap3A_233 = arith.index_cast %swap3A_232 : i32 to index
        %swap3A_234 = arith.index_cast %add3A_184 : i32 to index
        %swap3A_235 = arith.constant 48 : index
        %swap3A_236 = tpu.vector_load %arg11[%swap3A_233, %swap3A_234, %swap3A_235] {strides = array<i32>} : memref<2x128x64xf32, #tpu.memory_space<vmem>>, vector<1x1x16xf32>,
        %swap3A_237 = vector.shape_cast %swap3A_236 : vector<1x1x16xf32> to vector<16xf32>
        %swap3A_238 = vector.shape_cast %mul3A_231 : vector<16xf32> to vector<1x1x16xf32>
        tpu.vector_store %arg11[%swap3A_233, %swap3A_234, %swap3A_235], %swap3A_238 {strides = array<i32>} : memref<2x128x64xf32, #tpu.memory_space<vmem>>, vector<1x1x16xf32>,
        %mul3A_239 = arith.constant 4 : i32
        %mul3A_240 = arith.muli %scan3A_180, %mul3A_239 : i32
        %add3A_241 = arith.constant 1 : i32
        %add3A_242 = arith.addi %mul3A_240, %add3A_241 : i32
        %get3A_243 = arith.constant 0 : i32
        %get3A_244 = arith.index_cast %get3A_243 : i32 to index
        %get3A_245 = arith.index_cast %add3A_242 : i32 to index
        %get3A_246 = arith.constant 0 : index
        %get3A_247 = tpu.vector_load %arg10[%get3A_244, %get3A_245, %get3A_246] {strides = array<i32>} : memref<2x128x64xf32, #tpu.memory_space<vmem>>, vector<1x1x16xf32>,
        %get3A_248 = vector.shape_cast %get3A_247 : vector<1x1x16xf32> to vector<16xf32>
        %mul3A_249 = arith.mulf %get3A_248, %get3A_248 : vector<16xf32>
        %swap3A_250 = arith.constant 0 : i32
        %swap3A_251 = arith.index_cast %swap3A_250 : i32 to index
        %swap3A_252 = arith.index_cast %add3A_242 : i32 to index
        %swap3A_253 = arith.constant 0 : index
        %swap3A_254 = tpu.vector_load %arg11[%swap3A_251, %swap3A_252, %swap3A_253] {strides = array<i32>} : memref<2x128x64xf32, #tpu.memory_space<vmem>>, vector<1x1x16xf32>,
        %swap3A_255 = vector.shape_cast %swap3A_254 : vector<1x1x16xf32> to vector<16xf32>
        %swap3A_256 = vector.shape_cast %mul3A_249 : vector<16xf32> to vector<1x1x16xf32>
        tpu.vector_store %arg11[%swap3A_251, %swap3A_252, %swap3A_253], %swap3A_256 {strides = array<i32>} : memref<2x128x64xf32, #tpu.memory_space<vmem>>, vector<1x1x16xf32>,
        %get3A_257 = arith.constant 0 : i32
        %get3A_258 = arith.index_cast %get3A_257 : i32 to index
        %get3A_259 = arith.index_cast %add3A_242 : i32 to index
        %get3A_260 = arith.constant 16 : index
        %get3A_261 = tpu.vector_load %arg10[%get3A_258, %get3A_259, %get3A_260] {strides = array<i32>} : memref<2x128x64xf32, #tpu.memory_space<vmem>>, vector<1x1x16xf32>,
        %get3A_262 = vector.shape_cast %get3A_261 : vector<1x1x16xf32> to vector<16xf32>
        %mul3A_263 = arith.mulf %get3A_262, %get3A_262 : vector<16xf32>
        %swap3A_264 = arith.constant 0 : i32
        %swap3A_265 = arith.index_cast %swap3A_264 : i32 to index
        %swap3A_266 = arith.index_cast %add3A_242 : i32 to index
        %swap3A_267 = arith.constant 16 : index
        %swap3A_268 = tpu.vector_load %arg11[%swap3A_265, %swap3A_266, %swap3A_267] {strides = array<i32>} : memref<2x128x64xf32, #tpu.memory_space<vmem>>, vector<1x1x16xf32>,
        %swap3A_269 = vector.shape_cast %swap3A_268 : vector<1x1x16xf32> to vector<16xf32>
        %swap3A_270 = vector.shape_cast %mul3A_263 : vector<16xf32> to vector<1x1x16xf32>
        tpu.vector_store %arg11[%swap3A_265, %swap3A_266, %swap3A_267], %swap3A_270 {strides = array<i32>} : memref<2x128x64xf32, #tpu.memory_space<vmem>>, vector<1x1x16xf32>,
        %get3A_271 = arith.constant 0 : i32
        %get3A_272 = arith.index_cast %get3A_271 : i32 to index
        %get3A_273 = arith.index_cast %add3A_242 : i32 to index
        %get3A_274 = arith.constant 32 : index
        %get3A_275 = tpu.vector_load %arg10[%get3A_272, %get3A_273, %get3A_274] {strides = array<i32>} : memref<2x128x64xf32, #tpu.memory_space<vmem>>, vector<1x1x16xf32>,
        %get3A_276 = vector.shape_cast %get3A_275 : vector<1x1x16xf32> to vector<16xf32>
        %mul3A_277 = arith.mulf %get3A_276, %get3A_276 : vector<16xf32>
        %swap3A_278 = arith.constant 0 : i32
        %swap3A_279 = arith.index_cast %swap3A_278 : i32 to index
        %swap3A_280 = arith.index_cast %add3A_242 : i32 to index
        %swap3A_281 = arith.constant 32 : index
        %swap3A_282 = tpu.vector_load %arg11[%swap3A_279, %swap3A_280, %swap3A_281] {strides = array<i32>} : memref<2x128x64xf32, #tpu.memory_space<vmem>>, vector<1x1x16xf32>,
        %swap3A_283 = vector.shape_cast %swap3A_282 : vector<1x1x16xf32> to vector<16xf32>
        %swap3A_284 = vector.shape_cast %mul3A_277 : vector<16xf32> to vector<1x1x16xf32>
        tpu.vector_store %arg11[%swap3A_279, %swap3A_280, %swap3A_281], %swap3A_284 {strides = array<i32>} : memref<2x128x64xf32, #tpu.memory_space<vmem>>, vector<1x1x16xf32>,
        %get3A_285 = arith.constant 0 : i32
        %get3A_286 = arith.index_cast %get3A_285 : i32 to index
        %get3A_287 = arith.index_cast %add3A_242 : i32 to index
        %get3A_288 = arith.constant 48 : index
        %get3A_289 = tpu.vector_load %arg10[%get3A_286, %get3A_287, %get3A_288] {strides = array<i32>} : memref<2x128x64xf32, #tpu.memory_space<vmem>>, vector<1x1x16xf32>,
        %get3A_290 = vector.shape_cast %get3A_289 : vector<1x1x16xf32> to vector<16xf32>
        %mul3A_291 = arith.mulf %get3A_290, %get3A_290 : vector<16xf32>
        %swap3A_292 = arith.constant 0 : i32
        %swap3A_293 = arith.index_cast %swap3A_292 : i32 to index
        %swap3A_294 = arith.index_cast %add3A_242 : i32 to index
        %swap3A_295 = arith.constant 48 : index
        %swap3A_296 = tpu.vector_load %arg11[%swap3A_293, %swap3A_294, %swap3A_295] {strides = array<i32>} : memref<2x128x64xf32, #tpu.memory_space<vmem>>, vector<1x1x16xf32>,
        %swap3A_297 = vector.shape_cast %swap3A_296 : vector<1x1x16xf32> to vector<16xf32>
        %swap3A_298 = vector.shape_cast %mul3A_291 : vector<16xf32> to vector<1x1x16xf32>
        tpu.vector_store %arg11[%swap3A_293, %swap3A_294, %swap3A_295], %swap3A_298 {strides = array<i32>} : memref<2x128x64xf32, #tpu.memory_space<vmem>>, vector<1x1x16xf32>,
        %mul3A_299 = arith.constant 4 : i32
        %mul3A_300 = arith.muli %scan3A_180, %mul3A_299 : i32
        %add3A_301 = arith.constant 2 : i32
        %add3A_302 = arith.addi %mul3A_300, %add3A_301 : i32
        %get3A_303 = arith.constant 0 : i32
        %get3A_304 = arith.index_cast %get3A_303 : i32 to index
        %get3A_305 = arith.index_cast %add3A_302 : i32 to index
        %get3A_306 = arith.constant 0 : index
        %get3A_307 = tpu.vector_load %arg10[%get3A_304, %get3A_305, %get3A_306] {strides = array<i32>} : memref<2x128x64xf32, #tpu.memory_space<vmem>>, vector<1x1x16xf32>,
        %get3A_308 = vector.shape_cast %get3A_307 : vector<1x1x16xf32> to vector<16xf32>
        %mul3A_309 = arith.mulf %get3A_308, %get3A_308 : vector<16xf32>
        %swap3A_310 = arith.constant 0 : i32
        %swap3A_311 = arith.index_cast %swap3A_310 : i32 to index
        %swap3A_312 = arith.index_cast %add3A_302 : i32 to index
        %swap3A_313 = arith.constant 0 : index
        %swap3A_314 = tpu.vector_load %arg11[%swap3A_311, %swap3A_312, %swap3A_313] {strides = array<i32>} : memref<2x128x64xf32, #tpu.memory_space<vmem>>, vector<1x1x16xf32>,
        %swap3A_315 = vector.shape_cast %swap3A_314 : vector<1x1x16xf32> to vector<16xf32>
        %swap3A_316 = vector.shape_cast %mul3A_309 : vector<16xf32> to vector<1x1x16xf32>
        tpu.vector_store %arg11[%swap3A_311, %swap3A_312, %swap3A_313], %swap3A_316 {strides = array<i32>} : memref<2x128x64xf32, #tpu.memory_space<vmem>>, vector<1x1x16xf32>,
        %get3A_317 = arith.constant 0 : i32
        %get3A_318 = arith.index_cast %get3A_317 : i32 to index
        %get3A_319 = arith.index_cast %add3A_302 : i32 to index
        %get3A_320 = arith.constant 16 : index
        %get3A_321 = tpu.vector_load %arg10[%get3A_318, %get3A_319, %get3A_320] {strides = array<i32>} : memref<2x128x64xf32, #tpu.memory_space<vmem>>, vector<1x1x16xf32>,
        %get3A_322 = vector.shape_cast %get3A_321 : vector<1x1x16xf32> to vector<16xf32>
        %mul3A_323 = arith.mulf %get3A_322, %get3A_322 : vector<16xf32>
        %swap3A_324 = arith.constant 0 : i32
        %swap3A_325 = arith.index_cast %swap3A_324 : i32 to index
        %swap3A_326 = arith.index_cast %add3A_302 : i32 to index
        %swap3A_327 = arith.constant 16 : index
        %swap3A_328 = tpu.vector_load %arg11[%swap3A_325, %swap3A_326, %swap3A_327] {strides = array<i32>} : memref<2x128x64xf32, #tpu.memory_space<vmem>>, vector<1x1x16xf32>,
        %swap3A_329 = vector.shape_cast %swap3A_328 : vector<1x1x16xf32> to vector<16xf32>
        %swap3A_330 = vector.shape_cast %mul3A_323 : vector<16xf32> to vector<1x1x16xf32>
        tpu.vector_store %arg11[%swap3A_325, %swap3A_326, %swap3A_327], %swap3A_330 {strides = array<i32>} : memref<2x128x64xf32, #tpu.memory_space<vmem>>, vector<1x1x16xf32>,
        %get3A_331 = arith.constant 0 : i32
        %get3A_332 = arith.index_cast %get3A_331 : i32 to index
        %get3A_333 = arith.index_cast %add3A_302 : i32 to index
        %get3A_334 = arith.constant 32 : index
        %get3A_335 = tpu.vector_load %arg10[%get3A_332, %get3A_333, %get3A_334] {strides = array<i32>} : memref<2x128x64xf32, #tpu.memory_space<vmem>>, vector<1x1x16xf32>,
        %get3A_336 = vector.shape_cast %get3A_335 : vector<1x1x16xf32> to vector<16xf32>
        %mul3A_337 = arith.mulf %get3A_336, %get3A_336 : vector<16xf32>
        %swap3A_338 = arith.constant 0 : i32
        %swap3A_339 = arith.index_cast %swap3A_338 : i32 to index
        %swap3A_340 = arith.index_cast %add3A_302 : i32 to index
        %swap3A_341 = arith.constant 32 : index
        %swap3A_342 = tpu.vector_load %arg11[%swap3A_339, %swap3A_340, %swap3A_341] {strides = array<i32>} : memref<2x128x64xf32, #tpu.memory_space<vmem>>, vector<1x1x16xf32>,
        %swap3A_343 = vector.shape_cast %swap3A_342 : vector<1x1x16xf32> to vector<16xf32>
        %swap3A_344 = vector.shape_cast %mul3A_337 : vector<16xf32> to vector<1x1x16xf32>
        tpu.vector_store %arg11[%swap3A_339, %swap3A_340, %swap3A_341], %swap3A_344 {strides = array<i32>} : memref<2x128x64xf32, #tpu.memory_space<vmem>>, vector<1x1x16xf32>,
        %get3A_345 = arith.constant 0 : i32
        %get3A_346 = arith.index_cast %get3A_345 : i32 to index
        %get3A_347 = arith.index_cast %add3A_302 : i32 to index
        %get3A_348 = arith.constant 48 : index
        %get3A_349 = tpu.vector_load %arg10[%get3A_346, %get3A_347, %get3A_348] {strides = array<i32>} : memref<2x128x64xf32, #tpu.memory_space<vmem>>, vector<1x1x16xf32>,
        %get3A_350 = vector.shape_cast %get3A_349 : vector<1x1x16xf32> to vector<16xf32>
        %mul3A_351 = arith.mulf %get3A_350, %get3A_350 : vector<16xf32>
        %swap3A_352 = arith.constant 0 : i32
        %swap3A_353 = arith.index_cast %swap3A_352 : i32 to index
        %swap3A_354 = arith.index_cast %add3A_302 : i32 to index
        %swap3A_355 = arith.constant 48 : index
        %swap3A_356 = tpu.vector_load %arg11[%swap3A_353, %swap3A_354, %swap3A_355] {strides = array<i32>} : memref<2x128x64xf32, #tpu.memory_space<vmem>>, vector<1x1x16xf32>,
        %swap3A_357 = vector.shape_cast %swap3A_356 : vector<1x1x16xf32> to vector<16xf32>
        %swap3A_358 = vector.shape_cast %mul3A_351 : vector<16xf32> to vector<1x1x16xf32>
        tpu.vector_store %arg11[%swap3A_353, %swap3A_354, %swap3A_355], %swap3A_358 {strides = array<i32>} : memref<2x128x64xf32, #tpu.memory_space<vmem>>, vector<1x1x16xf32>,
        %mul3A_359 = arith.constant 4 : i32
        %mul3A_360 = arith.muli %scan3A_180, %mul3A_359 : i32
        %add3A_361 = arith.constant 3 : i32
        %add3A_362 = arith.addi %mul3A_360, %add3A_361 : i32
        %get3A_363 = arith.constant 0 : i32
        %get3A_364 = arith.index_cast %get3A_363 : i32 to index
        %get3A_365 = arith.index_cast %add3A_362 : i32 to index
        %get3A_366 = arith.constant 0 : index
        %get3A_367 = tpu.vector_load %arg10[%get3A_364, %get3A_365, %get3A_366] {strides = array<i32>} : memref<2x128x64xf32, #tpu.memory_space<vmem>>, vector<1x1x16xf32>,
        %get3A_368 = vector.shape_cast %get3A_367 : vector<1x1x16xf32> to vector<16xf32>
        %mul3A_369 = arith.mulf %get3A_368, %get3A_368 : vector<16xf32>
        %swap3A_370 = arith.constant 0 : i32
        %swap3A_371 = arith.index_cast %swap3A_370 : i32 to index
        %swap3A_372 = arith.index_cast %add3A_362 : i32 to index
        %swap3A_373 = arith.constant 0 : index
        %swap3A_374 = tpu.vector_load %arg11[%swap3A_371, %swap3A_372, %swap3A_373] {strides = array<i32>} : memref<2x128x64xf32, #tpu.memory_space<vmem>>, vector<1x1x16xf32>,
        %swap3A_375 = vector.shape_cast %swap3A_374 : vector<1x1x16xf32> to vector<16xf32>
        %swap3A_376 = vector.shape_cast %mul3A_369 : vector<16xf32> to vector<1x1x16xf32>
        tpu.vector_store %arg11[%swap3A_371, %swap3A_372, %swap3A_373], %swap3A_376 {strides = array<i32>} : memref<2x128x64xf32, #tpu.memory_space<vmem>>, vector<1x1x16xf32>,
        %get3A_377 = arith.constant 0 : i32
        %get3A_378 = arith.index_cast %get3A_377 : i32 to index
        %get3A_379 = arith.index_cast %add3A_362 : i32 to index
        %get3A_380 = arith.constant 16 : index
        %get3A_381 = tpu.vector_load %arg10[%get3A_378, %get3A_379, %get3A_380] {strides = array<i32>} : memref<2x128x64xf32, #tpu.memory_space<vmem>>, vector<1x1x16xf32>,
        %get3A_382 = vector.shape_cast %get3A_381 : vector<1x1x16xf32> to vector<16xf32>
        %mul3A_383 = arith.mulf %get3A_382, %get3A_382 : vector<16xf32>
        %swap3A_384 = arith.constant 0 : i32
        %swap3A_385 = arith.index_cast %swap3A_384 : i32 to index
        %swap3A_386 = arith.index_cast %add3A_362 : i32 to index
        %swap3A_387 = arith.constant 16 : index
        %swap3A_388 = tpu.vector_load %arg11[%swap3A_385, %swap3A_386, %swap3A_387] {strides = array<i32>} : memref<2x128x64xf32, #tpu.memory_space<vmem>>, vector<1x1x16xf32>,
        %swap3A_389 = vector.shape_cast %swap3A_388 : vector<1x1x16xf32> to vector<16xf32>
        %swap3A_390 = vector.shape_cast %mul3A_383 : vector<16xf32> to vector<1x1x16xf32>
        tpu.vector_store %arg11[%swap3A_385, %swap3A_386, %swap3A_387], %swap3A_390 {strides = array<i32>} : memref<2x128x64xf32, #tpu.memory_space<vmem>>, vector<1x1x16xf32>,
        %get3A_391 = arith.constant 0 : i32
        %get3A_392 = arith.index_cast %get3A_391 : i32 to index
        %get3A_393 = arith.index_cast %add3A_362 : i32 to index
        %get3A_394 = arith.constant 32 : index
        %get3A_395 = tpu.vector_load %arg10[%get3A_392, %get3A_393, %get3A_394] {strides = array<i32>} : memref<2x128x64xf32, #tpu.memory_space<vmem>>, vector<1x1x16xf32>,
        %get3A_396 = vector.shape_cast %get3A_395 : vector<1x1x16xf32> to vector<16xf32>
        %mul3A_397 = arith.mulf %get3A_396, %get3A_396 : vector<16xf32>
        %swap3A_398 = arith.constant 0 : i32
        %swap3A_399 = arith.index_cast %swap3A_398 : i32 to index
        %swap3A_400 = arith.index_cast %add3A_362 : i32 to index
        %swap3A_401 = arith.constant 32 : index
        %swap3A_402 = tpu.vector_load %arg11[%swap3A_399, %swap3A_400, %swap3A_401] {strides = array<i32>} : memref<2x128x64xf32, #tpu.memory_space<vmem>>, vector<1x1x16xf32>,
        %swap3A_403 = vector.shape_cast %swap3A_402 : vector<1x1x16xf32> to vector<16xf32>
        %swap3A_404 = vector.shape_cast %mul3A_397 : vector<16xf32> to vector<1x1x16xf32>
        tpu.vector_store %arg11[%swap3A_399, %swap3A_400, %swap3A_401], %swap3A_404 {strides = array<i32>} : memref<2x128x64xf32, #tpu.memory_space<vmem>>, vector<1x1x16xf32>,
        %get3A_405 = arith.constant 0 : i32
        %get3A_406 = arith.index_cast %get3A_405 : i32 to index
        %get3A_407 = arith.index_cast %add3A_362 : i32 to index
        %get3A_408 = arith.constant 48 : index
        %get3A_409 = tpu.vector_load %arg10[%get3A_406, %get3A_407, %get3A_408] {strides = array<i32>} : memref<2x128x64xf32, #tpu.memory_space<vmem>>, vector<1x1x16xf32>,
        %get3A_410 = vector.shape_cast %get3A_409 : vector<1x1x16xf32> to vector<16xf32>
        %mul3A_411 = arith.mulf %get3A_410, %get3A_410 : vector<16xf32>
        %swap3A_412 = arith.constant 0 : i32
        %swap3A_413 = arith.index_cast %swap3A_412 : i32 to index
        %swap3A_414 = arith.index_cast %add3A_362 : i32 to index
        %swap3A_415 = arith.constant 48 : index
        %swap3A_416 = tpu.vector_load %arg11[%swap3A_413, %swap3A_414, %swap3A_415] {strides = array<i32>} : memref<2x128x64xf32, #tpu.memory_space<vmem>>, vector<1x1x16xf32>,
        %swap3A_417 = vector.shape_cast %swap3A_416 : vector<1x1x16xf32> to vector<16xf32>
        %swap3A_418 = vector.shape_cast %mul3A_411 : vector<16xf32> to vector<1x1x16xf32>
        tpu.vector_store %arg11[%swap3A_413, %swap3A_414, %swap3A_415], %swap3A_418 {strides = array<i32>} : memref<2x128x64xf32, #tpu.memory_space<vmem>>, vector<1x1x16xf32>,
      }
      %scan3A_175 = arith.constant 32 : i32
      %run_scoped3A_176 = arith.constant 0 : i32
      %run_scoped3A_177 = arith.constant 0 : i32
      "tpu.region"() ({
        %run_scoped3A_180 = tpu.sem_alloc : memref<!tpu.dma_semaphore, #tpu.memory_space<semaphore_mem>>
        %dma_start3A_181 = arith.constant 0 : i32
        %dma_start3A_182 = arith.constant 0 : i32
        %dma_start3A_183 = tpu.memref_slice %arg10[%run_scoped3A_176, %dma_start3A_181, %dma_start3A_182] : memref<2x128x64xf32, #tpu.memory_space<vmem>> -> memref<1x128x64xf32, #tpu.memory_space<vmem>>
        %dma_start3A_184 = tpu.memref_squeeze %dma_start3A_183 : memref<1x128x64xf32, #tpu.memory_space<vmem>> -> memref<128x64xf32, #tpu.memory_space<vmem>>
        %dma_start3A_185 = arith.constant 0 : i32
        %dma_start3A_186 = tpu.memref_slice %arg8[%run_scoped3A_177, %dma_start3A_185] : memref<4x128xi32, #tpu.memory_space<vmem>> -> memref<1x128xi32, #tpu.memory_space<vmem>>
        %dma_start3A_187 = tpu.memref_squeeze %dma_start3A_186 : memref<1x128xi32, #tpu.memory_space<vmem>> -> memref<128xi32, #tpu.memory_space<vmem>>
        %dma_start3A_188 = arith.constant 0 : i32
        %dma_start3A_189 = arith.constant 0 : i32
        %dma_start3A_190 = tpu.memref_slice %arg13[%dma_start3A_188, %dma_start3A_189] : memref<10000x64xf32, #tpu.memory_space<vmem_shared>> -> memref<10000x64xf32, #tpu.memory_space<vmem_shared>>
        tpu.enqueue_indirect_dma source(%dma_start3A_184 : memref<128x64xf32, #tpu.memory_space<vmem>>) target(%dma_start3A_190 : memref<10000x64xf32, #tpu.memory_space<vmem_shared>>) offsets(%dma_start3A_187 : memref<128xi32, #tpu.memory_space<vmem>>) semaphore(%run_scoped3A_180 : memref<!tpu.dma_semaphore, #tpu.memory_space<semaphore_mem>>) {add = true}
        %dma_wait3A_191 = arith.constant 0 : i32
        %dma_wait3A_192 = arith.constant 0 : i32
        %dma_wait3A_193 = tpu.memref_slice %arg10[%run_scoped3A_176, %dma_wait3A_191, %dma_wait3A_192] : memref<2x128x64xf32, #tpu.memory_space<vmem>> -> memref<1x128x64xf32, #tpu.memory_space<vmem>>
        %dma_wait3A_194 = tpu.memref_squeeze %dma_wait3A_193 : memref<1x128x64xf32, #tpu.memory_space<vmem>> -> memref<128x64xf32, #tpu.memory_space<vmem>>
        %dma_wait3A_195 = arith.constant 0 : i32
        %dma_wait3A_196 = tpu.memref_slice %arg8[%run_scoped3A_177, %dma_wait3A_195] : memref<4x128xi32, #tpu.memory_space<vmem>> -> memref<1x128xi32, #tpu.memory_space<vmem>>
        %dma_wait3A_197 = tpu.memref_squeeze %dma_wait3A_196 : memref<1x128xi32, #tpu.memory_space<vmem>> -> memref<128xi32, #tpu.memory_space<vmem>>
        %dma_wait3A_198 = arith.constant 0 : i32
        %dma_wait3A_199 = arith.constant 0 : i32
        %dma_wait3A_200 = tpu.memref_slice %arg13[%dma_wait3A_198, %dma_wait3A_199] : memref<10000x64xf32, #tpu.memory_space<vmem_shared>> -> memref<10000x64xf32, #tpu.memory_space<vmem_shared>>
        tpu.wait_indirect_dma semaphore(%run_scoped3A_180 : memref<!tpu.dma_semaphore, #tpu.memory_space<semaphore_mem>>) src(%dma_wait3A_194 : memref<128x64xf32, #tpu.memory_space<vmem>>) dst(%dma_wait3A_200 : memref<10000x64xf32, #tpu.memory_space<vmem_shared>>)
        tpu.yield
      }) : () -> ()
      %run_scoped3A_178 = arith.constant 0 : i32
      %run_scoped3A_179 = arith.constant 0 : i32
      "tpu.region"() ({
        %run_scoped3A_180 = tpu.sem_alloc : memref<!tpu.dma_semaphore, #tpu.memory_space<semaphore_mem>>
        %dma_start3A_181 = arith.constant 0 : i32
        %dma_start3A_182 = arith.constant 0 : i32
        %dma_start3A_183 = tpu.memref_slice %arg11[%run_scoped3A_178, %dma_start3A_181, %dma_start3A_182] : memref<2x128x64xf32, #tpu.memory_space<vmem>> -> memref<1x128x64xf32, #tpu.memory_space<vmem>>
        %dma_start3A_184 = tpu.memref_squeeze %dma_start3A_183 : memref<1x128x64xf32, #tpu.memory_space<vmem>> -> memref<128x64xf32, #tpu.memory_space<vmem>>
        %dma_start3A_185 = arith.constant 0 : i32
        %dma_start3A_186 = tpu.memref_slice %arg8[%run_scoped3A_179, %dma_start3A_185] : memref<4x128xi32, #tpu.memory_space<vmem>> -> memref<1x128xi32, #tpu.memory_space<vmem>>
        %dma_start3A_187 = tpu.memref_squeeze %dma_start3A_186 : memref<1x128xi32, #tpu.memory_space<vmem>> -> memref<128xi32, #tpu.memory_space<vmem>>
        %dma_start3A_188 = arith.constant 0 : i32
        %dma_start3A_189 = arith.constant 0 : i32
        %dma_start3A_190 = tpu.memref_slice %arg14[%dma_start3A_188, %dma_start3A_189] : memref<10000x64xf32, #tpu.memory_space<vmem_shared>> -> memref<10000x64xf32, #tpu.memory_space<vmem_shared>>
        tpu.enqueue_indirect_dma source(%dma_start3A_184 : memref<128x64xf32, #tpu.memory_space<vmem>>) target(%dma_start3A_190 : memref<10000x64xf32, #tpu.memory_space<vmem_shared>>) offsets(%dma_start3A_187 : memref<128xi32, #tpu.memory_space<vmem>>) semaphore(%run_scoped3A_180 : memref<!tpu.dma_semaphore, #tpu.memory_space<semaphore_mem>>) {add = true}
        %dma_wait3A_191 = arith.constant 0 : i32
        %dma_wait3A_192 = arith.constant 0 : i32
        %dma_wait3A_193 = tpu.memref_slice %arg11[%run_scoped3A_178, %dma_wait3A_191, %dma_wait3A_192] : memref<2x128x64xf32, #tpu.memory_space<vmem>> -> memref<1x128x64xf32, #tpu.memory_space<vmem>>
        %dma_wait3A_194 = tpu.memref_squeeze %dma_wait3A_193 : memref<1x128x64xf32, #tpu.memory_space<vmem>> -> memref<128x64xf32, #tpu.memory_space<vmem>>
        %dma_wait3A_195 = arith.constant 0 : i32
        %dma_wait3A_196 = tpu.memref_slice %arg8[%run_scoped3A_179, %dma_wait3A_195] : memref<4x128xi32, #tpu.memory_space<vmem>> -> memref<1x128xi32, #tpu.memory_space<vmem>>
        %dma_wait3A_197 = tpu.memref_squeeze %dma_wait3A_196 : memref<1x128xi32, #tpu.memory_space<vmem>> -> memref<128xi32, #tpu.memory_space<vmem>>
        %dma_wait3A_198 = arith.constant 0 : i32
        %dma_wait3A_199 = arith.constant 0 : i32
        %dma_wait3A_200 = tpu.memref_slice %arg14[%dma_wait3A_198, %dma_wait3A_199] : memref<10000x64xf32, #tpu.memory_space<vmem_shared>> -> memref<10000x64xf32, #tpu.memory_space<vmem_shared>>
        tpu.wait_indirect_dma semaphore(%run_scoped3A_180 : memref<!tpu.dma_semaphore, #tpu.memory_space<semaphore_mem>>) src(%dma_wait3A_194 : memref<128x64xf32, #tpu.memory_space<vmem>>) dst(%dma_wait3A_200 : memref<10000x64xf32, #tpu.memory_space<vmem_shared>>)
        tpu.yield
      }) : () -> ()
    } else {
    }
    %lt3A_145 = arith.constant 4 : i32
    %lt3A_146 = arith.cmpi slt, %arg1, %lt3A_145 : i32
    %convert_element_type3A_147 = arith.extui %lt3A_146 : i1 to i32
    %cond3A_148 = arith.constant 0 : i32
    %cond3A_149 = arith.cmpi ne, %convert_element_type3A_147, %cond3A_148 : i32
    scf.if %cond3A_149 {
      %run_scoped3A_160 = arith.constant 0 : i32
      "tpu.region"() ({
        %run_scoped3A_161 = tpu.sem_alloc : memref<!tpu.dma_semaphore, #tpu.memory_space<semaphore_mem>>
        %dma_start3A_162 = arith.constant 0 : i32
        %dma_start3A_163 = tpu.memref_slice %arg9[%run_scoped3A_160, %dma_start3A_162] : memref<2x64xi32, #tpu.memory_space<vmem>> -> memref<1x64xi32, #tpu.memory_space<vmem>>
        %dma_start3A_164 = tpu.memref_squeeze %dma_start3A_163 : memref<1x64xi32, #tpu.memory_space<vmem>> -> memref<64xi32, #tpu.memory_space<vmem>>
        %dma_start3A_165 = arith.constant 0 : i32
        %dma_start3A_166 = arith.constant 0 : i32
        %dma_start3A_167 = tpu.memref_slice %arg15[%dma_start3A_165, %dma_start3A_166] : memref<10000x16xf32, #tpu.memory_space<vmem_shared>> -> memref<10000x16xf32, #tpu.memory_space<vmem_shared>>
        tpu.enqueue_indirect_dma source(%arg12 : memref<64x16xf32, #tpu.memory_space<vmem>>) target(%dma_start3A_167 : memref<10000x16xf32, #tpu.memory_space<vmem_shared>>) offsets(%dma_start3A_164 : memref<64xi32, #tpu.memory_space<vmem>>) semaphore(%run_scoped3A_161 : memref<!tpu.dma_semaphore, #tpu.memory_space<semaphore_mem>>) {add = true}
        %dma_wait3A_168 = arith.constant 0 : i32
        %dma_wait3A_169 = tpu.memref_slice %arg9[%run_scoped3A_160, %dma_wait3A_168] : memref<2x64xi32, #tpu.memory_space<vmem>> -> memref<1x64xi32, #tpu.memory_space<vmem>>
        %dma_wait3A_170 = tpu.memref_squeeze %dma_wait3A_169 : memref<1x64xi32, #tpu.memory_space<vmem>> -> memref<64xi32, #tpu.memory_space<vmem>>
        %dma_wait3A_171 = arith.constant 0 : i32
        %dma_wait3A_172 = arith.constant 0 : i32
        %dma_wait3A_173 = tpu.memref_slice %arg15[%dma_wait3A_171, %dma_wait3A_172] : memref<10000x16xf32, #tpu.memory_space<vmem_shared>> -> memref<10000x16xf32, #tpu.memory_space<vmem_shared>>
        tpu.wait_indirect_dma semaphore(%run_scoped3A_161 : memref<!tpu.dma_semaphore, #tpu.memory_space<semaphore_mem>>) src(%arg12 : memref<64x16xf32, #tpu.memory_space<vmem>>) dst(%dma_wait3A_173 : memref<10000x16xf32, #tpu.memory_space<vmem_shared>>)
        tpu.yield
      }) : () -> ()
    } else {
    }
    %barrier3A_150 = arith.constant 0 : index
    tpu.barrier barrier_id(%barrier3A_150)
    "tpu.region"() ({
      %run_scoped3A_160 = tpu.sem_alloc : memref<!tpu.dma_semaphore, #tpu.memory_space<semaphore_mem>>
      %dma_start3A_161 = tpu.memref_slice %arg4[%mul3A_16, %mul3A_0] : memref<10000x128xf32, #tpu.memory_space<hbm>> -> memref<625x64xf32, #tpu.memory_space<hbm>>
      %dma_start3A_162 = arith.constant 0 : i32
      %dma_start3A_163 = tpu.memref_slice %arg13[%mul3A_16, %dma_start3A_162] : memref<10000x64xf32, #tpu.memory_space<vmem_shared>> -> memref<625x64xf32, #tpu.memory_space<vmem_shared>>
      tpu.enqueue_dma source(%dma_start3A_163 : memref<625x64xf32, #tpu.memory_space<vmem_shared>>) target(%dma_start3A_161 : memref<625x64xf32, #tpu.memory_space<hbm>>) target_semaphore(%run_scoped3A_160 : memref<!tpu.dma_semaphore, #tpu.memory_space<semaphore_mem>>)
      %dma_wait3A_164 = tpu.memref_slice %arg4[%mul3A_16, %mul3A_0] : memref<10000x128xf32, #tpu.memory_space<hbm>> -> memref<625x64xf32, #tpu.memory_space<hbm>>
      %dma_wait3A_165 = arith.constant 0 : i32
      %dma_wait3A_166 = tpu.memref_slice %arg13[%mul3A_16, %dma_wait3A_165] : memref<10000x64xf32, #tpu.memory_space<vmem_shared>> -> memref<625x64xf32, #tpu.memory_space<vmem_shared>>
      tpu.wait_dma2 semaphore(%run_scoped3A_160 : memref<!tpu.dma_semaphore, #tpu.memory_space<semaphore_mem>>) src(%dma_wait3A_166 : memref<625x64xf32, #tpu.memory_space<vmem_shared>>) dst(%dma_wait3A_164 : memref<625x64xf32, #tpu.memory_space<hbm>>)
      tpu.yield
    }) : () -> ()
    "tpu.region"() ({
      %run_scoped3A_160 = tpu.sem_alloc : memref<!tpu.dma_semaphore, #tpu.memory_space<semaphore_mem>>
      %dma_start3A_161 = tpu.memref_slice %arg5[%mul3A_16, %mul3A_0] : memref<10000x128xf32, #tpu.memory_space<hbm>> -> memref<625x64xf32, #tpu.memory_space<hbm>>
      %dma_start3A_162 = arith.constant 0 : i32
      %dma_start3A_163 = tpu.memref_slice %arg14[%mul3A_16, %dma_start3A_162] : memref<10000x64xf32, #tpu.memory_space<vmem_shared>> -> memref<625x64xf32, #tpu.memory_space<vmem_shared>>
      tpu.enqueue_dma source(%dma_start3A_163 : memref<625x64xf32, #tpu.memory_space<vmem_shared>>) target(%dma_start3A_161 : memref<625x64xf32, #tpu.memory_space<hbm>>) target_semaphore(%run_scoped3A_160 : memref<!tpu.dma_semaphore, #tpu.memory_space<semaphore_mem>>)
      %dma_wait3A_164 = tpu.memref_slice %arg5[%mul3A_16, %mul3A_0] : memref<10000x128xf32, #tpu.memory_space<hbm>> -> memref<625x64xf32, #tpu.memory_space<hbm>>
      %dma_wait3A_165 = arith.constant 0 : i32
      %dma_wait3A_166 = tpu.memref_slice %arg14[%mul3A_16, %dma_wait3A_165] : memref<10000x64xf32, #tpu.memory_space<vmem_shared>> -> memref<625x64xf32, #tpu.memory_space<vmem_shared>>
      tpu.wait_dma2 semaphore(%run_scoped3A_160 : memref<!tpu.dma_semaphore, #tpu.memory_space<semaphore_mem>>) src(%dma_wait3A_166 : memref<625x64xf32, #tpu.memory_space<vmem_shared>>) dst(%dma_wait3A_164 : memref<625x64xf32, #tpu.memory_space<hbm>>)
      tpu.yield
    }) : () -> ()
    %eq3A = arith.constant 0 : i32
    %eq3A_151 = arith.cmpi eq, %arg0, %eq3A : i32
    %convert_element_type3A_152 = arith.extui %eq3A_151 : i1 to i32
    %cond3A_153 = arith.constant 0 : i32
    %cond3A_154 = arith.cmpi ne, %convert_element_type3A_152, %cond3A_153 : i32
    scf.if %cond3A_154 {
      "tpu.region"() ({
        %run_scoped3A_160 = tpu.sem_alloc : memref<!tpu.dma_semaphore, #tpu.memory_space<semaphore_mem>>
        %dma_start3A_161 = arith.constant 0 : i32
        %dma_start3A_162 = tpu.memref_slice %arg6[%mul3A_16, %dma_start3A_161] : memref<10000x16xf32, #tpu.memory_space<hbm>> -> memref<625x16xf32, #tpu.memory_space<hbm>>
        %dma_start3A_163 = arith.constant 0 : i32
        %dma_start3A_164 = tpu.memref_slice %arg15[%mul3A_16, %dma_start3A_163] : memref<10000x16xf32, #tpu.memory_space<vmem_shared>> -> memref<625x16xf32, #tpu.memory_space<vmem_shared>>
        tpu.enqueue_dma source(%dma_start3A_164 : memref<625x16xf32, #tpu.memory_space<vmem_shared>>) target(%dma_start3A_162 : memref<625x16xf32, #tpu.memory_space<hbm>>) target_semaphore(%run_scoped3A_160 : memref<!tpu.dma_semaphore, #tpu.memory_space<semaphore_mem>>)
        %dma_wait3A_165 = arith.constant 0 : i32
        %dma_wait3A_166 = tpu.memref_slice %arg6[%mul3A_16, %dma_wait3A_165] : memref<10000x16xf32, #tpu.memory_space<hbm>> -> memref<625x16xf32, #tpu.memory_space<hbm>>
        %dma_wait3A_167 = arith.constant 0 : i32
        %dma_wait3A_168 = tpu.memref_slice %arg15[%mul3A_16, %dma_wait3A_167] : memref<10000x16xf32, #tpu.memory_space<vmem_shared>> -> memref<625x16xf32, #tpu.memory_space<vmem_shared>>
        tpu.wait_dma2 semaphore(%run_scoped3A_160 : memref<!tpu.dma_semaphore, #tpu.memory_space<semaphore_mem>>) src(%dma_wait3A_168 : memref<625x16xf32, #tpu.memory_space<vmem_shared>>) dst(%dma_wait3A_166 : memref<625x16xf32, #tpu.memory_space<hbm>>)
        tpu.yield
      }) : () -> ()
    } else {
    }
    %eq3A_155 = arith.constant 1 : i32
    %eq3A_156 = arith.cmpi eq, %arg0, %eq3A_155 : i32
    %convert_element_type3A_157 = arith.extui %eq3A_156 : i1 to i32
    %cond3A_158 = arith.constant 0 : i32
    %cond3A_159 = arith.cmpi ne, %convert_element_type3A_157, %cond3A_158 : i32
    scf.if %cond3A_159 {
      "tpu.region"() ({
        %run_scoped3A_160 = tpu.sem_alloc : memref<!tpu.dma_semaphore, #tpu.memory_space<semaphore_mem>>
        %dma_start3A_161 = arith.constant 0 : i32
        %dma_start3A_162 = tpu.memref_slice %arg7[%mul3A_16, %dma_start3A_161] : memref<10000x16xf32, #tpu.memory_space<hbm>> -> memref<625x16xf32, #tpu.memory_space<hbm>>
        %dma_start3A_163 = arith.constant 0 : i32
        %dma_start3A_164 = tpu.memref_slice %arg15[%mul3A_16, %dma_start3A_163] : memref<10000x16xf32, #tpu.memory_space<vmem_shared>> -> memref<625x16xf32, #tpu.memory_space<vmem_shared>>
        tpu.enqueue_dma source(%dma_start3A_164 : memref<625x16xf32, #tpu.memory_space<vmem_shared>>) target(%dma_start3A_162 : memref<625x16xf32, #tpu.memory_space<hbm>>) target_semaphore(%run_scoped3A_160 : memref<!tpu.dma_semaphore, #tpu.memory_space<semaphore_mem>>)
        %dma_wait3A_165 = arith.constant 0 : i32
        %dma_wait3A_166 = tpu.memref_slice %arg7[%mul3A_16, %dma_wait3A_165] : memref<10000x16xf32, #tpu.memory_space<hbm>> -> memref<625x16xf32, #tpu.memory_space<hbm>>
        %dma_wait3A_167 = arith.constant 0 : i32
        %dma_wait3A_168 = tpu.memref_slice %arg15[%mul3A_16, %dma_wait3A_167] : memref<10000x16xf32, #tpu.memory_space<vmem_shared>> -> memref<625x16xf32, #tpu.memory_space<vmem_shared>>
        tpu.wait_dma2 semaphore(%run_scoped3A_160 : memref<!tpu.dma_semaphore, #tpu.memory_space<semaphore_mem>>) src(%dma_wait3A_168 : memref<625x16xf32, #tpu.memory_space<vmem_shared>>) dst(%dma_wait3A_166 : memref<625x16xf32, #tpu.memory_space<hbm>>)
        tpu.yield
      }) : () -> ()
    } else {
    }
    return
  }
}

module attributes {stable_mosaic.version = 14 : i64} {
  func.func @_fin_body(%arg0: i32, %arg1: memref<1000x128xf32, #tpu.memory_space<vmem>>, %arg2: memref<1000x128xf32, #tpu.memory_space<vmem>>, %arg3: memref<1000x16xf32, #tpu.memory_space<vmem>>, %arg4: memref<1000x16xf32, #tpu.memory_space<vmem>>, %arg5: memref<1000x256xf32, #tpu.memory_space<vmem>>) attributes {dimension_semantics = [#tpu.dimension_semantics<arbitrary>], iteration_bounds = array<i64: 10>, scalar_prefetch = 0 : i64, scratch_operands = 0 : i64, tpu.core_type = #tpu.core_type<tc>, window_params = [{transform_indices = @transform_0, window_bounds = array<i64: 1000, 128>}, {transform_indices = @transform_1, window_bounds = array<i64: 1000, 128>}, {transform_indices = @transform_2, window_bounds = array<i64: 1000, 16>}, {transform_indices = @transform_3, window_bounds = array<i64: 1000, 16>}, {transform_indices = @transform_4, window_bounds = array<i64: 1000, 256>}]} {
    %get3A = arith.constant 0 : index
    %get3A_0 = arith.constant 0 : index
    %get3A_1 = vector.load %arg3[%get3A, %get3A_0] : memref<1000x16xf32, #tpu.memory_space<vmem>>, vector<1000x1xf32>
    %get3A_2 = arith.constant 0 : index
    %get3A_3 = arith.constant 0 : index
    %get3A_4 = vector.load %arg4[%get3A_2, %get3A_3] : memref<1000x16xf32, #tpu.memory_space<vmem>>, vector<1000x1xf32>
    %add3A = arith.addf %get3A_1, %get3A_4 : vector<1000x1xf32>
    %max3A = arith.constant 1.000000e+00 : f32
    %max3A_5 = vector.broadcast %max3A : f32 to vector<1000x1xf32>
    %max3A_6 = arith.maximumf %add3A, %max3A_5 : vector<1000x1xf32>
    %get3A_7 = arith.constant 0 : index
    %get3A_8 = arith.constant 0 : index
    %get3A_9 = vector.load %arg1[%get3A_7, %get3A_8] : memref<1000x128xf32, #tpu.memory_space<vmem>>, vector<1000x128xf32>
    %div3A = vector.broadcast %max3A_6 : vector<1000x1xf32> to vector<1000x128xf32>
    %div3A_10 = arith.divf %get3A_9, %div3A : vector<1000x128xf32>
    %get3A_11 = arith.constant 0 : index
    %get3A_12 = arith.constant 0 : index
    %get3A_13 = vector.load %arg2[%get3A_11, %get3A_12] : memref<1000x128xf32, #tpu.memory_space<vmem>>, vector<1000x128xf32>
    %mul3A = vector.broadcast %add3A : vector<1000x1xf32> to vector<1000x128xf32>
    %mul3A_14 = arith.mulf %mul3A, %div3A_10 : vector<1000x128xf32>
    %mul3A_15 = arith.mulf %mul3A_14, %div3A_10 : vector<1000x128xf32>
    %sub3A = arith.subf %get3A_13, %mul3A_15 : vector<1000x128xf32>
    %sub3A_16 = arith.constant 1.000000e+00 : f32
    %sub3A_17 = vector.broadcast %sub3A_16 : f32 to vector<1000x1xf32>
    %sub3A_18 = arith.subf %add3A, %sub3A_17 : vector<1000x1xf32>
    %max3A_19 = arith.constant 1.000000e+00 : f32
    %max3A_20 = vector.broadcast %max3A_19 : f32 to vector<1000x1xf32>
    %max3A_21 = arith.maximumf %sub3A_18, %max3A_20 : vector<1000x1xf32>
    %div3A_22 = vector.broadcast %max3A_21 : vector<1000x1xf32> to vector<1000x128xf32>
    %div3A_23 = arith.divf %sub3A, %div3A_22 : vector<1000x128xf32>
    %max3A_24 = arith.constant 0.000000e+00 : f32
    %max3A_25 = vector.broadcast %max3A_24 : f32 to vector<1000x128xf32>
    %max3A_26 = arith.maximumf %div3A_23, %max3A_25 : vector<1000x128xf32>
    %div3A_27 = vector.broadcast %max3A_6 : vector<1000x1xf32> to vector<1000x128xf32>
    %div3A_28 = arith.divf %max3A_26, %div3A_27 : vector<1000x128xf32>
    %add3A_29 = arith.constant 9.99999996E-13 : f32
    %add3A_30 = vector.broadcast %add3A_29 : f32 to vector<1000x128xf32>
    %add3A_31 = arith.addf %div3A_28, %add3A_30 : vector<1000x128xf32>
    %sqrt3A = math.sqrt %add3A_31 : vector<1000x128xf32>
    %swap3A = arith.constant 0 : index
    %swap3A_32 = arith.constant 0 : index
    %swap3A_33 = vector.load %arg5[%swap3A, %swap3A_32] : memref<1000x256xf32, #tpu.memory_space<vmem>>, vector<1000x128xf32>
    tpu.vector_store %arg5[%swap3A, %swap3A_32], %div3A_10 {strides = array<i32>} : memref<1000x256xf32, #tpu.memory_space<vmem>>, vector<1000x128xf32>,
    %swap3A_34 = arith.constant 0 : index
    %swap3A_35 = arith.constant 128 : index
    %swap3A_36 = vector.load %arg5[%swap3A_34, %swap3A_35] : memref<1000x256xf32, #tpu.memory_space<vmem>>, vector<1000x128xf32>
    tpu.vector_store %arg5[%swap3A_34, %swap3A_35], %sqrt3A {strides = array<i32>} : memref<1000x256xf32, #tpu.memory_space<vmem>>, vector<1000x128xf32>,
    return
  }
  func.func @transform_0(%arg0: i32) -> (i32, i32) {
    %c0_i32 = arith.constant 0 : i32
    %c0_i32_0 = arith.constant 0 : i32
    return %arg0, %c0_i32 : i32, i32
  }
  func.func @transform_1(%arg0: i32) -> (i32, i32) {
    %c0_i32 = arith.constant 0 : i32
    %c0_i32_0 = arith.constant 0 : i32
    return %arg0, %c0_i32 : i32, i32
  }
  func.func @transform_2(%arg0: i32) -> (i32, i32) {
    %c0_i32 = arith.constant 0 : i32
    %c0_i32_0 = arith.constant 0 : i32
    return %arg0, %c0_i32 : i32, i32
  }
  func.func @transform_3(%arg0: i32) -> (i32, i32) {
    %c0_i32 = arith.constant 0 : i32
    %c0_i32_0 = arith.constant 0 : i32
    return %arg0, %c0_i32 : i32, i32
  }
  func.func @transform_4(%arg0: i32) -> (i32, i32) {
    %c0_i32 = arith.constant 0 : i32
    %c0_i32_0 = arith.constant 0 : i32
    return %arg0, %c0_i32 : i32, i32
  }
}

</mosaic_0001>

<sc_bundles>
// kernel: kernel.4.cloned.1.call-start
scs
__scs_entry_jumppad:
0x0: {  	(pc) =	sbr.rel $0x88, $3  }
0x1: {  	(tag) =	ssettag $0x0;
	lr =	simm.s32 $0x1  }
0x2: {  	[smem:$0x3F9F] =	sst lr;
	_ =	strace $0xD0000000  }
0x3: {  	_ = 	snop  }
0x4: {  	_ = 	snop  }
0x5: {  	_ = 	snop  }
0x6: {  	_ = 	snop  }
0x7: {  	_ = 	snop  }
__scs_overlays_trampoline_lowered:
0x8: {  	[smem:$0x3FAE] =	sst s0  }
0x9: {  	[smem:$0x3FAF] =	sst s1  }
0xa: {  	[smem:$0x3FB0] =	sst s2  }
0xb: {  	[smem:$0x3FB1] =	sst s3  }
0xc: {  	[smem:$0x3FB2] =	sst s4  }
0xd: {  	[smem:$0x3FB3] =	sst s5  }
0xe: {  	[smem:$0x3FB4] =	sst s6  }
0xf: {  	[smem:$0x3FB5] =	sst s7  }
0x10: {  	[smem:$0x3FB6] =	sst s8  }
0x11: {  	[smem:$0x3FB7] =	sst s9;
	s0 =	simm.s32 @!p0 $0x0  }
0x12: {  	s1 =	sld [smem:$0x3F9D];
	s0 =	simm.s32 @p0 $0x1  }
0x13: {  	[smem:$0x3FB8] =	sst s0;
	s0 =	simm.s32 @!p1 $0x0  }
0x14: {  	s2 =	sld [smem:$0x3F9C];
	s0 =	simm.s32 @p1 $0x1  }
0x15: {  	[smem:$0x3FB9] =	sst s0;
	s0 =	simm.s32 @!p2 $0x0  }
0x16: {  	s3 =	sld [smem:$0x3FDB];
	s0 =	simm.s32 @p2 $0x1  }
0x17: {  	s4 =	simm.s32 $0x1BF5;
	[smem:$0x3FBB] =	sst s0  }
0x18: {  	s0 =	sld [smem:$0x3F9E];
	_ =	swait.ge [sflag:s4], $0x0  }
0x19: {  	s7 =	sld [smem:$0x3F9F]  }
0x1a: {  	s8 =	sadd.s32 $0xFFFFE003, lr  }
0x1b: {  	s9 =	sadd.s32 $0xFFFFFEF7, lr;
	s5 =	simm.s32 $0xFFFFFFFF;
	p2 =	slt.u32 s8, $0xFFFFF086  }
0x1c: {  	p1 =	slt.u32 s9, $0xF7A;
	s5 =	simm.s32 @!p2 $0x0  }
0x1d: {  	s5 =	simm.s32 @p1 $0x1;
	p0 =	seq.s32 s7, s2  }
0x1e: {  	s7 =	smul.u32 @!p0 $0xF7A, s2;
	p2 =	seq.s32 @!p0 s5, $0x0  }
0x1f: {  	s9 =	smul.u32 $0xF7A, s1;
	s8 =	simm.s32 @!p0 $0x1BF5;
	p2 =	por !p2, p0  }
0x20: {  	[sflag:s8] =	ssyncset.s32 @!p0 $0xFFFFF086;
	s6 =	sadd.s32 @!p0 s3, s7;
	s7 =	simm.s32 @!p0 $0x108  }
0x21: {  	s3 =	sadd.s32 s3, s9;
	s6 =	sadd.s32 @!p0 $0x88, s6;
	s7 =	simm.s32 @p2 $0x1082  }
0x22: {  	[simem:s7], [sflag:s8] =	dma.local @!p0 [hbm:s6], $0xF7A  }
0x23: {  	s9 =	sor.u32 $0xD0000000, s2;
	s6 =	simm.s32 $0x108;
	_ =	swait.ge @!p0 [sflag:s8], $0x0  }
0x24: {  	s3 =	sadd.s32 $0x88, s3;
	s6 =	simm.s32 @!p1 $0x1082;
	[sflag:s4] =	ssyncset.s32 $0xFFFFF086  }
0x25: {  	[simem:s6], [sflag:s4] =	dma.local [hbm:s3], $0xF7A  }
0x26: {  	[smem:$0x3F9F] =	sst s1;
	(tag) =	ssettag s2;
	_ =	strace s9  }
0x27: {  	s1 =	sld [smem:$0x3FAF]  }
0x28: {  	s2 =	sld [smem:$0x3FB0]  }
0x29: {  	s4 =	sld [smem:$0x3FB2]  }
0x2a: {  	p0 =	seq.s32 s5, $0x0;
	s5 =	sld [smem:$0x3FB3]  }
0x2b: {  	s6 =	sld [smem:$0x3FB4]  }
0x2c: {  	s7 =	sld [smem:$0x3FB5]  }
0x2d: {  	s3 =	simm.s32 $0x108;
	s8 =	sld [smem:$0x3FB6]  }
0x2e: {  	s3 =	simm.s32 @!p0 $0x1082;
	s9 =	sld [smem:$0x3FB7]  }
0x2f: {  	lr =	sadd.s32 s0, s3;
	s0 =	sld [smem:$0x3FAE]  }
0x30: {  	s3 =	sld [smem:$0x3FB1]  }
0x31: {  	[smem:$0x3FBA] =	sst s10  }
0x32: {  	s10 =	sld [smem:$0x3FB8];
	_ =	sdelay $0x3  }
0x33: {  	p0 =	seq.s32 s10, $0x1;
	s10 =	sld [smem:$0x3FBA];
	_ =	sdelay $0x3  }
0x34: {  	[smem:$0x3FBA] =	sst s10  }
0x35: {  	s10 =	sld [smem:$0x3FB9];
	_ =	sdelay $0x3  }
0x36: {  	p1 =	seq.s32 s10, $0x1;
	s10 =	sld [smem:$0x3FBA];
	_ =	sdelay $0x3  }
0x37: {  	[smem:$0x3FBA] =	sst s10  }
0x38: {  	s10 =	sld [smem:$0x3FBB]  }
0x39: {  	_ = 	snop;
	(pc) =	sbr.ind lr, $3  }
0x3a: {  	_ = 	snop  }
0x3b: {  	_ = 	snop  }
0x3c: {  	p2 =	seq.s32 s10, $0x1;
	s10 =	sld [smem:$0x3FBA]  }
0x3d: {  	_ =	shalt  }
0x3e: {  	_ =	shalt  }
0x3f: {  	_ =	shalt  }
0x40: {  	_ =	shalt  }
0x41: {  	_ =	shalt  }
0x42: {  	_ =	shalt  }
0x43: {  	_ =	shalt  }
0x44: {  	_ =	shalt  }
0x45: {  	_ =	shalt  }
0x46: {  	_ =	shalt  }
0x47: {  	_ =	shalt  }
0x48: {  	_ =	shalt  }
0x49: {  	_ =	shalt  }
0x4a: {  	_ =	shalt  }
0x4b: {  	_ =	shalt  }
0x4c: {  	_ =	shalt  }
0x4d: {  	_ =	shalt  }
0x4e: {  	_ =	shalt  }
0x4f: {  	_ =	shalt  }
0x50: {  	_ =	shalt  }
0x51: {  	_ =	shalt  }
0x52: {  	_ =	shalt  }
0x53: {  	_ =	shalt  }
0x54: {  	_ =	shalt  }
0x55: {  	_ =	shalt  }
0x56: {  	_ =	shalt  }
0x57: {  	_ =	shalt  }
0x58: {  	_ =	shalt  }
0x59: {  	_ =	shalt  }
0x5a: {  	_ =	shalt  }
0x5b: {  	_ =	shalt  }
0x5c: {  	_ =	shalt  }
0x5d: {  	_ =	shalt  }
0x5e: {  	_ =	shalt  }
0x5f: {  	_ =	shalt  }
0x60: {  	_ =	shalt  }
0x61: {  	_ =	shalt  }
0x62: {  	_ =	shalt  }
0x63: {  	_ =	shalt  }
0x64: {  	_ =	shalt  }
0x65: {  	_ =	shalt  }
0x66: {  	_ =	shalt  }
0x67: {  	_ =	shalt  }
0x68: {  	_ =	shalt  }
0x69: {  	_ =	shalt  }
0x6a: {  	_ =	shalt  }
0x6b: {  	_ =	shalt  }
0x6c: {  	_ =	shalt  }
0x6d: {  	_ =	shalt  }
0x6e: {  	_ =	shalt  }
0x6f: {  	_ =	shalt  }
0x70: {  	_ =	shalt  }
0x71: {  	_ =	shalt  }
0x72: {  	_ =	shalt  }
0x73: {  	_ =	shalt  }
0x74: {  	_ =	shalt  }
0x75: {  	_ =	shalt  }
0x76: {  	_ =	shalt  }
0x77: {  	_ =	shalt  }
0x78: {  	_ =	shalt  }
0x79: {  	_ =	shalt  }
0x7a: {  	_ =	shalt  }
0x7b: {  	_ =	shalt  }
0x7c: {  	_ =	shalt  }
0x7d: {  	_ =	shalt  }
0x7e: {  	_ =	shalt  }
0x7f: {  	_ =	shalt  }
0x80: {  	_ =	shalt  }
0x81: {  	_ =	shalt  }
0x82: {  	_ =	shalt  }
0x83: {  	_ =	shalt  }
0x84: {  	_ =	shalt  }
0x85: {  	_ =	shalt  }
0x86: {  	_ =	shalt  }
0x87: {  	_ =	shalt  }
.Lfunc_end0:
.L_simem_size_0:
called_computation_lowered:
.L_overlay_start_0:
0x88: {  	s2 =	sld [smem:$0x3FD9]  }
0x89: {  	s3 =	sld [smem:$0x3FFE];
	_ =	sdelay $0x1  }
0x8a: {  	s1 =	srdreg.scid  }
0x8b: {  	s0 =	sand.u32 $0x1, s1  }
0x8c: {  	s17 =	sshll.u32 s0, $0xA;
	s2 =	sadd.s32 s3, s2  }
0x8d: {  	s2 =	sadd.s32 s2, s17  }
0x8e: {  	[smem:$0x3FC6] =	sst s2  }
0x8f: {  	_ = 	snop  }
0x90: {  	s2 =	sld [smem:$0x3FC9]  }
0x91: {  	s18 =	sld [smem:$0x3FC8]  }
0x92: {  	s4 =	sld [smem:$0x3FD0];
	(tm) =	ssettm $0x1  }
0x93: {  	s5 =	sld [smem:$0x3FFB];
	_ =	sdelay $0x3  }
0x94: {  	_ =	strace s5  }
0x95: {  	s5 =	sld [smem:$0x3FFC];
	_ =	sdelay $0x3  }
0x96: {  	_ =	strace s5  }
0x97: {  	s5 =	sld [smem:$0x3FFD];
	_ =	sdelay $0x3  }
0x98: {  	_ =	strace s5  }
0x99: {  	_ =	strace $0x8FFFFFFF  }
0x9a: {  	s19 =	sld [smem:$0x3FDB];
	_ =	sdelay $0x1  }
0x9b: {  	s6 =	simm.s32 $_scs_section_size  }
0x9c: {  	s7 =	simm.s32 $_size__tile_overlayer_lowered;
	s8 =	simm.s32 $_tile_overlayer_lowered  }
0x9d: {  	s22 =	simm.s32 $0x1BFF;
	s21 =	sshll.u32 s8, $0x1;
	s5 =	sadd.s32 s6, s19  }
0x9e: {  	s9 =	simm.s32 $0x0;
	s20 =	sshll.u32 s7, $0x1;
	s7 =	sadd.s32 s21, s5  }
0x9f: {  	[timem:s9], [sflag:s22] =	dma.local [hbm:s7], s20  }
0xa0: {  	_ =	swait.ge [sflag:s22], s20  }
0xa1: {  	s6 =	ssub.s32 $0x0, s20;
	[sflag:s22] =	ssyncset.done $0x0  }
0xa2: {  	[sflag:s22] =	ssyncadd.s32 s6;
	_ =	sdelay $0x1  }
0xa3: {  	s23 =	simm.s32 $0x1B8B  }
0xa4: {  	_ =	swait.ge [sflag:s23], $0x1  }
0xa5: {  	[sflag:s23] =	ssyncset.done $0x0  }
0xa6: {  	s25 =	simm.s32 $0x1B8E;
	s24 =	sld [smem:$0x3FFE];
	[sflag:s23] =	ssyncadd.s32 $0xFFFFFFFF  }
0xa7: {  	s26 =	simm.s32 $execute0_lowered;
	[smem:$0x3FD2] =	sst s25  }
0xa8: {  	s7 =	sshll.u32 s26, $0x1;
	_ =	strace $0x80000046;
	[dreg:$0x1] =	wrdreg $0xFFFFFFFF  }
0xa9: {  	s28 =	simm.s32 $_size_execute0_lowered;
	s5 =	sadd.s32 s5, s7;
	[dreg:$0x0] =	wrdreg $0x0  }
0xaa: {  	s7 =	sshll.u32 s28, $0x1;
	[dreg:$0x2] =	wrdreg s5  }
0xab: {  	[dreg:$0x3] =	wrdreg s7  }
0xac: {  	[dreg:$0x4] =	wrdreg $0xC0  }
0xad: {  	_ =	task [dreg:s9], $0x5FFFF  }
0xae: {  	[dreg:$0x1] =	wrdreg $0xFFFFFFFF  }
0xaf: {  	[dreg:$0x0] =	wrdreg $0x60  }
0xb0: {  	[dreg:$0x2] =	wrdreg s2  }
0xb1: {  	[dreg:$0x3] =	wrdreg s18  }
0xb2: {  	[dreg:$0x4] =	wrdreg s4  }
0xb3: {  	[dreg:$0x5] =	wrdreg s24  }
0xb4: {  	[dreg:$0x6] =	wrdreg $0x86800  }
0xb5: {  	[dreg:$0x7] =	wrdreg $0x122C00  }
0xb6: {  	[dreg:$0x8] =	wrdreg $0x1BF000  }
0xb7: {  	[dreg:$0x9] =	wrdreg $0x9  }
0xb8: {  	_ =	task.clear_ibuf [dreg:s9], $0xAFFFF;
	_ =	strace $0x90000046  }
0xb9: {  	s29 =	simm.s32 $0x9;
	_ =	strace $0x80000048  }
0xba: {  	_ =	swait.ge [sflag:s29], $0x1  }
0xbb: {  	[sflag:s29] =	ssyncadd.s32 $0xFFFFFFFF  }
0xbc: {  	_ =	strace $0x90000048  }
0xbd: {  	_ =	sfence  }
0xbe: {  	s30 =	sld [smem:$0x0];
	_ =	sdelay $0x2  }
0xbf: {  	s31 =	sshll.u32 s1, $0xD;
	s1 =	sshrl.u32 s1, $0x2  }
0xc0: {  	s3 =	sand.u32 $0x4000, s31;
	s1 =	sadd.s32 s1, s30  }
0xc1: {  	s0 =	sor.u32 s3, s0;
	s1 =	sshll.u32 s1, $0x11  }
0xc2: {  	s0 =	sor.u32 s1, s0  }
0xc3: {  	s0 =	sadd.s32 $0x8F2B, s0  }
0xc4: {  	[sflag:s0] =	ssyncadd.remote.s32 $0x1  }
0xc5: {  	_ =	sfence.sel $0xFFFF  }
0xc6: {  	[dreg:$0x0] =	wrdreg $0xFFFFFFFF;
	(pc) =	sbr.abs _section_cstart, $3  }
0xc7: {  	[dreg:$0x1] =	wrdreg $0xFFFFFFFF  }
0xc8: {  	_ =	task.clear_ibuf [dreg:s9], $0x2FFFF;
	_ =	strace $0x9FFFFFFF  }
0xc9: {  	(tm) =	ssettm $0x7FFFFFFF  }
tec
execute0_lowered:
.L_overlay_start_1:
0x0: {  	(tag) =	ssettag $0x1  }
0x1: {  	s0 =	rddreg [dreg:$0x0]  }
0x2: {  	s2 =	rddreg [dreg:$0x1]  }
0x3: {  	s1 =	rddreg [dreg:$0x2]  }
0x4: {  	s5 =	rddreg [dreg:$0x3]  }
0x5: {  	s3 =	rddreg [dreg:$0x4]  }
0x6: {  	s4 =	rddreg [dreg:$0x5]  }
0x7: {  	s6 =	rddreg [dreg:$0x6];
	s19 =	stileid.u32  }
0x8: {  	s7 =	simm.s32 $0x0;
	s8 =	srdreg.scid;
	s10 =	smul.u32 $0x13880, s19  }
0x9: {  	s28 =	simm.s32 $0x0;
	[smem:$0x7FF] =	sst s7;
	s12 =	smul.u32 $0x9C40, s19  }
0xa: {  	s9 =	sand.u32 $0x1, s8;
	s15 =	smul.u32 $0x2710, s19;
	_ =	strace $0x80000047  }
0xb: {  	s8 =	sshll.u32 s9, $0x6;
	s11 =	ssub.s32 $0x2, s9;
	p0 =	seq.s32 s9, $0x1  }
0xc: {  	s9 =	simm.s32 $0x5E00;
	s10 =	sor.u32 s8, s10;
	s13 =	sshrl.u32 s11, $0x1  }
0xd: {  	s29 =	sadd.s32 s12, s3;
	s25 =	sadd.s32 s12, s4;
	s14 =	sadd.s32 $0x1F40, s12  }
0xe: {  	s18 =	sadd.s32 $0x3E80, s12;
	s9 =	simm.s32 @!p0 $0xE00;
	s20 =	sadd.s32 $0x5DC0, s12  }
0xf: {  	s24 =	sadd.s32 $0x7D00, s12;
	p0 =	sgt.u32 s19, $0x3;
	s10 =	sshrl.u32 s10, $0x3  }
0x10: {  	s13 =	ssub.s32 s11, s13;
	[dreg:$0x9] =	wrdreg s25;
	s11 =	sadd.s32 s15, s6  }
0x11: {  	s17 =	sadd.s32 s14, s3;
	s26 =	sshrl.u32 s14, $0x2;
	s14 =	sadd.s32 s14, s4  }
0x12: {  	s30 =	sadd.s32 s18, s3;
	s31 =	sshrl.u32 s18, $0x2;
	[dreg:$0x8] =	wrdreg s29  }
0x13: {  	s18 =	sadd.s32 s18, s4;
	s15 =	sshrl.u32 s15, $0x3;
	[dreg:$0xa] =	wrdreg s17  }
0x14: {  	s21 =	sadd.s32 s20, s3;
	s23 =	sshrl.u32 s20, $0x2;
	[dreg:$0xb] =	wrdreg s14  }
0x15: {  	s25 =	sadd.s32 s24, s3;
	s16 =	sadd.s32 s10, s5;
	[dreg:$0xc] =	wrdreg s30  }
0x16: {  	s14 =	sadd.s32 s26, s6;
	[dreg:$0xd] =	wrdreg s18;
	s17 =	sadd.s32 s31, s6  }
0x17: {  	s5 =	sadd.s32 s9, s5;
	s1 =	sadd.s32 s1, s10;
	[dreg:$0xf] =	wrdreg s21  }
0x18: {  	s21 =	smul.u32 $0x4E00, s19;
	s9 =	sadd.s32 s20, s4;
	s23 =	sadd.s32 s23, s6  }
0x19: {  	[dreg:$0x12] =	wrdreg s25;
	s26 =	sshrl.u32 s24, $0x2;
	s31 =	smul.u32 $0x270000, s19  }
0x1a: {  	s20 =	sshll.u32 s19, $0x7;
	s19 =	simm.s32 $0x2280;
	[dreg:$0xe] =	wrdreg s1  }
0x1b: {  	s22 =	sadd.s32 s5, s15;
	[dreg:$0x11] =	wrdreg s9;
	s5 =	sadd.s32 s24, s4  }
0x1c: {  	s26 =	sadd.s32 s26, s6;
	s9 =	sor.u32 $0x4E000, s20;
	[dreg:$0x10] =	wrdreg s22  }
0x1d: {  	s20 =	simm.s32 $0x1;
	s30 =	sshrl.u32 s21, $0x3;
	[dreg:$0x13] =	wrdreg s5  }
0x1e: {  	s15 =	sor.u32 s8, s31;
	s18 =	sor.u32 s8, s21;
	s22 =	sshll.u32 s9, $0x7  }
0x1f: {  	s24 =	sshrl.u32 s9, $0x3;
	s9 =	sor.u32 s8, s9;
	s31 =	smax.u32 s13, $0x1  }
0x20: {  	s13 =	simm.s32 $0x40;
	s12 =	sadd.s32 s2, s30;
	s5 =	sshrl.u32 s18, $0x3  }
0x21: {  	s1 =	sshrl.u32 s15, $0x3;
	s25 =	sshrl.u32 s9, $0x3;
	[dreg:$0x1b] =	wrdreg s31  }
0x22: {  	s30 =	sadd.s32 $0xAE00, s16;
	s15 =	simm.s32 $0x80;
	[dreg:$0x14] =	wrdreg s12  }
0x23: {  	s16 =	simm.s32 $0x280;
	s5 =	sadd.s32 s2, s5;
	[dreg:$0x1a] =	wrdreg s30  }
0x24: {  	s18 =	simm.s32 $0x240;
	s1 =	sadd.s32 s0, s1;
	[dreg:$0x15] =	wrdreg s5  }
.Ltmp0:
0x25: {  	s12 =	simm.s32 $0x200;
	[dreg:$0x16] =	wrdreg s1;
	(pc) =	sbr.rel .LBB2_1-.Ltmp0, $4  }
0x26: {  	s1 =	sor.u32 s8, s22;
	s5 =	sadd.s32 s2, s24;
	s22 =	simm.s32 $0x8280  }
0x27: {  	[dreg:$0x17] =	wrdreg s5;
	s1 =	sshrl.u32 s1, $0x3;
	s5 =	sadd.s32 s2, s25  }
0x28: {  	s24 =	simm.s32 $0x4280;
	[dreg:$0x18] =	wrdreg s5;
	s1 =	sadd.s32 s0, s1  }
0x29: {  	v0 =	vimm.f32 $0.0e+00;
	v1 =	vimm.f32 $1.000000000e+00;
	s25 =	simm.s32 $0x2;
	s5 =	simm.s32 $0x7;
	[dreg:$0x19] =	wrdreg s1  }
.LBB2_25:
0x2a: {  	s1 =	stileid.u32;
	[bflag:$0x0] =	sbarrier.arrive $0xFFFF;
	s29 =	smov.u32 s30  }
0x2b: {  	s9 =	sshrl.u32 s30, $0x3;
	s30 =	simm.s32 $0x10;
	s1 =	sshll.u32 s1, $0x6  }
0x2c: {  	s31 =	simm.s32 $0x8;
	s10 =	rddreg [dreg:$0xe];
	s1 =	sor.u32 $0x1C07, s1  }
0x2d: {  	[hbm:s10@s30], [sflag:s1] =	dma.strided [spmem:s9@s31], $0x1388, s20, $0x8   }
0x2e: {  	_ =	swait.ge [sflag:s5], $0x1388  }
0x2f: {  	[sflag:s5] =	ssyncset.done $0x0;
	s10 =	rddreg [dreg:$0x9]  }
0x30: {  	[sflag:s5] =	ssyncadd.s32 $0xFFFFEC78;
	s9 =	sshrl.u32 s10, $0x3;
	s10 =	rddreg [dreg:$0x1a]  }
0x31: {  	[hbm:s10@s30], [sflag:s1] =	dma.strided [spmem:s9@s31], $0x1388, s20, $0x8   }
0x32: {  	_ =	swait.ge [sflag:s5], $0x1388  }
0x33: {  	[sflag:s5] =	ssyncset.done $0x0  }
0x34: {  	s10 =	sshrl.u32 s11, $0x3;
	s30 =	rddreg [dreg:$0x10];
	[sflag:s5] =	ssyncadd.s32 $0xFFFFEC78  }
0x35: {  	[hbm:s30], [sflag:s1] =	dma.local [spmem:s10], $0x4E2  }
0x36: {  	_ =	swait.ge [sflag:s5], $0x4E2  }
0x37: {  	s28 =	sadd.s32 $0x1, s28;
	s31 =	rddreg [dreg:$0x1b]  }
0x38: {  	p1 =	sne.s32 s28, s31  }
.Ltmp1:
0x39: {  	_ = 	snop;
	(pc) =	sbr.rel @!p1 .LBB2_26-.Ltmp1, $3  }
0x3a: {  	_ =	sdelay $0x1  }
0x3b: {  	[sflag:s5] =	ssyncset.done $0x0  }
0x3c: {  	[sflag:s5] =	ssyncadd.s32 $0xFFFFFB1E  }
.LBB2_1:
0x3d: {  	[dreg:$0x1c] =	wrdreg s28;
	s1 =	simm.s32 $0x0  }
.LBB2_2:
0x3e: {  	p1 =	sne.s32 s1, $0x7C00  }
.Ltmp2:
0x3f: {  	s9 =	sshra.s32 s1, $0x2;
	(pc) =	sbr.rel @p1 .LBB2_2-.Ltmp2, $4  }
0x40: {  	[tilespmem:s9+$0x4280] =	vst v0  }
0x41: {  	[tilespmem:s9+$0x4290] =	vst v0  }
0x42: {  	[tilespmem:s9+$0x42A0] =	vst v0  }
0x43: {  	s1 =	sadd.s32 $0x100, s1;
	[tilespmem:s9+$0x42B0] =	vst v0  }
0x44: {  	s1 =	simm.s32 $0x40;
	s9 =	simm.s32 $0x0  }
.LBB2_4:
0x45: {  	p1 =	sne.s32 s1, $0xFC0;
	[tilespmem:s9+$0x8280] =	vst v1;
	s9 =	smov.u32 s1;
	s1 =	sadd.s32 $0x40, s1  }
.Ltmp3:
0x46: {  	(pc) =	sbr.rel @p1 .LBB2_4-.Ltmp3, $2  }
0x47: {  	_ =	sdelay $0x2  }
0x48: {  	s9 =	sshra.s32 s9, $0x2  }
0x49: {  	[tilespmem:s9+$0x8280] =	vst v1;
	s1 =	simm.s32 $0x4280  }
0x4a: {  	[spmem:s29] =	stream.linear.scatter [tilespmem:s1], [sflag:$0x7], $0x1F40, $0x38;
	[tilespmem:$0x1E610] =	vst v63  }
0x4b: {  	_ =	swait.ge [sflag:s5], $0x1F40  }
0x4c: {  	[sflag:s5] =	ssyncset.done $0x0  }
0x4d: {  	s30 =	rddreg [dreg:$0x9];
	[sflag:s5] =	ssyncadd.s32 $0xFFFFE0C0  }
0x4e: {  	[spmem:s30] =	stream.linear.scatter [tilespmem:s1], [sflag:$0x7], $0x1F40, $0x38;
	[tilespmem:$0x1E610] =	vst v63  }
0x4f: {  	_ =	swait.ge [sflag:s5], $0x1F40  }
0x50: {  	[sflag:s5] =	ssyncset.done $0x0  }
0x51: {  	s31 =	sadd.s32 $0x0, s11;
	s9 =	simm.s32 $0x40;
	[sflag:s5] =	ssyncadd.s32 $0xFFFFE0C0  }
0x52: {  	[spmem:s31] =	stream.linear.scatter [tilespmem:s1], [sflag:$0x7], $0x10, $0x38;
	[tilespmem:$0x1E610] =	vst v63  }
.LBB2_6:
0x53: {  	p1 =	sne.s32 s9, $0x1F00  }
.Ltmp4:
0x54: {  	_ = 	snop;
	(pc) =	sbr.rel @p1 .LBB2_6-.Ltmp4, $4  }
0x55: {  	_ = 	snop  }
0x56: {  	s10 =	sshra.s32 s9, $0x2;
	s9 =	sadd.s32 $0x40, s9  }
0x57: {  	s1 =	sadd.s32 $0x40, s1;
	s10 =	sadd.s32 s10, s11  }
0x58: {  	[spmem:s10] =	stream.linear.scatter [tilespmem:s1], [sflag:$0x7], $0x10, $0x38;
	[tilespmem:$0x1E610] =	vst v63  }
0x59: {  	_ =	swait.ge [sflag:s5], $0x7D0  }
0x5a: {  	[sflag:s5] =	ssyncset.done $0x0  }
0x5b: {  	s1 =	simm.s32 $0x4280;
	s9 =	rddreg [dreg:$0xa];
	[sflag:s5] =	ssyncadd.s32 $0xFFFFF830  }
0x5c: {  	[spmem:s9] =	stream.linear.scatter [tilespmem:s1], [sflag:$0x7], $0x1F40, $0x38;
	[tilespmem:$0x1E610] =	vst v63  }
0x5d: {  	_ =	swait.ge [sflag:s5], $0x1F40  }
0x5e: {  	[sflag:s5] =	ssyncset.done $0x0  }
0x5f: {  	s30 =	rddreg [dreg:$0xb];
	[sflag:s5] =	ssyncadd.s32 $0xFFFFE0C0  }
0x60: {  	[spmem:s30] =	stream.linear.scatter [tilespmem:s1], [sflag:$0x7], $0x1F40, $0x38;
	[tilespmem:$0x1E610] =	vst v63  }
0x61: {  	_ =	swait.ge [sflag:s5], $0x1F40  }
0x62: {  	[sflag:s5] =	ssyncset.done $0x0  }
0x63: {  	s31 =	sadd.s32 $0x0, s14;
	s9 =	simm.s32 $0x40;
	[sflag:s5] =	ssyncadd.s32 $0xFFFFE0C0  }
0x64: {  	[spmem:s31] =	stream.linear.scatter [tilespmem:s1], [sflag:$0x7], $0x10, $0x38;
	[tilespmem:$0x1E610] =	vst v63  }
.LBB2_8:
0x65: {  	p1 =	sne.s32 s9, $0x1F00  }
.Ltmp5:
0x66: {  	_ = 	snop;
	(pc) =	sbr.rel @p1 .LBB2_8-.Ltmp5, $4  }
0x67: {  	_ = 	snop  }
0x68: {  	s10 =	sshra.s32 s9, $0x2;
	s9 =	sadd.s32 $0x40, s9  }
0x69: {  	s1 =	sadd.s32 $0x40, s1;
	s10 =	sadd.s32 s10, s14  }
0x6a: {  	[spmem:s10] =	stream.linear.scatter [tilespmem:s1], [sflag:$0x7], $0x10, $0x38;
	[tilespmem:$0x1E610] =	vst v63  }
0x6b: {  	_ =	swait.ge [sflag:s5], $0x7D0  }
0x6c: {  	[sflag:s5] =	ssyncset.done $0x0  }
0x6d: {  	s1 =	simm.s32 $0x4280;
	s9 =	rddreg [dreg:$0xc];
	[sflag:s5] =	ssyncadd.s32 $0xFFFFF830  }
0x6e: {  	[spmem:s9] =	stream.linear.scatter [tilespmem:s1], [sflag:$0x7], $0x1F40, $0x38;
	[tilespmem:$0x1E610] =	vst v63  }
0x6f: {  	_ =	swait.ge [sflag:s5], $0x1F40  }
0x70: {  	[sflag:s5] =	ssyncset.done $0x0  }
0x71: {  	s30 =	rddreg [dreg:$0xd];
	[sflag:s5] =	ssyncadd.s32 $0xFFFFE0C0  }
0x72: {  	[spmem:s30] =	stream.linear.scatter [tilespmem:s1], [sflag:$0x7], $0x1F40, $0x38;
	[tilespmem:$0x1E610] =	vst v63  }
0x73: {  	_ =	swait.ge [sflag:s5], $0x1F40  }
0x74: {  	[sflag:s5] =	ssyncset.done $0x0  }
0x75: {  	s31 =	sadd.s32 $0x0, s17;
	s9 =	simm.s32 $0x40;
	[sflag:s5] =	ssyncadd.s32 $0xFFFFE0C0  }
0x76: {  	[spmem:s31] =	stream.linear.scatter [tilespmem:s1], [sflag:$0x7], $0x10, $0x38;
	[tilespmem:$0x1E610] =	vst v63  }
.LBB2_10:
0x77: {  	p1 =	sne.s32 s9, $0x1F00  }
.Ltmp6:
0x78: {  	_ = 	snop;
	(pc) =	sbr.rel @p1 .LBB2_10-.Ltmp6, $4  }
0x79: {  	_ = 	snop  }
0x7a: {  	s10 =	sshra.s32 s9, $0x2;
	s9 =	sadd.s32 $0x40, s9  }
0x7b: {  	s1 =	sadd.s32 $0x40, s1;
	s10 =	sadd.s32 s10, s17  }
0x7c: {  	[spmem:s10] =	stream.linear.scatter [tilespmem:s1], [sflag:$0x7], $0x10, $0x38;
	[tilespmem:$0x1E610] =	vst v63  }
0x7d: {  	_ =	swait.ge [sflag:s5], $0x7D0  }
0x7e: {  	[sflag:s5] =	ssyncset.done $0x0  }
0x7f: {  	s1 =	simm.s32 $0x4280;
	s9 =	rddreg [dreg:$0xf];
	[sflag:s5] =	ssyncadd.s32 $0xFFFFF830  }
0x80: {  	[spmem:s9] =	stream.linear.scatter [tilespmem:s1], [sflag:$0x7], $0x1F40, $0x38;
	[tilespmem:$0x1E610] =	vst v63  }
0x81: {  	_ =	swait.ge [sflag:s5], $0x1F40  }
0x82: {  	[sflag:s5] =	ssyncset.done $0x0  }
0x83: {  	s30 =	rddreg [dreg:$0x11];
	[sflag:s5] =	ssyncadd.s32 $0xFFFFE0C0  }
0x84: {  	[spmem:s30] =	stream.linear.scatter [tilespmem:s1], [sflag:$0x7], $0x1F40, $0x38;
	[tilespmem:$0x1E610] =	vst v63  }
0x85: {  	_ =	swait.ge [sflag:s5], $0x1F40  }
0x86: {  	[sflag:s5] =	ssyncset.done $0x0  }
0x87: {  	s31 =	sadd.s32 $0x0, s23;
	s9 =	simm.s32 $0x40;
	[sflag:s5] =	ssyncadd.s32 $0xFFFFE0C0  }
0x88: {  	[spmem:s31] =	stream.linear.scatter [tilespmem:s1], [sflag:$0x7], $0x10, $0x38;
	[tilespmem:$0x1E610] =	vst v63  }
.LBB2_12:
0x89: {  	p1 =	sne.s32 s9, $0x1F00  }
.Ltmp7:
0x8a: {  	_ = 	snop;
	(pc) =	sbr.rel @p1 .LBB2_12-.Ltmp7, $4  }
0x8b: {  	_ = 	snop  }
0x8c: {  	s10 =	sshra.s32 s9, $0x2;
	s9 =	sadd.s32 $0x40, s9  }
0x8d: {  	s1 =	sadd.s32 $0x40, s1;
	s10 =	sadd.s32 s10, s23  }
0x8e: {  	[spmem:s10] =	stream.linear.scatter [tilespmem:s1], [sflag:$0x7], $0x10, $0x38;
	[tilespmem:$0x1E610] =	vst v63  }
0x8f: {  	_ =	swait.ge [sflag:s5], $0x7D0  }
0x90: {  	[sflag:s5] =	ssyncset.done $0x0  }
0x91: {  	s1 =	simm.s32 $0x4280;
	s9 =	rddreg [dreg:$0x12];
	[sflag:s5] =	ssyncadd.s32 $0xFFFFF830  }
0x92: {  	[spmem:s9] =	stream.linear.scatter [tilespmem:s1], [sflag:$0x7], $0x1F40, $0x38;
	[tilespmem:$0x1E610] =	vst v63  }
0x93: {  	_ =	swait.ge [sflag:s5], $0x1F40  }
0x94: {  	[sflag:s5] =	ssyncset.done $0x0  }
0x95: {  	s30 =	rddreg [dreg:$0x13];
	[sflag:s5] =	ssyncadd.s32 $0xFFFFE0C0  }
0x96: {  	[spmem:s30] =	stream.linear.scatter [tilespmem:s1], [sflag:$0x7], $0x1F40, $0x38;
	[tilespmem:$0x1E610] =	vst v63  }
0x97: {  	_ =	swait.ge [sflag:s5], $0x1F40  }
0x98: {  	[sflag:s5] =	ssyncset.done $0x0  }
0x99: {  	s31 =	sadd.s32 $0x0, s26;
	s9 =	simm.s32 $0x40;
	[sflag:s5] =	ssyncadd.s32 $0xFFFFE0C0  }
0x9a: {  	[spmem:s31] =	stream.linear.scatter [tilespmem:s1], [sflag:$0x7], $0x10, $0x38;
	[tilespmem:$0x1E610] =	vst v63  }
.LBB2_14:
0x9b: {  	p1 =	sne.s32 s9, $0x1F00  }
.Ltmp8:
0x9c: {  	_ = 	snop;
	(pc) =	sbr.rel @p1 .LBB2_14-.Ltmp8, $4  }
0x9d: {  	_ = 	snop  }
0x9e: {  	s10 =	sshra.s32 s9, $0x2;
	s9 =	sadd.s32 $0x40, s9  }
0x9f: {  	s1 =	sadd.s32 $0x40, s1;
	s10 =	sadd.s32 s10, s26  }
0xa0: {  	[spmem:s10] =	stream.linear.scatter [tilespmem:s1], [sflag:$0x7], $0x10, $0x38;
	[tilespmem:$0x1E610] =	vst v63  }
0xa1: {  	_ =	swait.ge [sflag:s5], $0x7D0  }
0xa2: {  	[sflag:s5] =	ssyncset.done $0x0  }
0xa3: {  	[sflag:s5] =	ssyncadd.s32 $0xFFFFF830  }
0xa4: {  	[bflag:$0x0] =	sbarrier.arrive $0xFFFF  }
0xa5: {  	s31 =	simm.s32 $0x0;
	s1 =	rddreg [dreg:$0x14]  }
0xa6: {  	[tilespmem:s31], [sflag:$0x1] =	stream.linear.gather [hbm4b:s1+s31], $0x80, $0x38;
	[tilespmem:$0x1E610] =	vst v63  }
0xa7: {  	s29 =	rddreg [dreg:$0x15]  }
0xa8: {  	[tilespmem:s12], [sflag:$0x1] =	stream.linear.gather [hbm4b:s29+s31], $0x40, $0x38;
	[tilespmem:$0x1E610] =	vst v63  }
0xa9: {  	s30 =	rddreg [dreg:$0x16]  }
0xaa: {  	[tilespmem:s16], [sflag:$0x1] =	stream.strided.gather [hbm4b:s30+s13], $0x2000, s15, s13, $0x38;
	[tilespmem:$0x1E610] =	vst v63  }
.LBB2_16:
0xab: {  	p1 =	seq.s32 s31, $0x0  }
0xac: {  	s1 =	simm.s32 @!p1 $0x4  }
0xad: {  	_ =	swait.ge @!p1 [sflag:s1], $0x2000  }
0xae: {  	s9 =	sshllo.u32 s31, $0x1;
	[sflag:s1] =	ssyncset.done @!p1 $0x0  }
0xaf: {  	s9 =	sshll.u32 s9, $0x7;
	[sflag:s1] =	ssyncadd.s32 @!p1 $0xFFFFE000  }
0xb0: {  	s10 =	sadd.s32 s21, s9;
	_ =	swait.ge @!p1 [sflag:s1], $0x400  }
0xb1: {  	s28 =	sshrl.u32 s10, $0x3;
	[sflag:s1] =	ssyncset.done @!p1 $0x0  }
0xb2: {  	s9 =	sand.u32 $0x180, s9;
	[sflag:s1] =	ssyncadd.s32 @!p1 $0xFFFFFC00;
	s1 =	sadd.s32 s2, s28  }
0xb3: {  	[tilespmem:s9], [sflag:$0x2] =	stream.linear.gather [hbm4b:s1+s7], $0x80, $0x38;
	[tilespmem:$0x1E610] =	vst v63  }
0xb4: {  	s1 =	sor.u32 s8, s10  }
0xb5: {  	s1 =	sshrl.u32 s1, $0x3  }
0xb6: {  	s10 =	sshll.u32 s10, $0x7;
	s1 =	sadd.s32 s2, s1  }
0xb7: {  	[tilespmem:s18], [sflag:$0x2] =	stream.linear.gather [hbm4b:s1+s7], $0x40, $0x38;
	[tilespmem:$0x1E610] =	vst v63  }
0xb8: {  	s1 =	sor.u32 s8, s10  }
0xb9: {  	s1 =	sshrl.u32 s1, $0x3  }
0xba: {  	s1 =	sadd.s32 s0, s1  }
0xbb: {  	[tilespmem:s19], [sflag:$0x2] =	stream.strided.gather [hbm4b:s1+s13], $0x2000, s15, s13, $0x38;
	[tilespmem:$0x1E610] =	vst v63  }
0xbc: {  	_ =	swait.ge [sflag:s20], $0x80  }
0xbd: {  	[sflag:s20] =	ssyncset.done $0x0  }
0xbe: {  	[sflag:s20] =	ssyncadd.s32 $0xFFFFFF80  }
0xbf: {  	_ =	swait.ge [sflag:s20], $0x40  }
0xc0: {  	[sflag:s20] =	ssyncset.done $0x0  }
0xc1: {  	[sflag:s20] =	ssyncadd.s32 $0xFFFFFFC0  }
0xc2: {  	_ =	swait.ge [sflag:s20], $0x2000  }
0xc3: {  	s10 =	sshll.u32 s31, $0x8;
	[sflag:s20] =	ssyncset.done $0x0  }
0xc4: {  	s10 =	sand.u32 $0x100, s10;
	[sflag:s20] =	ssyncadd.s32 $0xFFFFE000  }
0xc5: {  	[spmem:s3] =	stream.indirect.scatter.add.f32 [tilespmem:s16], [sflag:$0x3], $0x40, s10, s15, $0xb8;
	[tilespmem:$0x1E610] =	vst v63  }
0xc6: {  	s1 =	simm.s32 @!p1 $0x5  }
0xc7: {  	[spmem:s6] =	stream.indirect.scatter.add.f32 [tilespmem:s22], [sflag:$0x3], $0x10, s12, s13, $0xb8;
	[tilespmem:$0x1E610] =	vst v63  }
0xc8: {  	_ =	swait.ge @!p1 [sflag:s1], $0x2000  }
0xc9: {  	[sflag:s1] =	ssyncset.done @!p1 $0x0  }
0xca: {  	s30 =	simm.s32 $0x0;
	[sflag:s1] =	ssyncadd.s32 @!p1 $0xFFFFE000  }
0xcb: {  	v2 =	vld [tilespmem:s30+$0x370]  }
0xcc: {  	v3 =	vld [tilespmem:s30+$0x280]  }
0xcd: {  	v4 =	vld [tilespmem:s30+$0x290]  }
0xce: {  	v5 =	vld [tilespmem:s30+$0x2A0]  }
0xcf: {  	v8 =	vld [tilespmem:s30+$0x2D0]  }
0xd0: {  	v6 =	vld [tilespmem:s30+$0x2B0];
	v2 =	vmul.f32 v2, v2  }
0xd1: {  	v7 =	vld [tilespmem:s30+$0x2C0];
	v3 =	vmul.f32 v3, v3  }
0xd2: {  	v9 =	vld [tilespmem:s30+$0x2E0];
	[tilespmem:s30+$0x4370] =	vst v2;
	v2 =	vmul.f32 v4, v4  }
0xd3: {  	v10 =	vld [tilespmem:s30+$0x2F0];
	[tilespmem:s30+$0x4280] =	vst v3;
	v3 =	vmul.f32 v5, v5  }
0xd4: {  	v4 =	vmul.f32 v8, v8;
	[tilespmem:s30+$0x4290] =	vst v2  }
0xd5: {  	v11 =	vld [tilespmem:s30+$0x300];
	v2 =	vmul.f32 v6, v6;
	[tilespmem:s30+$0x42A0] =	vst v3  }
0xd6: {  	v6 =	vld [tilespmem:s30+$0x310];
	v3 =	vmul.f32 v7, v7;
	[tilespmem:s30+$0x42D0] =	vst v4  }
0xd7: {  	v5 =	vmul.f32 v9, v9;
	[tilespmem:s30+$0x42B0] =	vst v2;
	v2 =	vld [tilespmem:s30+$0x320]  }
0xd8: {  	v7 =	vmul.f32 v10, v10;
	[tilespmem:s30+$0x42C0] =	vst v3;
	v3 =	vld [tilespmem:s30+$0x330]  }
0xd9: {  	v4 =	vld [tilespmem:s30+$0x340];
	[tilespmem:s30+$0x42E0] =	vst v5  }
0xda: {  	v5 =	vld [tilespmem:s30+$0x350];
	[tilespmem:s30+$0x42F0] =	vst v7;
	v7 =	vmul.f32 v11, v11  }
0xdb: {  	s29 =	sshll.u32 s31, $0x1;
	s28 =	simm.s32 $0x800;
	s1 =	simm.s32 $0x100;
	v8 =	vmul.f32 v6, v6;
	v6 =	vld [tilespmem:s30+$0x360]  }
.LBB2_17:
0xdc: {  	p2 =	sne.s32 s28, $0x7C00;
	v9 =	vld [tilespmem:s1+$0x370];
	[tilespmem:s30+$0x4300] =	vst v7;
	v2 =	vmul.f32 v2, v2  }
0xdd: {  	v7 =	vld [tilespmem:s1+$0x280];
	[tilespmem:s30+$0x4310] =	vst v8;
	v3 =	vmul.f32 v3, v3  }
0xde: {  	v8 =	vld [tilespmem:s1+$0x290];
	[tilespmem:s30+$0x4320] =	vst v2;
	v2 =	vmul.f32 v4, v4  }
0xdf: {  	v4 =	vld [tilespmem:s1+$0x2A0];
	[tilespmem:s30+$0x4330] =	vst v3;
	v3 =	vmul.f32 v5, v5  }
0xe0: {  	v5 =	vld [tilespmem:s1+$0x2B0];
	[tilespmem:s30+$0x4340] =	vst v2;
	v2 =	vmul.f32 v6, v6  }
0xe1: {  	v6 =	vld [tilespmem:s1+$0x2C0];
	v9 =	vmul.f32 v9, v9;
	[tilespmem:s30+$0x4350] =	vst v3  }
0xe2: {  	v3 =	vmul.f32 v7, v7;
	v7 =	vld [tilespmem:s1+$0x2D0];
	[tilespmem:s30+$0x4360] =	vst v2;
	s30 =	smov.u32 s1  }
0xe3: {  	v2 =	vmul.f32 v8, v8;
	v8 =	vld [tilespmem:s30+$0x2E0];
	[tilespmem:s30+$0x4370] =	vst v9  }
0xe4: {  	[tilespmem:s30+$0x4280] =	vst v3;
	v3 =	vmul.f32 v4, v4;
	v4 =	vld [tilespmem:s30+$0x2F0]  }
0xe5: {  	[tilespmem:s30+$0x4290] =	vst v2;
	v2 =	vmul.f32 v5, v5;
	v5 =	vld [tilespmem:s30+$0x300]  }
0xe6: {  	[tilespmem:s30+$0x42A0] =	vst v3;
	v3 =	vmul.f32 v6, v6;
	v6 =	vld [tilespmem:s30+$0x310]  }
.Ltmp9:
0xe7: {  	[tilespmem:s30+$0x42B0] =	vst v2;
	v7 =	vmul.f32 v7, v7;
	v2 =	vld [tilespmem:s30+$0x320];
	(pc) =	sbr.rel @p2 .LBB2_17-.Ltmp9, $4  }
0xe8: {  	[tilespmem:s30+$0x42C0] =	vst v3;
	v8 =	vmul.f32 v8, v8;
	v3 =	vld [tilespmem:s30+$0x330]  }
0xe9: {  	[tilespmem:s30+$0x42D0] =	vst v7;
	v9 =	vmul.f32 v4, v4;
	v4 =	vld [tilespmem:s30+$0x340]  }
0xea: {  	[tilespmem:s30+$0x42E0] =	vst v8;
	v7 =	vmul.f32 v5, v5;
	v5 =	vld [tilespmem:s30+$0x350]  }
0xeb: {  	s1 =	sshra.s32 s28, $0x2;
	s28 =	sadd.s32 $0x400, s28;
	[tilespmem:s30+$0x42F0] =	vst v9;
	v8 =	vmul.f32 v6, v6;
	v6 =	vld [tilespmem:s30+$0x360]  }
0xec: {  	v9 =	vld [tilespmem:s1+$0x370];
	[tilespmem:s30+$0x4300] =	vst v7;
	v2 =	vmul.f32 v2, v2  }
0xed: {  	v7 =	vld [tilespmem:s1+$0x280];
	[tilespmem:s30+$0x4310] =	vst v8;
	v3 =	vmul.f32 v3, v3  }
0xee: {  	v8 =	vld [tilespmem:s1+$0x290];
	[tilespmem:s30+$0x4320] =	vst v2;
	v4 =	vmul.f32 v4, v4  }
0xef: {  	v2 =	vld [tilespmem:s1+$0x2A0];
	[tilespmem:s30+$0x4330] =	vst v3;
	v5 =	vmul.f32 v5, v5  }
0xf0: {  	v3 =	vld [tilespmem:s1+$0x2B0];
	[tilespmem:s30+$0x4340] =	vst v4;
	v6 =	vmul.f32 v6, v6  }
0xf1: {  	v4 =	vld [tilespmem:s1+$0x2C0];
	[tilespmem:s30+$0x4350] =	vst v5;
	v9 =	vmul.f32 v9, v9  }
0xf2: {  	v5 =	vld [tilespmem:s1+$0x2D0];
	[tilespmem:s30+$0x4360] =	vst v6;
	v6 =	vmul.f32 v7, v7  }
0xf3: {  	v7 =	vld [tilespmem:s1+$0x2E0];
	[tilespmem:s1+$0x4370] =	vst v9;
	v8 =	vmul.f32 v8, v8  }
0xf4: {  	[tilespmem:s1+$0x4280] =	vst v6;
	v6 =	vld [tilespmem:s1+$0x2F0];
	v2 =	vmul.f32 v2, v2  }
0xf5: {  	[tilespmem:s1+$0x4290] =	vst v8;
	v8 =	vld [tilespmem:s1+$0x300];
	v3 =	vmul.f32 v3, v3  }
0xf6: {  	[tilespmem:s1+$0x42A0] =	vst v2;
	v2 =	vld [tilespmem:s1+$0x310];
	v4 =	vmul.f32 v4, v4  }
0xf7: {  	[tilespmem:s1+$0x42B0] =	vst v3;
	v3 =	vld [tilespmem:s1+$0x320];
	v5 =	vmul.f32 v5, v5  }
0xf8: {  	[tilespmem:s1+$0x42C0] =	vst v4;
	v4 =	vld [tilespmem:s1+$0x330];
	v7 =	vmul.f32 v7, v7  }
0xf9: {  	[tilespmem:s1+$0x42D0] =	vst v5;
	v5 =	vld [tilespmem:s1+$0x340];
	v6 =	vmul.f32 v6, v6  }
0xfa: {  	[tilespmem:s1+$0x42E0] =	vst v7;
	v7 =	vld [tilespmem:s1+$0x350];
	v8 =	vmul.f32 v8, v8  }
0xfb: {  	[tilespmem:s1+$0x42F0] =	vst v6;
	v2 =	vmul.f32 v2, v2;
	v6 =	vld [tilespmem:s1+$0x360]  }
0xfc: {  	[tilespmem:s1+$0x4300] =	vst v8;
	v3 =	vmul.f32 v3, v3  }
0xfd: {  	[tilespmem:s1+$0x4310] =	vst v2;
	v2 =	vmul.f32 v4, v4  }
0xfe: {  	[tilespmem:s1+$0x4320] =	vst v3;
	v3 =	vmul.f32 v5, v5  }
0xff: {  	[tilespmem:s1+$0x4330] =	vst v2;
	v2 =	vmul.f32 v7, v7  }
0x100: {  	[tilespmem:s1+$0x4340] =	vst v3;
	v3 =	vmul.f32 v6, v6  }
0x101: {  	p2 =	seq.s32 s31, $0x4D;
	[tilespmem:s1+$0x4350] =	vst v2  }
0x102: {  	[tilespmem:s1+$0x4360] =	vst v3;
	s1 =	simm.s32 @!p2 $0x3  }
0x103: {  	[spmem:s4] =	stream.indirect.scatter.add.f32 [tilespmem:s24], [sflag:$0x5], $0x40, s10, s15, $0xb8;
	[tilespmem:$0x1E610] =	vst v63  }
0x104: {  	_ =	swait.ge @!p2 [sflag:s1], $0x2000  }
0x105: {  	[sflag:s1] =	ssyncset.done @!p2 $0x0  }
0x106: {  	s10 =	sshll.u32 @!p2 s29, $0x7;
	[sflag:s1] =	ssyncadd.s32 @!p2 $0xFFFFE000  }
0x107: {  	s10 =	sadd.s32 @!p2 $0x100, s10;
	_ =	swait.ge @!p2 [sflag:s1], $0x400  }
0x108: {  	s28 =	sadd.s32 @!p2 s21, s10;
	[sflag:s1] =	ssyncset.done @!p2 $0x0  }
0x109: {  	[sflag:s1] =	ssyncadd.s32 @!p2 $0xFFFFFC00;
	s1 =	sshrl.u32 @!p2 s28, $0x3  }
0x10a: {  	s29 =	simm.s32 @!p2 $0x0;
	s10 =	sand.u32 @!p2 $0x100, s10;
	s1 =	sadd.s32 @!p2 s2, s1  }
0x10b: {  	[tilespmem:s10], [sflag:$0x1] =	stream.linear.gather @!p2 [hbm4b:s1+s29], $0x80, $0x38;
	[tilespmem:$0x1E610] =	vst v63  }
0x10c: {  	s1 =	sor.u32 @!p2 s8, s28  }
0x10d: {  	s1 =	sshrl.u32 @!p2 s1, $0x3  }
0x10e: {  	s10 =	simm.s32 @!p2 $0x200;
	s1 =	sadd.s32 @!p2 s2, s1  }
0x10f: {  	[tilespmem:s10], [sflag:$0x1] =	stream.linear.gather @!p2 [hbm4b:s1+s29], $0x40, $0x38;
	[tilespmem:$0x1E610] =	vst v63  }
0x110: {  	s1 =	sshll.u32 @!p2 s28, $0x7  }
0x111: {  	s1 =	sor.u32 @!p2 s8, s1  }
0x112: {  	s10 =	simm.s32 @!p2 $0x40;
	s1 =	sshrl.u32 @!p2 s1, $0x3  }
0x113: {  	s28 =	simm.s32 @!p2 $0x80;
	s29 =	simm.s32 @!p2 $0x280;
	s1 =	sadd.s32 @!p2 s0, s1  }
0x114: {  	[tilespmem:s29], [sflag:$0x1] =	stream.strided.gather @!p2 [hbm4b:s1+s10], $0x2000, s28, s10, $0x38;
	[tilespmem:$0x1E610] =	vst v63  }
0x115: {  	_ =	swait.ge [sflag:s25], $0x80  }
0x116: {  	[sflag:s25] =	ssyncset.done $0x0  }
0x117: {  	[sflag:s25] =	ssyncadd.s32 $0xFFFFFF80  }
0x118: {  	_ =	swait.ge [sflag:s25], $0x40  }
0x119: {  	[sflag:s25] =	ssyncset.done $0x0  }
0x11a: {  	[sflag:s25] =	ssyncadd.s32 $0xFFFFFFC0  }
0x11b: {  	_ =	swait.ge [sflag:s25], $0x2000  }
0x11c: {  	[sflag:s25] =	ssyncset.done $0x0  }
0x11d: {  	[sflag:s25] =	ssyncadd.s32 $0xFFFFE000  }
0x11e: {  	[spmem:s3] =	stream.indirect.scatter.add.f32 [tilespmem:s19], [sflag:$0x4], $0x40, s9, s15, $0xb8;
	[tilespmem:$0x1E610] =	vst v63  }
0x11f: {  	s1 =	simm.s32 @!p1 $0x6  }
0x120: {  	[spmem:s6] =	stream.indirect.scatter.add.f32 [tilespmem:s22], [sflag:$0x4], $0x10, s18, s13, $0xb8;
	[tilespmem:$0x1E610] =	vst v63  }
0x121: {  	_ =	swait.ge @!p1 [sflag:s1], $0x2000  }
0x122: {  	[sflag:s1] =	ssyncset.done @!p1 $0x0  }
0x123: {  	s10 =	simm.s32 $0x0;
	[sflag:s1] =	ssyncadd.s32 @!p1 $0xFFFFE000  }
0x124: {  	v2 =	vld [tilespmem:s10+$0x2370]  }
0x125: {  	v3 =	vld [tilespmem:s10+$0x2280]  }
0x126: {  	v4 =	vld [tilespmem:s10+$0x2290]  }
0x127: {  	v5 =	vld [tilespmem:s10+$0x22A0]  }
0x128: {  	v8 =	vld [tilespmem:s10+$0x22D0]  }
0x129: {  	v6 =	vld [tilespmem:s10+$0x22B0];
	v2 =	vmul.f32 v2, v2  }
0x12a: {  	v7 =	vld [tilespmem:s10+$0x22C0];
	v3 =	vmul.f32 v3, v3  }
0x12b: {  	v9 =	vld [tilespmem:s10+$0x22E0];
	[tilespmem:s10+$0x6370] =	vst v2;
	v2 =	vmul.f32 v4, v4  }
0x12c: {  	v10 =	vld [tilespmem:s10+$0x22F0];
	[tilespmem:s10+$0x6280] =	vst v3;
	v3 =	vmul.f32 v5, v5  }
0x12d: {  	v4 =	vmul.f32 v8, v8;
	[tilespmem:s10+$0x6290] =	vst v2  }
0x12e: {  	v11 =	vld [tilespmem:s10+$0x2300];
	v2 =	vmul.f32 v6, v6;
	[tilespmem:s10+$0x62A0] =	vst v3  }
0x12f: {  	v6 =	vld [tilespmem:s10+$0x2310];
	v3 =	vmul.f32 v7, v7;
	[tilespmem:s10+$0x62D0] =	vst v4  }
0x130: {  	v5 =	vmul.f32 v9, v9;
	[tilespmem:s10+$0x62B0] =	vst v2;
	v2 =	vld [tilespmem:s10+$0x2320]  }
0x131: {  	v7 =	vmul.f32 v10, v10;
	[tilespmem:s10+$0x62C0] =	vst v3;
	v3 =	vld [tilespmem:s10+$0x2330]  }
0x132: {  	v4 =	vld [tilespmem:s10+$0x2340];
	[tilespmem:s10+$0x62E0] =	vst v5  }
0x133: {  	v5 =	vld [tilespmem:s10+$0x2350];
	[tilespmem:s10+$0x62F0] =	vst v7;
	v7 =	vmul.f32 v11, v11  }
0x134: {  	s28 =	simm.s32 $0x800;
	s1 =	simm.s32 $0x100;
	v8 =	vmul.f32 v6, v6;
	v6 =	vld [tilespmem:s10+$0x2360]  }
.LBB2_19:
0x135: {  	p1 =	sne.s32 s28, $0x7C00;
	v9 =	vld [tilespmem:s1+$0x2370];
	[tilespmem:s10+$0x6300] =	vst v7;
	v2 =	vmul.f32 v2, v2  }
0x136: {  	v7 =	vld [tilespmem:s1+$0x2280];
	[tilespmem:s10+$0x6310] =	vst v8;
	v3 =	vmul.f32 v3, v3  }
0x137: {  	v8 =	vld [tilespmem:s1+$0x2290];
	[tilespmem:s10+$0x6320] =	vst v2;
	v2 =	vmul.f32 v4, v4  }
0x138: {  	v4 =	vld [tilespmem:s1+$0x22A0];
	[tilespmem:s10+$0x6330] =	vst v3;
	v3 =	vmul.f32 v5, v5  }
0x139: {  	v5 =	vld [tilespmem:s1+$0x22B0];
	[tilespmem:s10+$0x6340] =	vst v2;
	v2 =	vmul.f32 v6, v6  }
0x13a: {  	v6 =	vld [tilespmem:s1+$0x22C0];
	v9 =	vmul.f32 v9, v9;
	[tilespmem:s10+$0x6350] =	vst v3  }
0x13b: {  	v3 =	vmul.f32 v7, v7;
	v7 =	vld [tilespmem:s1+$0x22D0];
	[tilespmem:s10+$0x6360] =	vst v2;
	s10 =	smov.u32 s1  }
0x13c: {  	v2 =	vmul.f32 v8, v8;
	v8 =	vld [tilespmem:s10+$0x22E0];
	[tilespmem:s10+$0x6370] =	vst v9  }
0x13d: {  	[tilespmem:s10+$0x6280] =	vst v3;
	v3 =	vmul.f32 v4, v4;
	v4 =	vld [tilespmem:s10+$0x22F0]  }
0x13e: {  	[tilespmem:s10+$0x6290] =	vst v2;
	v2 =	vmul.f32 v5, v5;
	v5 =	vld [tilespmem:s10+$0x2300]  }
0x13f: {  	[tilespmem:s10+$0x62A0] =	vst v3;
	v3 =	vmul.f32 v6, v6;
	v6 =	vld [tilespmem:s10+$0x2310]  }
.Ltmp10:
0x140: {  	[tilespmem:s10+$0x62B0] =	vst v2;
	v7 =	vmul.f32 v7, v7;
	v2 =	vld [tilespmem:s10+$0x2320];
	(pc) =	sbr.rel @p1 .LBB2_19-.Ltmp10, $4  }
0x141: {  	[tilespmem:s10+$0x62C0] =	vst v3;
	v8 =	vmul.f32 v8, v8;
	v3 =	vld [tilespmem:s10+$0x2330]  }
0x142: {  	[tilespmem:s10+$0x62D0] =	vst v7;
	v9 =	vmul.f32 v4, v4;
	v4 =	vld [tilespmem:s10+$0x2340]  }
0x143: {  	[tilespmem:s10+$0x62E0] =	vst v8;
	v7 =	vmul.f32 v5, v5;
	v5 =	vld [tilespmem:s10+$0x2350]  }
0x144: {  	s1 =	sshra.s32 s28, $0x2;
	s28 =	sadd.s32 $0x400, s28;
	[tilespmem:s10+$0x62F0] =	vst v9;
	v8 =	vmul.f32 v6, v6;
	v6 =	vld [tilespmem:s10+$0x2360]  }
0x145: {  	v9 =	vld [tilespmem:s1+$0x2370];
	[tilespmem:s10+$0x6300] =	vst v7;
	v2 =	vmul.f32 v2, v2  }
0x146: {  	v7 =	vld [tilespmem:s1+$0x2280];
	[tilespmem:s10+$0x6310] =	vst v8;
	v3 =	vmul.f32 v3, v3  }
0x147: {  	v8 =	vld [tilespmem:s1+$0x2290];
	[tilespmem:s10+$0x6320] =	vst v2;
	v4 =	vmul.f32 v4, v4  }
0x148: {  	v2 =	vld [tilespmem:s1+$0x22A0];
	[tilespmem:s10+$0x6330] =	vst v3;
	v5 =	vmul.f32 v5, v5  }
0x149: {  	v3 =	vld [tilespmem:s1+$0x22B0];
	[tilespmem:s10+$0x6340] =	vst v4;
	v6 =	vmul.f32 v6, v6  }
0x14a: {  	v4 =	vld [tilespmem:s1+$0x22C0];
	[tilespmem:s10+$0x6350] =	vst v5;
	v9 =	vmul.f32 v9, v9  }
0x14b: {  	v5 =	vld [tilespmem:s1+$0x22D0];
	[tilespmem:s10+$0x6360] =	vst v6;
	v56 =	vmul.f32 v7, v7  }
0x14c: {  	v57 =	vld [tilespmem:s1+$0x22E0];
	[tilespmem:s1+$0x6370] =	vst v9;
	v8 =	vmul.f32 v8, v8  }
0x14d: {  	v58 =	vld [tilespmem:s1+$0x22F0];
	[tilespmem:s1+$0x6280] =	vst v56;
	v2 =	vmul.f32 v2, v2  }
0x14e: {  	v59 =	vld [tilespmem:s1+$0x2300];
	[tilespmem:s1+$0x6290] =	vst v8;
	v3 =	vmul.f32 v3, v3  }
0x14f: {  	[tilespmem:s1+$0x62A0] =	vst v2;
	v2 =	vld [tilespmem:s1+$0x2310];
	v4 =	vmul.f32 v4, v4  }
0x150: {  	[tilespmem:s1+$0x62B0] =	vst v3;
	v3 =	vld [tilespmem:s1+$0x2320];
	v5 =	vmul.f32 v5, v5  }
0x151: {  	v60 =	vld [tilespmem:s1+$0x2330];
	[tilespmem:s1+$0x62C0] =	vst v4;
	v7 =	vmul.f32 v57, v57  }
0x152: {  	v61 =	vld [tilespmem:s1+$0x2340];
	v6 =	vmul.f32 v58, v58;
	[tilespmem:s1+$0x62D0] =	vst v5  }
0x153: {  	v62 =	vld [tilespmem:s1+$0x2350];
	v8 =	vmul.f32 v59, v59;
	[tilespmem:s1+$0x62E0] =	vst v7  }
0x154: {  	v63 =	vld [tilespmem:s1+$0x2360];
	[tilespmem:s1+$0x62F0] =	vst v6;
	v2 =	vmul.f32 v2, v2  }
0x155: {  	[tilespmem:s1+$0x6300] =	vst v8;
	v3 =	vmul.f32 v3, v3  }
0x156: {  	s31 =	sadd.s32 $0x1, s31;
	[tilespmem:s1+$0x6310] =	vst v2;
	v2 =	vmul.f32 v60, v60  }
0x157: {  	p1 =	sne.s32 s31, $0x4E;
	[tilespmem:s1+$0x6320] =	vst v3;
	v3 =	vmul.f32 v61, v61  }
.Ltmp11:
0x158: {  	[tilespmem:s1+$0x6330] =	vst v2;
	v2 =	vmul.f32 v62, v62;
	(pc) =	sbr.rel @p1 .LBB2_16-.Ltmp11, $4  }
0x159: {  	[tilespmem:s1+$0x6340] =	vst v3;
	v3 =	vmul.f32 v63, v63  }
0x15a: {  	[tilespmem:s1+$0x6350] =	vst v2  }
0x15b: {  	s30 =	simm.s32 $0x6280;
	[tilespmem:s1+$0x6360] =	vst v3  }
0x15c: {  	[spmem:s4] =	stream.indirect.scatter.add.f32 [tilespmem:s30], [sflag:$0x6], $0x40, s9, s15, $0xb8;
	[tilespmem:$0x1E610] =	vst v63  }
0x15d: {  	s1 =	simm.s32 $0x3  }
0x15e: {  	_ =	swait.ge [sflag:s1], $0x2000  }
0x15f: {  	[sflag:s1] =	ssyncset.done $0x0  }
0x160: {  	[sflag:s1] =	ssyncadd.s32 $0xFFFFE000  }
0x161: {  	_ =	swait.ge [sflag:s1], $0x400  }
0x162: {  	[sflag:s1] =	ssyncset.done $0x0  }
0x163: {  	s10 =	simm.s32 $0x4;
	[sflag:s1] =	ssyncadd.s32 $0xFFFFFC00  }
0x164: {  	_ =	swait.ge [sflag:s10], $0x2000  }
0x165: {  	[sflag:s10] =	ssyncset.done $0x0  }
0x166: {  	[sflag:s10] =	ssyncadd.s32 $0xFFFFE000  }
0x167: {  	_ =	swait.ge [sflag:s10], $0x400  }
0x168: {  	[sflag:s10] =	ssyncset.done $0x0  }
0x169: {  	s29 =	simm.s32 $0x5;
	[sflag:s10] =	ssyncadd.s32 $0xFFFFFC00  }
0x16a: {  	_ =	swait.ge [sflag:s29], $0x2000  }
.Ltmp12:
0x16b: {  	[sflag:s29] =	ssyncset.done $0x0;
	(pc) =	sbr.rel @p0 .LBB2_25-.Ltmp12, $4  }
0x16c: {  	s31 =	simm.s32 $0x6;
	[sflag:s29] =	ssyncadd.s32 $0xFFFFE000  }
0x16d: {  	_ =	swait.ge [sflag:s31], $0x2000  }
0x16e: {  	[sflag:s31] =	ssyncset.done $0x0;
	s30 =	rddreg [dreg:$0x8]  }
0x16f: {  	s28 =	rddreg [dreg:$0x1c];
	[sflag:s31] =	ssyncadd.s32 $0xFFFFE000  }
0x170: {  	s1 =	simm.s32 $0x0;
	s9 =	rddreg [dreg:$0x17]  }
0x171: {  	[tilespmem:s1], [sflag:$0x7] =	stream.linear.gather [hbm4b:s9+s1], $0x80, $0x38;
	[tilespmem:$0x1E610] =	vst v63  }
0x172: {  	_ =	swait.ge [sflag:s5], $0x80  }
0x173: {  	[sflag:s5] =	ssyncset.done $0x0  }
0x174: {  	s29 =	rddreg [dreg:$0x18];
	[sflag:s5] =	ssyncadd.s32 $0xFFFFFF80  }
0x175: {  	[tilespmem:s12], [sflag:$0x7] =	stream.linear.gather [hbm4b:s29+s1], $0x40, $0x38;
	[tilespmem:$0x1E610] =	vst v63  }
0x176: {  	_ =	swait.ge [sflag:s5], $0x40  }
0x177: {  	[sflag:s5] =	ssyncset.done $0x0  }
0x178: {  	s31 =	rddreg [dreg:$0x19];
	[sflag:s5] =	ssyncadd.s32 $0xFFFFFFC0  }
0x179: {  	[tilespmem:s16], [sflag:$0x7] =	stream.strided.gather [hbm4b:s31+s13], $0x2000, s15, s13, $0x38;
	[tilespmem:$0x1E610] =	vst v63  }
0x17a: {  	_ =	swait.ge [sflag:s5], $0x2000  }
0x17b: {  	[sflag:s5] =	ssyncset.done $0x0  }
0x17c: {  	s9 =	simm.s32 $0x0;
	[sflag:s5] =	ssyncadd.s32 $0xFFFFE000  }
0x17d: {  	v2 =	vld [tilespmem:s9+$0x370]  }
0x17e: {  	v3 =	vld [tilespmem:s9+$0x280]  }
0x17f: {  	v4 =	vld [tilespmem:s9+$0x290]  }
0x180: {  	v5 =	vld [tilespmem:s9+$0x2A0]  }
0x181: {  	v8 =	vld [tilespmem:s9+$0x2D0]  }
0x182: {  	v6 =	vld [tilespmem:s9+$0x2B0];
	v2 =	vmul.f32 v2, v2  }
0x183: {  	v7 =	vld [tilespmem:s9+$0x2C0];
	v3 =	vmul.f32 v3, v3  }
0x184: {  	v9 =	vld [tilespmem:s9+$0x2E0];
	[tilespmem:s9+$0x4370] =	vst v2;
	v2 =	vmul.f32 v4, v4  }
0x185: {  	v10 =	vld [tilespmem:s9+$0x2F0];
	[tilespmem:s9+$0x4280] =	vst v3;
	v3 =	vmul.f32 v5, v5  }
0x186: {  	v4 =	vmul.f32 v8, v8;
	[tilespmem:s9+$0x4290] =	vst v2  }
0x187: {  	v11 =	vld [tilespmem:s9+$0x300];
	v2 =	vmul.f32 v6, v6;
	[tilespmem:s9+$0x42A0] =	vst v3  }
0x188: {  	v6 =	vld [tilespmem:s9+$0x310];
	v3 =	vmul.f32 v7, v7;
	[tilespmem:s9+$0x42D0] =	vst v4  }
0x189: {  	v5 =	vmul.f32 v9, v9;
	[tilespmem:s9+$0x42B0] =	vst v2;
	v2 =	vld [tilespmem:s9+$0x320]  }
0x18a: {  	v7 =	vmul.f32 v10, v10;
	[tilespmem:s9+$0x42C0] =	vst v3;
	v3 =	vld [tilespmem:s9+$0x330]  }
0x18b: {  	v4 =	vld [tilespmem:s9+$0x340];
	[tilespmem:s9+$0x42E0] =	vst v5  }
0x18c: {  	v5 =	vld [tilespmem:s9+$0x350];
	[tilespmem:s9+$0x42F0] =	vst v7;
	v7 =	vmul.f32 v11, v11  }
0x18d: {  	s10 =	simm.s32 $0x800;
	s1 =	simm.s32 $0x100;
	v8 =	vmul.f32 v6, v6;
	v6 =	vld [tilespmem:s9+$0x360]  }
.LBB2_23:
0x18e: {  	p1 =	sne.s32 s10, $0x7C00;
	v9 =	vld [tilespmem:s1+$0x370];
	[tilespmem:s9+$0x4300] =	vst v7;
	v2 =	vmul.f32 v2, v2  }
0x18f: {  	v7 =	vld [tilespmem:s1+$0x280];
	[tilespmem:s9+$0x4310] =	vst v8;
	v3 =	vmul.f32 v3, v3  }
0x190: {  	v8 =	vld [tilespmem:s1+$0x290];
	[tilespmem:s9+$0x4320] =	vst v2;
	v2 =	vmul.f32 v4, v4  }
0x191: {  	v4 =	vld [tilespmem:s1+$0x2A0];
	[tilespmem:s9+$0x4330] =	vst v3;
	v3 =	vmul.f32 v5, v5  }
0x192: {  	v5 =	vld [tilespmem:s1+$0x2B0];
	[tilespmem:s9+$0x4340] =	vst v2;
	v2 =	vmul.f32 v6, v6  }
0x193: {  	v6 =	vld [tilespmem:s1+$0x2C0];
	v9 =	vmul.f32 v9, v9;
	[tilespmem:s9+$0x4350] =	vst v3  }
0x194: {  	v3 =	vmul.f32 v7, v7;
	v7 =	vld [tilespmem:s1+$0x2D0];
	[tilespmem:s9+$0x4360] =	vst v2;
	s9 =	smov.u32 s1  }
0x195: {  	v2 =	vmul.f32 v8, v8;
	v8 =	vld [tilespmem:s9+$0x2E0];
	[tilespmem:s9+$0x4370] =	vst v9  }
0x196: {  	[tilespmem:s9+$0x4280] =	vst v3;
	v3 =	vmul.f32 v4, v4;
	v4 =	vld [tilespmem:s9+$0x2F0]  }
0x197: {  	[tilespmem:s9+$0x4290] =	vst v2;
	v2 =	vmul.f32 v5, v5;
	v5 =	vld [tilespmem:s9+$0x300]  }
0x198: {  	[tilespmem:s9+$0x42A0] =	vst v3;
	v3 =	vmul.f32 v6, v6;
	v6 =	vld [tilespmem:s9+$0x310]  }
.Ltmp13:
0x199: {  	[tilespmem:s9+$0x42B0] =	vst v2;
	v7 =	vmul.f32 v7, v7;
	v2 =	vld [tilespmem:s9+$0x320];
	(pc) =	sbr.rel @p1 .LBB2_23-.Ltmp13, $4  }
0x19a: {  	[tilespmem:s9+$0x42C0] =	vst v3;
	v8 =	vmul.f32 v8, v8;
	v3 =	vld [tilespmem:s9+$0x330]  }
0x19b: {  	[tilespmem:s9+$0x42D0] =	vst v7;
	v9 =	vmul.f32 v4, v4;
	v4 =	vld [tilespmem:s9+$0x340]  }
0x19c: {  	[tilespmem:s9+$0x42E0] =	vst v8;
	v7 =	vmul.f32 v5, v5;
	v5 =	vld [tilespmem:s9+$0x350]  }
0x19d: {  	s1 =	sshra.s32 s10, $0x2;
	s10 =	sadd.s32 $0x400, s10;
	[tilespmem:s9+$0x42F0] =	vst v9;
	v8 =	vmul.f32 v6, v6;
	v6 =	vld [tilespmem:s9+$0x360]  }
0x19e: {  	v9 =	vld [tilespmem:s1+$0x370];
	[tilespmem:s9+$0x4300] =	vst v7;
	v2 =	vmul.f32 v2, v2  }
0x19f: {  	v7 =	vld [tilespmem:s1+$0x280];
	[tilespmem:s9+$0x4310] =	vst v8;
	v3 =	vmul.f32 v3, v3  }
0x1a0: {  	v8 =	vld [tilespmem:s1+$0x290];
	[tilespmem:s9+$0x4320] =	vst v2;
	v4 =	vmul.f32 v4, v4  }
0x1a1: {  	v2 =	vld [tilespmem:s1+$0x2A0];
	[tilespmem:s9+$0x4330] =	vst v3;
	v5 =	vmul.f32 v5, v5  }
0x1a2: {  	v3 =	vld [tilespmem:s1+$0x2B0];
	[tilespmem:s9+$0x4340] =	vst v4;
	v6 =	vmul.f32 v6, v6  }
0x1a3: {  	v4 =	vld [tilespmem:s1+$0x2C0];
	[tilespmem:s9+$0x4350] =	vst v5;
	v9 =	vmul.f32 v9, v9  }
0x1a4: {  	v5 =	vld [tilespmem:s1+$0x2D0];
	[tilespmem:s9+$0x4360] =	vst v6;
	v56 =	vmul.f32 v7, v7  }
0x1a5: {  	v57 =	vld [tilespmem:s1+$0x2E0];
	[tilespmem:s1+$0x4370] =	vst v9;
	v8 =	vmul.f32 v8, v8  }
0x1a6: {  	v58 =	vld [tilespmem:s1+$0x2F0];
	[tilespmem:s1+$0x4280] =	vst v56;
	v2 =	vmul.f32 v2, v2  }
0x1a7: {  	v59 =	vld [tilespmem:s1+$0x300];
	[tilespmem:s1+$0x4290] =	vst v8;
	v3 =	vmul.f32 v3, v3  }
0x1a8: {  	[tilespmem:s1+$0x42A0] =	vst v2;
	v2 =	vld [tilespmem:s1+$0x310];
	v4 =	vmul.f32 v4, v4  }
0x1a9: {  	[tilespmem:s1+$0x42B0] =	vst v3;
	v3 =	vld [tilespmem:s1+$0x320];
	v5 =	vmul.f32 v5, v5  }
0x1aa: {  	v60 =	vld [tilespmem:s1+$0x330];
	[tilespmem:s1+$0x42C0] =	vst v4;
	v7 =	vmul.f32 v57, v57  }
0x1ab: {  	v61 =	vld [tilespmem:s1+$0x340];
	v6 =	vmul.f32 v58, v58;
	[tilespmem:s1+$0x42D0] =	vst v5  }
0x1ac: {  	v62 =	vld [tilespmem:s1+$0x350];
	v8 =	vmul.f32 v59, v59;
	[tilespmem:s1+$0x42E0] =	vst v7  }
0x1ad: {  	v63 =	vld [tilespmem:s1+$0x360];
	[tilespmem:s1+$0x42F0] =	vst v6;
	v2 =	vmul.f32 v2, v2  }
0x1ae: {  	[tilespmem:s1+$0x4300] =	vst v8;
	v3 =	vmul.f32 v3, v3  }
0x1af: {  	[tilespmem:s1+$0x4310] =	vst v2;
	v2 =	vmul.f32 v60, v60  }
0x1b0: {  	[tilespmem:s1+$0x4320] =	vst v3;
	v3 =	vmul.f32 v61, v61  }
0x1b1: {  	[tilespmem:s1+$0x4330] =	vst v2;
	v2 =	vmul.f32 v62, v62  }
0x1b2: {  	[tilespmem:s1+$0x4340] =	vst v3;
	v3 =	vmul.f32 v63, v63  }
0x1b3: {  	[tilespmem:s1+$0x4350] =	vst v2  }
0x1b4: {  	[tilespmem:s1+$0x4360] =	vst v3  }
0x1b5: {  	[spmem:s3] =	stream.indirect.scatter.add.f32 [tilespmem:s16], [sflag:$0x7], $0x40, s7, s15, $0xb8;
	[tilespmem:$0x1E610] =	vst v63  }
0x1b6: {  	_ =	swait.ge [sflag:s5], $0x2000  }
0x1b7: {  	[sflag:s5] =	ssyncset.done $0x0  }
0x1b8: {  	[sflag:s5] =	ssyncadd.s32 $0xFFFFE000  }
0x1b9: {  	[spmem:s4] =	stream.indirect.scatter.add.f32 [tilespmem:s24], [sflag:$0x7], $0x40, s7, s15, $0xb8;
	[tilespmem:$0x1E610] =	vst v63  }
0x1ba: {  	_ =	swait.ge [sflag:s5], $0x2000  }
0x1bb: {  	[sflag:s5] =	ssyncset.done $0x0  }
.Ltmp14:
0x1bc: {  	[sflag:s5] =	ssyncadd.s32 $0xFFFFE000;
	(pc) =	sbr.rel .LBB2_25-.Ltmp14, $4  }
0x1bd: {  	[spmem:s6] =	stream.indirect.scatter.add.f32 [tilespmem:s22], [sflag:$0x7], $0x10, s12, s13, $0xb8;
	[tilespmem:$0x1E610] =	vst v63  }
0x1be: {  	_ =	swait.ge [sflag:s5], $0x400  }
0x1bf: {  	[sflag:s5] =	ssyncset.done $0x0  }
0x1c0: {  	s28 =	rddreg [dreg:$0x1c];
	[sflag:s5] =	ssyncadd.s32 $0xFFFFFC00  }
.LBB2_26:
0x1c1: {  	_ =	sfence.sel $0x180000  }
0x1c2: {  	[bflag:$0x0] =	sbarrier.arrive $0xFFFF  }
0x1c3: {  	_ =	strace $0x90000047  }
0x1c4: {  	s0 =	stileid.u32;
	[bflag:$0x2] =	sbarrier.arrive $0xFFFF  }
0x1c5: {  	p0 =	sne.s32 s0, $0x0;
	s0 =	rddreg [dreg:$0x7]  }
0x1c6: {  	s0 =	sadd.s32 @!p0 $0x100000, s0  }
0x1c7: {  	[sflag:s0] =	ssyncadd.tile.s32 @!p0 $0x1;
	_ =	shalt  }
.Lfunc_end2:
_tile_overlayer_lowered:
.L_overlay_start_2:
0x1c8: {  	(tag) =	ssettag $0x2  }
0x1c9: {  	s0 =	rddreg [dreg:$0x0];
	s2 =	stileid.u32  }
0x1ca: {  	s1 =	rddreg [dreg:$0x1];
	p0 =	sne.s32 s2, $0x0  }
0x1cb: {  	s3 =	rddreg [dreg:$0x2];
	[bflag:$0x3] =	sbarrier.arrive $0xFFFF;
	s2 =	simm.s32 @!p0 $0x1C07  }
0x1cc: {  	[timem:s3], [sflag:s2] =	dma.local @!p0 [hbm:s0], s1  }
0x1cd: {  	s0 =	simm.s32 @!p0 $0x7  }
0x1ce: {  	_ =	swait.ge @!p0 [sflag:s0], s1  }
0x1cf: {  	s1 =	ssub.s32 @!p0 $0x0, s1;
	[sflag:s0] =	ssyncset.done @!p0 $0x0  }
0x1d0: {  	[sflag:s0] =	ssyncadd.s32 @!p0 s1  }
0x1d1: {  	[bflag:$0x3] =	sbarrier.arrive $0xFFFF  }
0x1d2: {  	_ =	shalt  }

</sc_bundles>
